<compile_context>
chip_gen: v7x
topology: tpu7x:2x2x1
jax: 0.10.2.dev20260603
libtpu: 0.0.44.dev20260713+nightly
codegen_flags: <defaults>
</compile_context>

<pallas_src>
import functools
import math

import jax
import jax.numpy as jnp
from jax import lax
from jax.experimental import pallas as pl
from jax.experimental.pallas import tpu as pltpu
from jax.experimental.pallas import tpu_sc as plsc

_PI = math.pi
_TWO_PI = 2.0 * math.pi


def _frac(x):
    r = lax.rem(x, jnp.float32(1.0))
    return jnp.where(r < 0.0, r + 1.0, r)


def _sqrt16(s):
    bits = plsc.bitcast(s, jnp.int32)
    seed = jnp.int32(0x5F3759DF) - lax.shift_right_logical(bits, 1)
    y = plsc.bitcast(seed, jnp.float32)
    for _ in range(3):
        y = y * (1.5 - 0.5 * s * y * y)
    return s * y


def _make_sc_call(n, d, rows_w, chunk):
    groups = chunk // 16
    n_chunks = rows_w // chunk
    mesh = plsc.VectorSubcoreMesh(core_axis_name="c", subcore_axis_name="s")

    @functools.partial(
        pl.kernel,
        out_type=jax.ShapeDtypeStruct((n, d), jnp.float32),
        mesh=mesh,
        scratch_types=[
            pltpu.VMEM((chunk, d), jnp.float32),
            pltpu.VMEM((chunk, d), jnp.float32),
            pltpu.VMEM((chunk, d), jnp.float32),
            pltpu.VMEM((chunk, d), jnp.float32),
            pltpu.SemaphoreType.DMA,
            pltpu.SemaphoreType.DMA,
            pltpu.SemaphoreType.DMA,
            pltpu.SemaphoreType.DMA,
            pltpu.VMEM((24,), jnp.float32),
            pltpu.VMEM((24,), jnp.float32),
        ],
        compiler_params=pltpu.CompilerParams(needs_layout_passes=False),
    )
    def sc_call(
        noise_hbm,
        means_hbm,
        stds_hbm,
        out_hbm,
        buf0,
        obuf0,
        buf1,
        obuf1,
        isem0,
        isem1,
        osem0,
        osem1,
        mean_b,
        std_b,
    ):
        bufs = (buf0, buf1)
        obufs = (obuf0, obuf1)
        isems = (isem0, isem1)
        osems = (osem0, osem1)
        nc = 2
        w = lax.axis_index("s") * nc + lax.axis_index("c")
        r0 = w * rows_w
        pltpu.sync_copy(means_hbm, mean_b.at[pl.ds(8, d)])
        pltpu.sync_copy(stds_hbm, std_b.at[pl.ds(8, d)])

        iota = lax.iota(jnp.int32, 16)
        cvec = [lax.rem(iota + g, jnp.int32(d)) for g in range(d)]
        mean_v = [plsc.load_gather(mean_b, [cvec[g] + 8]) for g in range(d)]
        std_v = [plsc.load_gather(std_b, [cvec[g] + 8]) for g in range(d)]
        is_len = [cvec[g] < 3 for g in range(d)]
        is_ang = [cvec[g] < 6 for g in range(d)]
        is_pos = [cvec[g] < 9 for g in range(d)]
        is_rot = [cvec[g] >= 9 for g in range(d)]

        def make_group(buf, obuf):
          def group(i, carry):
            rows = i * 16 + iota
            a = [None] * d
            o = [None] * d
            q2 = jnp.full((16,), 1e-30, jnp.float32)
            for g in range(d):
                v = plsc.load_gather(buf, [rows, cvec[g]])
                a[g] = v * std_v[g] + mean_v[g]
                q2 = q2 + jnp.where(is_rot[g], a[g] * a[g], 0.0)
            norm = _sqrt16(q2) + 1e-8
            new_norm = jnp.minimum(jnp.maximum(norm, 0.01), _TWO_PI)
            f = new_norm / norm
            for g in range(d):
                lengths = jnp.maximum(jnp.abs(a[g]), 0.1)
                angles = jnp.minimum(jnp.maximum(a[g], 0.1), _PI - 0.1)
                pos = _frac(a[g])
                o[g] = jnp.where(
                    is_len[g],
                    lengths,
                    jnp.where(
                        is_ang[g],
                        angles,
                        jnp.where(is_pos[g], pos, a[g] * f),
                    ),
                )
                plsc.store_scatter(obuf, [rows, cvec[g]], o[g])
            return carry

          return group

        group_fns = (make_group(bufs[0], obufs[0]), make_group(bufs[1], obufs[1]))

        def in_copy(c):
            c0 = r0 + c * chunk
            return pltpu.make_async_copy(
                noise_hbm.at[pl.ds(c0, chunk)], bufs[c % 2], isems[c % 2]
            )

        def out_copy(c):
            c0 = r0 + c * chunk
            return pltpu.make_async_copy(
                obufs[c % 2], out_hbm.at[pl.ds(c0, chunk)], osems[c % 2]
            )

        in_copy(0).start()
        if n_chunks > 1:
            in_copy(1).start()
        for c in range(n_chunks):
            in_copy(c).wait()
            if c >= 2:
                out_copy(c - 2).wait()
            lax.fori_loop(0, groups, group_fns[c % 2], 0)
            out_copy(c).start()
            if c + 2 < n_chunks:
                in_copy(c + 2).start()
        for c in range(max(0, n_chunks - 2), n_chunks):
            out_copy(c).wait()

    return sc_call


def kernel(num_samples, noise, sg_ind, means, stds):
    del sg_ind
    n, d = noise.shape
    num_workers = 32
    rows_w = n // num_workers
    sc_call = _make_sc_call(n, d, rows_w, chunk=128)
    return sc_call(noise, means, stds)

# --- scband reference (transcript-rebuilt; emitter-appended) ---
"""Pipeline reference for scband-independent-gaussian-model-14431090114890 (READ-ONLY COPY).

The authoritative reference and input builder live on the scoring server;
editing this copy changes nothing except your own understanding.
"""

import jax, jax.numpy as jnp
import numpy as np

MEANS = np.array([1.0, 1.0, 1.0, 1.5708, 1.5708, 1.5708, 0.5, 0.5, 0.5, 0.0, 0.0, 0.0], dtype=np.float32)
STDS = np.array([0.3, 0.3, 0.3, 0.25, 0.25, 0.25, 0.25, 0.25, 0.25, 1.0, 1.0, 1.0], dtype=np.float32)


def setup_inputs(seed: int = 0) -> dict:
    key = jax.random.key(seed)
    k1, k2 = jax.random.split(key)
    num_samples = 16384
    noise = jax.random.normal(k1, (num_samples, 12), dtype=jnp.float32)
    sg_ind = jax.random.randint(k2, (num_samples,), 0, 230, dtype=jnp.int64 if jax.config.read('jax_enable_x64') else jnp.int32)
    means = jnp.asarray(MEANS)
    stds = jnp.asarray(STDS)
    return {"num_samples": num_samples, "noise": noise, "sg_ind": sg_ind, "means": means, "stds": stds}


def _clean_cell_params_hard(samples):
    # mode='hard' cleaning of 12-dim cell parameterization:
    # lengths -> strictly positive; angles -> bounded in (0, pi);
    # fractional centroid -> mod 1 into unit cell; rotation vector norm clipped to (0, 2*pi].
    lengths = jnp.maximum(jnp.abs(samples[:, 0:3]), 0.1)
    angles = jnp.clip(samples[:, 3:6], 0.1, np.pi - 0.1)
    pos = samples[:, 6:9] - jnp.floor(samples[:, 6:9])
    rot = samples[:, 9:12]
    norm = jnp.linalg.norm(rot, axis=-1, keepdims=True) + 1e-8
    new_norm = jnp.clip(norm, 0.01, 2.0 * np.pi)
    rot = rot / norm * new_norm
    return jnp.concatenate([lengths, angles, pos, rot], axis=-1)


def reference(num_samples, noise, sg_ind, means, stds):
    # Sample from the diagonal-covariance MultivariateNormal prior via the
    # reparameterization samples = noise * stds + means (cov = diag(stds^2)),
    # then apply hard cell-parameter cleaning (rescale_asymmetric_unit=False,
    # destandardize=False => no further scaling by means/stds afterwards).
    samples = noise * stds[None, :] + means[None, :]
    final_samples = _clean_cell_params_hard(samples)
    return final_samples

if __name__ == "__main__":
    import jax
    _d = setup_inputs()
    print(jax.jit(kernel)(*tuple(_d.values())))

</pallas_src>

<mosaic_0001>
#map = affine_map<(d0, d1) -> (0, 0)>
#map1 = affine_map<(d0, d1) -> (0)>
module attributes {stable_mosaic.version = 14 : i64} {
  func.func @sc_call(%arg0: i32, %arg1: i32, %arg2: memref<16384x12xf32, #tpu.memory_space<hbm>>, %arg3: memref<12xf32, #tpu.memory_space<hbm>>, %arg4: memref<12xf32, #tpu.memory_space<hbm>>, %arg5: memref<16384x12xf32, #tpu.memory_space<hbm>>, %arg6: memref<128x12xf32, #tpu.memory_space<vmem>>, %arg7: memref<128x12xf32, #tpu.memory_space<vmem>>, %arg8: memref<128x12xf32, #tpu.memory_space<vmem>>, %arg9: memref<128x12xf32, #tpu.memory_space<vmem>>, %arg10: memref<!tpu.dma_semaphore, #tpu.memory_space<semaphore_mem>>, %arg11: memref<!tpu.dma_semaphore, #tpu.memory_space<semaphore_mem>>, %arg12: memref<!tpu.dma_semaphore, #tpu.memory_space<semaphore_mem>>, %arg13: memref<!tpu.dma_semaphore, #tpu.memory_space<semaphore_mem>>, %arg14: memref<24xf32, #tpu.memory_space<vmem>>, %arg15: memref<24xf32, #tpu.memory_space<vmem>>) attributes {dimension_semantics = [#tpu.dimension_semantics<core_parallel>, #tpu.dimension_semantics<subcore_parallel>], iteration_bounds = array<i64: 2, 16>, scalar_prefetch = 0 : i64, scratch_operands = 10 : i64, tpu.core_type = #tpu.core_type<sc_vector_subcore>, window_params = [{transform_indices = #map}, {transform_indices = #map1}, {transform_indices = #map1}, {transform_indices = #map}]} {
    %mul3A = arith.constant 2 : i32
    %mul3A_0 = arith.muli %arg1, %mul3A : i32
    %add3A = arith.addi %mul3A_0, %arg0 : i32
    %mul3A_1 = arith.constant 512 : i32
    %mul3A_2 = arith.muli %add3A, %mul3A_1 : i32
    "tpu.region"() ({
      %run_scoped3A = tpu.sem_alloc : memref<!tpu.dma_semaphore, #tpu.memory_space<semaphore_mem>>
      %dma_start3A_428 = arith.constant 8 : i32
      %dma_start3A_429 = tpu.memref_slice %arg14[%dma_start3A_428] : memref<24xf32, #tpu.memory_space<vmem>> -> memref<12xf32, #tpu.memory_space<vmem>>
      %dma_start3A_430 = arith.constant 8 : i32
      %dma_start3A_431 = tpu.memref_slice %arg14[%dma_start3A_430] : memref<24xf32, #tpu.memory_space<vmem>> -> memref<12xf32, #tpu.memory_space<vmem>>
      tpu.enqueue_dma source(%arg3 : memref<12xf32, #tpu.memory_space<hbm>>) target(%dma_start3A_431 : memref<12xf32, #tpu.memory_space<vmem>>) target_semaphore(%run_scoped3A : memref<!tpu.dma_semaphore, #tpu.memory_space<semaphore_mem>>)
      %dma_wait3A_432 = arith.constant 8 : i32
      %dma_wait3A_433 = tpu.memref_slice %arg14[%dma_wait3A_432] : memref<24xf32, #tpu.memory_space<vmem>> -> memref<12xf32, #tpu.memory_space<vmem>>
      %dma_wait3A_434 = arith.constant 8 : i32
      %dma_wait3A_435 = tpu.memref_slice %arg14[%dma_wait3A_434] : memref<24xf32, #tpu.memory_space<vmem>> -> memref<12xf32, #tpu.memory_space<vmem>>
      tpu.wait_dma2 semaphore(%run_scoped3A : memref<!tpu.dma_semaphore, #tpu.memory_space<semaphore_mem>>) src(%arg3 : memref<12xf32, #tpu.memory_space<hbm>>) dst(%dma_wait3A_435 : memref<12xf32, #tpu.memory_space<vmem>>)
      tpu.yield
    }) : () -> ()
    "tpu.region"() ({
      %run_scoped3A = tpu.sem_alloc : memref<!tpu.dma_semaphore, #tpu.memory_space<semaphore_mem>>
      %dma_start3A_428 = arith.constant 8 : i32
      %dma_start3A_429 = tpu.memref_slice %arg15[%dma_start3A_428] : memref<24xf32, #tpu.memory_space<vmem>> -> memref<12xf32, #tpu.memory_space<vmem>>
      %dma_start3A_430 = arith.constant 8 : i32
      %dma_start3A_431 = tpu.memref_slice %arg15[%dma_start3A_430] : memref<24xf32, #tpu.memory_space<vmem>> -> memref<12xf32, #tpu.memory_space<vmem>>
      tpu.enqueue_dma source(%arg4 : memref<12xf32, #tpu.memory_space<hbm>>) target(%dma_start3A_431 : memref<12xf32, #tpu.memory_space<vmem>>) target_semaphore(%run_scoped3A : memref<!tpu.dma_semaphore, #tpu.memory_space<semaphore_mem>>)
      %dma_wait3A_432 = arith.constant 8 : i32
      %dma_wait3A_433 = tpu.memref_slice %arg15[%dma_wait3A_432] : memref<24xf32, #tpu.memory_space<vmem>> -> memref<12xf32, #tpu.memory_space<vmem>>
      %dma_wait3A_434 = arith.constant 8 : i32
      %dma_wait3A_435 = tpu.memref_slice %arg15[%dma_wait3A_434] : memref<24xf32, #tpu.memory_space<vmem>> -> memref<12xf32, #tpu.memory_space<vmem>>
      tpu.wait_dma2 semaphore(%run_scoped3A : memref<!tpu.dma_semaphore, #tpu.memory_space<semaphore_mem>>) src(%arg4 : memref<12xf32, #tpu.memory_space<hbm>>) dst(%dma_wait3A_435 : memref<12xf32, #tpu.memory_space<vmem>>)
      tpu.yield
    }) : () -> ()
    %iota3A = tpu.iota {dimensions = array<i32: 0>} : vector<16xi32>
    %add3A_3 = arith.constant 0 : i32
    %add3A_4 = vector.broadcast %add3A_3 : i32 to vector<16xi32>
    %add3A_5 = arith.addi %iota3A, %add3A_4 : vector<16xi32>
    %rem3A = arith.constant 12 : i32
    %rem3A_6 = vector.broadcast %rem3A : i32 to vector<16xi32>
    %rem3A_7 = arith.remsi %add3A_5, %rem3A_6 : vector<16xi32>
    %add3A_8 = arith.constant 1 : i32
    %add3A_9 = vector.broadcast %add3A_8 : i32 to vector<16xi32>
    %add3A_10 = arith.addi %iota3A, %add3A_9 : vector<16xi32>
    %rem3A_11 = arith.constant 12 : i32
    %rem3A_12 = vector.broadcast %rem3A_11 : i32 to vector<16xi32>
    %rem3A_13 = arith.remsi %add3A_10, %rem3A_12 : vector<16xi32>
    %add3A_14 = arith.constant 2 : i32
    %add3A_15 = vector.broadcast %add3A_14 : i32 to vector<16xi32>
    %add3A_16 = arith.addi %iota3A, %add3A_15 : vector<16xi32>
    %rem3A_17 = arith.constant 12 : i32
    %rem3A_18 = vector.broadcast %rem3A_17 : i32 to vector<16xi32>
    %rem3A_19 = arith.remsi %add3A_16, %rem3A_18 : vector<16xi32>
    %add3A_20 = arith.constant 3 : i32
    %add3A_21 = vector.broadcast %add3A_20 : i32 to vector<16xi32>
    %add3A_22 = arith.addi %iota3A, %add3A_21 : vector<16xi32>
    %rem3A_23 = arith.constant 12 : i32
    %rem3A_24 = vector.broadcast %rem3A_23 : i32 to vector<16xi32>
    %rem3A_25 = arith.remsi %add3A_22, %rem3A_24 : vector<16xi32>
    %add3A_26 = arith.constant 4 : i32
    %add3A_27 = vector.broadcast %add3A_26 : i32 to vector<16xi32>
    %add3A_28 = arith.addi %iota3A, %add3A_27 : vector<16xi32>
    %rem3A_29 = arith.constant 12 : i32
    %rem3A_30 = vector.broadcast %rem3A_29 : i32 to vector<16xi32>
    %rem3A_31 = arith.remsi %add3A_28, %rem3A_30 : vector<16xi32>
    %add3A_32 = arith.constant 5 : i32
    %add3A_33 = vector.broadcast %add3A_32 : i32 to vector<16xi32>
    %add3A_34 = arith.addi %iota3A, %add3A_33 : vector<16xi32>
    %rem3A_35 = arith.constant 12 : i32
    %rem3A_36 = vector.broadcast %rem3A_35 : i32 to vector<16xi32>
    %rem3A_37 = arith.remsi %add3A_34, %rem3A_36 : vector<16xi32>
    %add3A_38 = arith.constant 6 : i32
    %add3A_39 = vector.broadcast %add3A_38 : i32 to vector<16xi32>
    %add3A_40 = arith.addi %iota3A, %add3A_39 : vector<16xi32>
    %rem3A_41 = arith.constant 12 : i32
    %rem3A_42 = vector.broadcast %rem3A_41 : i32 to vector<16xi32>
    %rem3A_43 = arith.remsi %add3A_40, %rem3A_42 : vector<16xi32>
    %add3A_44 = arith.constant 7 : i32
    %add3A_45 = vector.broadcast %add3A_44 : i32 to vector<16xi32>
    %add3A_46 = arith.addi %iota3A, %add3A_45 : vector<16xi32>
    %rem3A_47 = arith.constant 12 : i32
    %rem3A_48 = vector.broadcast %rem3A_47 : i32 to vector<16xi32>
    %rem3A_49 = arith.remsi %add3A_46, %rem3A_48 : vector<16xi32>
    %add3A_50 = arith.constant 8 : i32
    %add3A_51 = vector.broadcast %add3A_50 : i32 to vector<16xi32>
    %add3A_52 = arith.addi %iota3A, %add3A_51 : vector<16xi32>
    %rem3A_53 = arith.constant 12 : i32
    %rem3A_54 = vector.broadcast %rem3A_53 : i32 to vector<16xi32>
    %rem3A_55 = arith.remsi %add3A_52, %rem3A_54 : vector<16xi32>
    %add3A_56 = arith.constant 9 : i32
    %add3A_57 = vector.broadcast %add3A_56 : i32 to vector<16xi32>
    %add3A_58 = arith.addi %iota3A, %add3A_57 : vector<16xi32>
    %rem3A_59 = arith.constant 12 : i32
    %rem3A_60 = vector.broadcast %rem3A_59 : i32 to vector<16xi32>
    %rem3A_61 = arith.remsi %add3A_58, %rem3A_60 : vector<16xi32>
    %add3A_62 = arith.constant 10 : i32
    %add3A_63 = vector.broadcast %add3A_62 : i32 to vector<16xi32>
    %add3A_64 = arith.addi %iota3A, %add3A_63 : vector<16xi32>
    %rem3A_65 = arith.constant 12 : i32
    %rem3A_66 = vector.broadcast %rem3A_65 : i32 to vector<16xi32>
    %rem3A_67 = arith.remsi %add3A_64, %rem3A_66 : vector<16xi32>
    %add3A_68 = arith.constant 11 : i32
    %add3A_69 = vector.broadcast %add3A_68 : i32 to vector<16xi32>
    %add3A_70 = arith.addi %iota3A, %add3A_69 : vector<16xi32>
    %rem3A_71 = arith.constant 12 : i32
    %rem3A_72 = vector.broadcast %rem3A_71 : i32 to vector<16xi32>
    %rem3A_73 = arith.remsi %add3A_70, %rem3A_72 : vector<16xi32>
    %add3A_74 = arith.constant 8 : i32
    %add3A_75 = vector.broadcast %add3A_74 : i32 to vector<16xi32>
    %add3A_76 = arith.addi %rem3A_7, %add3A_75 : vector<16xi32>
    %gather3A = tpu.vector_load_idx %arg14[%add3A_76] : memref<24xf32, #tpu.memory_space<vmem>>[vector<16xi32>], vector<16xf32>,
    %add3A_77 = arith.constant 8 : i32
    %add3A_78 = vector.broadcast %add3A_77 : i32 to vector<16xi32>
    %add3A_79 = arith.addi %rem3A_13, %add3A_78 : vector<16xi32>
    %gather3A_80 = tpu.vector_load_idx %arg14[%add3A_79] : memref<24xf32, #tpu.memory_space<vmem>>[vector<16xi32>], vector<16xf32>,
    %add3A_81 = arith.constant 8 : i32
    %add3A_82 = vector.broadcast %add3A_81 : i32 to vector<16xi32>
    %add3A_83 = arith.addi %rem3A_19, %add3A_82 : vector<16xi32>
    %gather3A_84 = tpu.vector_load_idx %arg14[%add3A_83] : memref<24xf32, #tpu.memory_space<vmem>>[vector<16xi32>], vector<16xf32>,
    %add3A_85 = arith.constant 8 : i32
    %add3A_86 = vector.broadcast %add3A_85 : i32 to vector<16xi32>
    %add3A_87 = arith.addi %rem3A_25, %add3A_86 : vector<16xi32>
    %gather3A_88 = tpu.vector_load_idx %arg14[%add3A_87] : memref<24xf32, #tpu.memory_space<vmem>>[vector<16xi32>], vector<16xf32>,
    %add3A_89 = arith.constant 8 : i32
    %add3A_90 = vector.broadcast %add3A_89 : i32 to vector<16xi32>
    %add3A_91 = arith.addi %rem3A_31, %add3A_90 : vector<16xi32>
    %gather3A_92 = tpu.vector_load_idx %arg14[%add3A_91] : memref<24xf32, #tpu.memory_space<vmem>>[vector<16xi32>], vector<16xf32>,
    %add3A_93 = arith.constant 8 : i32
    %add3A_94 = vector.broadcast %add3A_93 : i32 to vector<16xi32>
    %add3A_95 = arith.addi %rem3A_37, %add3A_94 : vector<16xi32>
    %gather3A_96 = tpu.vector_load_idx %arg14[%add3A_95] : memref<24xf32, #tpu.memory_space<vmem>>[vector<16xi32>], vector<16xf32>,
    %add3A_97 = arith.constant 8 : i32
    %add3A_98 = vector.broadcast %add3A_97 : i32 to vector<16xi32>
    %add3A_99 = arith.addi %rem3A_43, %add3A_98 : vector<16xi32>
    %gather3A_100 = tpu.vector_load_idx %arg14[%add3A_99] : memref<24xf32, #tpu.memory_space<vmem>>[vector<16xi32>], vector<16xf32>,
    %add3A_101 = arith.constant 8 : i32
    %add3A_102 = vector.broadcast %add3A_101 : i32 to vector<16xi32>
    %add3A_103 = arith.addi %rem3A_49, %add3A_102 : vector<16xi32>
    %gather3A_104 = tpu.vector_load_idx %arg14[%add3A_103] : memref<24xf32, #tpu.memory_space<vmem>>[vector<16xi32>], vector<16xf32>,
    %add3A_105 = arith.constant 8 : i32
    %add3A_106 = vector.broadcast %add3A_105 : i32 to vector<16xi32>
    %add3A_107 = arith.addi %rem3A_55, %add3A_106 : vector<16xi32>
    %gather3A_108 = tpu.vector_load_idx %arg14[%add3A_107] : memref<24xf32, #tpu.memory_space<vmem>>[vector<16xi32>], vector<16xf32>,
    %add3A_109 = arith.constant 8 : i32
    %add3A_110 = vector.broadcast %add3A_109 : i32 to vector<16xi32>
    %add3A_111 = arith.addi %rem3A_61, %add3A_110 : vector<16xi32>
    %gather3A_112 = tpu.vector_load_idx %arg14[%add3A_111] : memref<24xf32, #tpu.memory_space<vmem>>[vector<16xi32>], vector<16xf32>,
    %add3A_113 = arith.constant 8 : i32
    %add3A_114 = vector.broadcast %add3A_113 : i32 to vector<16xi32>
    %add3A_115 = arith.addi %rem3A_67, %add3A_114 : vector<16xi32>
    %gather3A_116 = tpu.vector_load_idx %arg14[%add3A_115] : memref<24xf32, #tpu.memory_space<vmem>>[vector<16xi32>], vector<16xf32>,
    %add3A_117 = arith.constant 8 : i32
    %add3A_118 = vector.broadcast %add3A_117 : i32 to vector<16xi32>
    %add3A_119 = arith.addi %rem3A_73, %add3A_118 : vector<16xi32>
    %gather3A_120 = tpu.vector_load_idx %arg14[%add3A_119] : memref<24xf32, #tpu.memory_space<vmem>>[vector<16xi32>], vector<16xf32>,
    %add3A_121 = arith.constant 8 : i32
    %add3A_122 = vector.broadcast %add3A_121 : i32 to vector<16xi32>
    %add3A_123 = arith.addi %rem3A_7, %add3A_122 : vector<16xi32>
    %gather3A_124 = tpu.vector_load_idx %arg15[%add3A_123] : memref<24xf32, #tpu.memory_space<vmem>>[vector<16xi32>], vector<16xf32>,
    %add3A_125 = arith.constant 8 : i32
    %add3A_126 = vector.broadcast %add3A_125 : i32 to vector<16xi32>
    %add3A_127 = arith.addi %rem3A_13, %add3A_126 : vector<16xi32>
    %gather3A_128 = tpu.vector_load_idx %arg15[%add3A_127] : memref<24xf32, #tpu.memory_space<vmem>>[vector<16xi32>], vector<16xf32>,
    %add3A_129 = arith.constant 8 : i32
    %add3A_130 = vector.broadcast %add3A_129 : i32 to vector<16xi32>
    %add3A_131 = arith.addi %rem3A_19, %add3A_130 : vector<16xi32>
    %gather3A_132 = tpu.vector_load_idx %arg15[%add3A_131] : memref<24xf32, #tpu.memory_space<vmem>>[vector<16xi32>], vector<16xf32>,
    %add3A_133 = arith.constant 8 : i32
    %add3A_134 = vector.broadcast %add3A_133 : i32 to vector<16xi32>
    %add3A_135 = arith.addi %rem3A_25, %add3A_134 : vector<16xi32>
    %gather3A_136 = tpu.vector_load_idx %arg15[%add3A_135] : memref<24xf32, #tpu.memory_space<vmem>>[vector<16xi32>], vector<16xf32>,
    %add3A_137 = arith.constant 8 : i32
    %add3A_138 = vector.broadcast %add3A_137 : i32 to vector<16xi32>
    %add3A_139 = arith.addi %rem3A_31, %add3A_138 : vector<16xi32>
    %gather3A_140 = tpu.vector_load_idx %arg15[%add3A_139] : memref<24xf32, #tpu.memory_space<vmem>>[vector<16xi32>], vector<16xf32>,
    %add3A_141 = arith.constant 8 : i32
    %add3A_142 = vector.broadcast %add3A_141 : i32 to vector<16xi32>
    %add3A_143 = arith.addi %rem3A_37, %add3A_142 : vector<16xi32>
    %gather3A_144 = tpu.vector_load_idx %arg15[%add3A_143] : memref<24xf32, #tpu.memory_space<vmem>>[vector<16xi32>], vector<16xf32>,
    %add3A_145 = arith.constant 8 : i32
    %add3A_146 = vector.broadcast %add3A_145 : i32 to vector<16xi32>
    %add3A_147 = arith.addi %rem3A_43, %add3A_146 : vector<16xi32>
    %gather3A_148 = tpu.vector_load_idx %arg15[%add3A_147] : memref<24xf32, #tpu.memory_space<vmem>>[vector<16xi32>], vector<16xf32>,
    %add3A_149 = arith.constant 8 : i32
    %add3A_150 = vector.broadcast %add3A_149 : i32 to vector<16xi32>
    %add3A_151 = arith.addi %rem3A_49, %add3A_150 : vector<16xi32>
    %gather3A_152 = tpu.vector_load_idx %arg15[%add3A_151] : memref<24xf32, #tpu.memory_space<vmem>>[vector<16xi32>], vector<16xf32>,
    %add3A_153 = arith.constant 8 : i32
    %add3A_154 = vector.broadcast %add3A_153 : i32 to vector<16xi32>
    %add3A_155 = arith.addi %rem3A_55, %add3A_154 : vector<16xi32>
    %gather3A_156 = tpu.vector_load_idx %arg15[%add3A_155] : memref<24xf32, #tpu.memory_space<vmem>>[vector<16xi32>], vector<16xf32>,
    %add3A_157 = arith.constant 8 : i32
    %add3A_158 = vector.broadcast %add3A_157 : i32 to vector<16xi32>
    %add3A_159 = arith.addi %rem3A_61, %add3A_158 : vector<16xi32>
    %gather3A_160 = tpu.vector_load_idx %arg15[%add3A_159] : memref<24xf32, #tpu.memory_space<vmem>>[vector<16xi32>], vector<16xf32>,
    %add3A_161 = arith.constant 8 : i32
    %add3A_162 = vector.broadcast %add3A_161 : i32 to vector<16xi32>
    %add3A_163 = arith.addi %rem3A_67, %add3A_162 : vector<16xi32>
    %gather3A_164 = tpu.vector_load_idx %arg15[%add3A_163] : memref<24xf32, #tpu.memory_space<vmem>>[vector<16xi32>], vector<16xf32>,
    %add3A_165 = arith.constant 8 : i32
    %add3A_166 = vector.broadcast %add3A_165 : i32 to vector<16xi32>
    %add3A_167 = arith.addi %rem3A_73, %add3A_166 : vector<16xi32>
    %gather3A_168 = tpu.vector_load_idx %arg15[%add3A_167] : memref<24xf32, #tpu.memory_space<vmem>>[vector<16xi32>], vector<16xf32>,
    %lt3A = arith.constant 3 : i32
    %lt3A_169 = vector.broadcast %lt3A : i32 to vector<16xi32>
    %lt3A_170 = arith.cmpi slt, %rem3A_7, %lt3A_169 : vector<16xi32>
    %lt3A_171 = arith.constant 3 : i32
    %lt3A_172 = vector.broadcast %lt3A_171 : i32 to vector<16xi32>
    %lt3A_173 = arith.cmpi slt, %rem3A_13, %lt3A_172 : vector<16xi32>
    %lt3A_174 = arith.constant 3 : i32
    %lt3A_175 = vector.broadcast %lt3A_174 : i32 to vector<16xi32>
    %lt3A_176 = arith.cmpi slt, %rem3A_19, %lt3A_175 : vector<16xi32>
    %lt3A_177 = arith.constant 3 : i32
    %lt3A_178 = vector.broadcast %lt3A_177 : i32 to vector<16xi32>
    %lt3A_179 = arith.cmpi slt, %rem3A_25, %lt3A_178 : vector<16xi32>
    %lt3A_180 = arith.constant 3 : i32
    %lt3A_181 = vector.broadcast %lt3A_180 : i32 to vector<16xi32>
    %lt3A_182 = arith.cmpi slt, %rem3A_31, %lt3A_181 : vector<16xi32>
    %lt3A_183 = arith.constant 3 : i32
    %lt3A_184 = vector.broadcast %lt3A_183 : i32 to vector<16xi32>
    %lt3A_185 = arith.cmpi slt, %rem3A_37, %lt3A_184 : vector<16xi32>
    %lt3A_186 = arith.constant 3 : i32
    %lt3A_187 = vector.broadcast %lt3A_186 : i32 to vector<16xi32>
    %lt3A_188 = arith.cmpi slt, %rem3A_43, %lt3A_187 : vector<16xi32>
    %lt3A_189 = arith.constant 3 : i32
    %lt3A_190 = vector.broadcast %lt3A_189 : i32 to vector<16xi32>
    %lt3A_191 = arith.cmpi slt, %rem3A_49, %lt3A_190 : vector<16xi32>
    %lt3A_192 = arith.constant 3 : i32
    %lt3A_193 = vector.broadcast %lt3A_192 : i32 to vector<16xi32>
    %lt3A_194 = arith.cmpi slt, %rem3A_55, %lt3A_193 : vector<16xi32>
    %lt3A_195 = arith.constant 3 : i32
    %lt3A_196 = vector.broadcast %lt3A_195 : i32 to vector<16xi32>
    %lt3A_197 = arith.cmpi slt, %rem3A_61, %lt3A_196 : vector<16xi32>
    %lt3A_198 = arith.constant 3 : i32
    %lt3A_199 = vector.broadcast %lt3A_198 : i32 to vector<16xi32>
    %lt3A_200 = arith.cmpi slt, %rem3A_67, %lt3A_199 : vector<16xi32>
    %lt3A_201 = arith.constant 3 : i32
    %lt3A_202 = vector.broadcast %lt3A_201 : i32 to vector<16xi32>
    %lt3A_203 = arith.cmpi slt, %rem3A_73, %lt3A_202 : vector<16xi32>
    %lt3A_204 = arith.constant 6 : i32
    %lt3A_205 = vector.broadcast %lt3A_204 : i32 to vector<16xi32>
    %lt3A_206 = arith.cmpi slt, %rem3A_7, %lt3A_205 : vector<16xi32>
    %lt3A_207 = arith.constant 6 : i32
    %lt3A_208 = vector.broadcast %lt3A_207 : i32 to vector<16xi32>
    %lt3A_209 = arith.cmpi slt, %rem3A_13, %lt3A_208 : vector<16xi32>
    %lt3A_210 = arith.constant 6 : i32
    %lt3A_211 = vector.broadcast %lt3A_210 : i32 to vector<16xi32>
    %lt3A_212 = arith.cmpi slt, %rem3A_19, %lt3A_211 : vector<16xi32>
    %lt3A_213 = arith.constant 6 : i32
    %lt3A_214 = vector.broadcast %lt3A_213 : i32 to vector<16xi32>
    %lt3A_215 = arith.cmpi slt, %rem3A_25, %lt3A_214 : vector<16xi32>
    %lt3A_216 = arith.constant 6 : i32
    %lt3A_217 = vector.broadcast %lt3A_216 : i32 to vector<16xi32>
    %lt3A_218 = arith.cmpi slt, %rem3A_31, %lt3A_217 : vector<16xi32>
    %lt3A_219 = arith.constant 6 : i32
    %lt3A_220 = vector.broadcast %lt3A_219 : i32 to vector<16xi32>
    %lt3A_221 = arith.cmpi slt, %rem3A_37, %lt3A_220 : vector<16xi32>
    %lt3A_222 = arith.constant 6 : i32
    %lt3A_223 = vector.broadcast %lt3A_222 : i32 to vector<16xi32>
    %lt3A_224 = arith.cmpi slt, %rem3A_43, %lt3A_223 : vector<16xi32>
    %lt3A_225 = arith.constant 6 : i32
    %lt3A_226 = vector.broadcast %lt3A_225 : i32 to vector<16xi32>
    %lt3A_227 = arith.cmpi slt, %rem3A_49, %lt3A_226 : vector<16xi32>
    %lt3A_228 = arith.constant 6 : i32
    %lt3A_229 = vector.broadcast %lt3A_228 : i32 to vector<16xi32>
    %lt3A_230 = arith.cmpi slt, %rem3A_55, %lt3A_229 : vector<16xi32>
    %lt3A_231 = arith.constant 6 : i32
    %lt3A_232 = vector.broadcast %lt3A_231 : i32 to vector<16xi32>
    %lt3A_233 = arith.cmpi slt, %rem3A_61, %lt3A_232 : vector<16xi32>
    %lt3A_234 = arith.constant 6 : i32
    %lt3A_235 = vector.broadcast %lt3A_234 : i32 to vector<16xi32>
    %lt3A_236 = arith.cmpi slt, %rem3A_67, %lt3A_235 : vector<16xi32>
    %lt3A_237 = arith.constant 6 : i32
    %lt3A_238 = vector.broadcast %lt3A_237 : i32 to vector<16xi32>
    %lt3A_239 = arith.cmpi slt, %rem3A_73, %lt3A_238 : vector<16xi32>
    %lt3A_240 = arith.constant 9 : i32
    %lt3A_241 = vector.broadcast %lt3A_240 : i32 to vector<16xi32>
    %lt3A_242 = arith.cmpi slt, %rem3A_7, %lt3A_241 : vector<16xi32>
    %lt3A_243 = arith.constant 9 : i32
    %lt3A_244 = vector.broadcast %lt3A_243 : i32 to vector<16xi32>
    %lt3A_245 = arith.cmpi slt, %rem3A_13, %lt3A_244 : vector<16xi32>
    %lt3A_246 = arith.constant 9 : i32
    %lt3A_247 = vector.broadcast %lt3A_246 : i32 to vector<16xi32>
    %lt3A_248 = arith.cmpi slt, %rem3A_19, %lt3A_247 : vector<16xi32>
    %lt3A_249 = arith.constant 9 : i32
    %lt3A_250 = vector.broadcast %lt3A_249 : i32 to vector<16xi32>
    %lt3A_251 = arith.cmpi slt, %rem3A_25, %lt3A_250 : vector<16xi32>
    %lt3A_252 = arith.constant 9 : i32
    %lt3A_253 = vector.broadcast %lt3A_252 : i32 to vector<16xi32>
    %lt3A_254 = arith.cmpi slt, %rem3A_31, %lt3A_253 : vector<16xi32>
    %lt3A_255 = arith.constant 9 : i32
    %lt3A_256 = vector.broadcast %lt3A_255 : i32 to vector<16xi32>
    %lt3A_257 = arith.cmpi slt, %rem3A_37, %lt3A_256 : vector<16xi32>
    %lt3A_258 = arith.constant 9 : i32
    %lt3A_259 = vector.broadcast %lt3A_258 : i32 to vector<16xi32>
    %lt3A_260 = arith.cmpi slt, %rem3A_43, %lt3A_259 : vector<16xi32>
    %lt3A_261 = arith.constant 9 : i32
    %lt3A_262 = vector.broadcast %lt3A_261 : i32 to vector<16xi32>
    %lt3A_263 = arith.cmpi slt, %rem3A_49, %lt3A_262 : vector<16xi32>
    %lt3A_264 = arith.constant 9 : i32
    %lt3A_265 = vector.broadcast %lt3A_264 : i32 to vector<16xi32>
    %lt3A_266 = arith.cmpi slt, %rem3A_55, %lt3A_265 : vector<16xi32>
    %lt3A_267 = arith.constant 9 : i32
    %lt3A_268 = vector.broadcast %lt3A_267 : i32 to vector<16xi32>
    %lt3A_269 = arith.cmpi slt, %rem3A_61, %lt3A_268 : vector<16xi32>
    %lt3A_270 = arith.constant 9 : i32
    %lt3A_271 = vector.broadcast %lt3A_270 : i32 to vector<16xi32>
    %lt3A_272 = arith.cmpi slt, %rem3A_67, %lt3A_271 : vector<16xi32>
    %lt3A_273 = arith.constant 9 : i32
    %lt3A_274 = vector.broadcast %lt3A_273 : i32 to vector<16xi32>
    %lt3A_275 = arith.cmpi slt, %rem3A_73, %lt3A_274 : vector<16xi32>
    %ge3A = arith.constant 9 : i32
    %ge3A_276 = vector.broadcast %ge3A : i32 to vector<16xi32>
    %ge3A_277 = arith.cmpi sge, %rem3A_7, %ge3A_276 : vector<16xi32>
    %ge3A_278 = arith.constant 9 : i32
    %ge3A_279 = vector.broadcast %ge3A_278 : i32 to vector<16xi32>
    %ge3A_280 = arith.cmpi sge, %rem3A_13, %ge3A_279 : vector<16xi32>
    %ge3A_281 = arith.constant 9 : i32
    %ge3A_282 = vector.broadcast %ge3A_281 : i32 to vector<16xi32>
    %ge3A_283 = arith.cmpi sge, %rem3A_19, %ge3A_282 : vector<16xi32>
    %ge3A_284 = arith.constant 9 : i32
    %ge3A_285 = vector.broadcast %ge3A_284 : i32 to vector<16xi32>
    %ge3A_286 = arith.cmpi sge, %rem3A_25, %ge3A_285 : vector<16xi32>
    %ge3A_287 = arith.constant 9 : i32
    %ge3A_288 = vector.broadcast %ge3A_287 : i32 to vector<16xi32>
    %ge3A_289 = arith.cmpi sge, %rem3A_31, %ge3A_288 : vector<16xi32>
    %ge3A_290 = arith.constant 9 : i32
    %ge3A_291 = vector.broadcast %ge3A_290 : i32 to vector<16xi32>
    %ge3A_292 = arith.cmpi sge, %rem3A_37, %ge3A_291 : vector<16xi32>
    %ge3A_293 = arith.constant 9 : i32
    %ge3A_294 = vector.broadcast %ge3A_293 : i32 to vector<16xi32>
    %ge3A_295 = arith.cmpi sge, %rem3A_43, %ge3A_294 : vector<16xi32>
    %ge3A_296 = arith.constant 9 : i32
    %ge3A_297 = vector.broadcast %ge3A_296 : i32 to vector<16xi32>
    %ge3A_298 = arith.cmpi sge, %rem3A_49, %ge3A_297 : vector<16xi32>
    %ge3A_299 = arith.constant 9 : i32
    %ge3A_300 = vector.broadcast %ge3A_299 : i32 to vector<16xi32>
    %ge3A_301 = arith.cmpi sge, %rem3A_55, %ge3A_300 : vector<16xi32>
    %ge3A_302 = arith.constant 9 : i32
    %ge3A_303 = vector.broadcast %ge3A_302 : i32 to vector<16xi32>
    %ge3A_304 = arith.cmpi sge, %rem3A_61, %ge3A_303 : vector<16xi32>
    %ge3A_305 = arith.constant 9 : i32
    %ge3A_306 = vector.broadcast %ge3A_305 : i32 to vector<16xi32>
    %ge3A_307 = arith.cmpi sge, %rem3A_67, %ge3A_306 : vector<16xi32>
    %ge3A_308 = arith.constant 9 : i32
    %ge3A_309 = vector.broadcast %ge3A_308 : i32 to vector<16xi32>
    %ge3A_310 = arith.cmpi sge, %rem3A_73, %ge3A_309 : vector<16xi32>
    %add3A_311 = arith.constant 0 : i32
    %add3A_312 = arith.addi %mul3A_2, %add3A_311 : i32
    %dma_start3A = arith.constant 0 : i32
    %dma_start3A_313 = tpu.memref_slice %arg2[%add3A_312, %dma_start3A] : memref<16384x12xf32, #tpu.memory_space<hbm>> -> memref<128x12xf32, #tpu.memory_space<hbm>>
    %dma_start3A_314 = arith.constant 0 : i32
    %dma_start3A_315 = tpu.memref_slice %arg2[%add3A_312, %dma_start3A_314] : memref<16384x12xf32, #tpu.memory_space<hbm>> -> memref<128x12xf32, #tpu.memory_space<hbm>>
    tpu.enqueue_dma source(%dma_start3A_315 : memref<128x12xf32, #tpu.memory_space<hbm>>) target(%arg6 : memref<128x12xf32, #tpu.memory_space<vmem>>) target_semaphore(%arg10 : memref<!tpu.dma_semaphore, #tpu.memory_space<semaphore_mem>>)
    %add3A_316 = arith.constant 128 : i32
    %add3A_317 = arith.addi %mul3A_2, %add3A_316 : i32
    %dma_start3A_318 = arith.constant 0 : i32
    %dma_start3A_319 = tpu.memref_slice %arg2[%add3A_317, %dma_start3A_318] : memref<16384x12xf32, #tpu.memory_space<hbm>> -> memref<128x12xf32, #tpu.memory_space<hbm>>
    %dma_start3A_320 = arith.constant 0 : i32
    %dma_start3A_321 = tpu.memref_slice %arg2[%add3A_317, %dma_start3A_320] : memref<16384x12xf32, #tpu.memory_space<hbm>> -> memref<128x12xf32, #tpu.memory_space<hbm>>
    tpu.enqueue_dma source(%dma_start3A_321 : memref<128x12xf32, #tpu.memory_space<hbm>>) target(%arg8 : memref<128x12xf32, #tpu.memory_space<vmem>>) target_semaphore(%arg11 : memref<!tpu.dma_semaphore, #tpu.memory_space<semaphore_mem>>)
    %add3A_322 = arith.constant 0 : i32
    %add3A_323 = arith.addi %mul3A_2, %add3A_322 : i32
    %dma_wait3A = arith.constant 0 : i32
    %dma_wait3A_324 = tpu.memref_slice %arg2[%add3A_323, %dma_wait3A] : memref<16384x12xf32, #tpu.memory_space<hbm>> -> memref<128x12xf32, #tpu.memory_space<hbm>>
    %dma_wait3A_325 = arith.constant 0 : i32
    %dma_wait3A_326 = tpu.memref_slice %arg2[%add3A_323, %dma_wait3A_325] : memref<16384x12xf32, #tpu.memory_space<hbm>> -> memref<128x12xf32, #tpu.memory_space<hbm>>
    tpu.wait_dma2 semaphore(%arg10 : memref<!tpu.dma_semaphore, #tpu.memory_space<semaphore_mem>>) src(%dma_wait3A_326 : memref<128x12xf32, #tpu.memory_space<hbm>>) dst(%arg6 : memref<128x12xf32, #tpu.memory_space<vmem>>)
    %scan3A = arith.constant 0 : i32
    %scan3A_327 = arith.constant 0 : i32
    %scan3A_328 = arith.constant 8 : i32
    %scan3A_329 = arith.addi %scan3A_327, %scan3A_328 : i32
    %scan3A_330 = arith.constant 1 : i32
    scf.for %scan3A_428 = %scan3A_327 to %scan3A_329 step %scan3A_330  : i32 {
      %mul3A_429 = arith.constant 16 : i32
      %mul3A_430 = arith.muli %scan3A_428, %mul3A_429 : i32
      %add3A_431 = vector.broadcast %mul3A_430 : i32 to vector<16xi32>
      %add3A_432 = arith.addi %add3A_431, %iota3A : vector<16xi32>
      %broadcast_in_dim3A = arith.constant 1.000000e-30 : f32
      %broadcast_in_dim3A_433 = vector.broadcast %broadcast_in_dim3A : f32 to vector<16xf32>
      %gather3A_434 = tpu.vector_load_idx %arg6[%add3A_432, %rem3A_7] : memref<128x12xf32, #tpu.memory_space<vmem>>[vector<16xi32>, vector<16xi32>], vector<16xf32>,
      %mul3A_435 = arith.mulf %gather3A_434, %gather3A_124 : vector<16xf32>
      %add3A_436 = arith.addf %mul3A_435, %gather3A : vector<16xf32>
      %mul3A_437 = arith.mulf %add3A_436, %add3A_436 : vector<16xf32>
      %jit3A = arith.constant 0.000000e+00 : f32
      %broadcast_in_dim3A_438 = vector.broadcast %jit3A : f32 to vector<16xf32>
      %select_n3A = arith.select %ge3A_277, %mul3A_437, %broadcast_in_dim3A_438 : vector<16xi1>, vector<16xf32>
      %add3A_439 = arith.addf %broadcast_in_dim3A_433, %select_n3A : vector<16xf32>
      %gather3A_440 = tpu.vector_load_idx %arg6[%add3A_432, %rem3A_13] : memref<128x12xf32, #tpu.memory_space<vmem>>[vector<16xi32>, vector<16xi32>], vector<16xf32>,
      %mul3A_441 = arith.mulf %gather3A_440, %gather3A_128 : vector<16xf32>
      %add3A_442 = arith.addf %mul3A_441, %gather3A_80 : vector<16xf32>
      %mul3A_443 = arith.mulf %add3A_442, %add3A_442 : vector<16xf32>
      %jit3A_444 = arith.constant 0.000000e+00 : f32
      %broadcast_in_dim3A_445 = vector.broadcast %jit3A_444 : f32 to vector<16xf32>
      %select_n3A_446 = arith.select %ge3A_280, %mul3A_443, %broadcast_in_dim3A_445 : vector<16xi1>, vector<16xf32>
      %add3A_447 = arith.addf %add3A_439, %select_n3A_446 : vector<16xf32>
      %gather3A_448 = tpu.vector_load_idx %arg6[%add3A_432, %rem3A_19] : memref<128x12xf32, #tpu.memory_space<vmem>>[vector<16xi32>, vector<16xi32>], vector<16xf32>,
      %mul3A_449 = arith.mulf %gather3A_448, %gather3A_132 : vector<16xf32>
      %add3A_450 = arith.addf %mul3A_449, %gather3A_84 : vector<16xf32>
      %mul3A_451 = arith.mulf %add3A_450, %add3A_450 : vector<16xf32>
      %jit3A_452 = arith.constant 0.000000e+00 : f32
      %broadcast_in_dim3A_453 = vector.broadcast %jit3A_452 : f32 to vector<16xf32>
      %select_n3A_454 = arith.select %ge3A_283, %mul3A_451, %broadcast_in_dim3A_453 : vector<16xi1>, vector<16xf32>
      %add3A_455 = arith.addf %add3A_447, %select_n3A_454 : vector<16xf32>
      %gather3A_456 = tpu.vector_load_idx %arg6[%add3A_432, %rem3A_25] : memref<128x12xf32, #tpu.memory_space<vmem>>[vector<16xi32>, vector<16xi32>], vector<16xf32>,
      %mul3A_457 = arith.mulf %gather3A_456, %gather3A_136 : vector<16xf32>
      %add3A_458 = arith.addf %mul3A_457, %gather3A_88 : vector<16xf32>
      %mul3A_459 = arith.mulf %add3A_458, %add3A_458 : vector<16xf32>
      %jit3A_460 = arith.constant 0.000000e+00 : f32
      %broadcast_in_dim3A_461 = vector.broadcast %jit3A_460 : f32 to vector<16xf32>
      %select_n3A_462 = arith.select %ge3A_286, %mul3A_459, %broadcast_in_dim3A_461 : vector<16xi1>, vector<16xf32>
      %add3A_463 = arith.addf %add3A_455, %select_n3A_462 : vector<16xf32>
      %gather3A_464 = tpu.vector_load_idx %arg6[%add3A_432, %rem3A_31] : memref<128x12xf32, #tpu.memory_space<vmem>>[vector<16xi32>, vector<16xi32>], vector<16xf32>,
      %mul3A_465 = arith.mulf %gather3A_464, %gather3A_140 : vector<16xf32>
      %add3A_466 = arith.addf %mul3A_465, %gather3A_92 : vector<16xf32>
      %mul3A_467 = arith.mulf %add3A_466, %add3A_466 : vector<16xf32>
      %jit3A_468 = arith.constant 0.000000e+00 : f32
      %broadcast_in_dim3A_469 = vector.broadcast %jit3A_468 : f32 to vector<16xf32>
      %select_n3A_470 = arith.select %ge3A_289, %mul3A_467, %broadcast_in_dim3A_469 : vector<16xi1>, vector<16xf32>
      %add3A_471 = arith.addf %add3A_463, %select_n3A_470 : vector<16xf32>
      %gather3A_472 = tpu.vector_load_idx %arg6[%add3A_432, %rem3A_37] : memref<128x12xf32, #tpu.memory_space<vmem>>[vector<16xi32>, vector<16xi32>], vector<16xf32>,
      %mul3A_473 = arith.mulf %gather3A_472, %gather3A_144 : vector<16xf32>
      %add3A_474 = arith.addf %mul3A_473, %gather3A_96 : vector<16xf32>
      %mul3A_475 = arith.mulf %add3A_474, %add3A_474 : vector<16xf32>
      %jit3A_476 = arith.constant 0.000000e+00 : f32
      %broadcast_in_dim3A_477 = vector.broadcast %jit3A_476 : f32 to vector<16xf32>
      %select_n3A_478 = arith.select %ge3A_292, %mul3A_475, %broadcast_in_dim3A_477 : vector<16xi1>, vector<16xf32>
      %add3A_479 = arith.addf %add3A_471, %select_n3A_478 : vector<16xf32>
      %gather3A_480 = tpu.vector_load_idx %arg6[%add3A_432, %rem3A_43] : memref<128x12xf32, #tpu.memory_space<vmem>>[vector<16xi32>, vector<16xi32>], vector<16xf32>,
      %mul3A_481 = arith.mulf %gather3A_480, %gather3A_148 : vector<16xf32>
      %add3A_482 = arith.addf %mul3A_481, %gather3A_100 : vector<16xf32>
      %mul3A_483 = arith.mulf %add3A_482, %add3A_482 : vector<16xf32>
      %jit3A_484 = arith.constant 0.000000e+00 : f32
      %broadcast_in_dim3A_485 = vector.broadcast %jit3A_484 : f32 to vector<16xf32>
      %select_n3A_486 = arith.select %ge3A_295, %mul3A_483, %broadcast_in_dim3A_485 : vector<16xi1>, vector<16xf32>
      %add3A_487 = arith.addf %add3A_479, %select_n3A_486 : vector<16xf32>
      %gather3A_488 = tpu.vector_load_idx %arg6[%add3A_432, %rem3A_49] : memref<128x12xf32, #tpu.memory_space<vmem>>[vector<16xi32>, vector<16xi32>], vector<16xf32>,
      %mul3A_489 = arith.mulf %gather3A_488, %gather3A_152 : vector<16xf32>
      %add3A_490 = arith.addf %mul3A_489, %gather3A_104 : vector<16xf32>
      %mul3A_491 = arith.mulf %add3A_490, %add3A_490 : vector<16xf32>
      %jit3A_492 = arith.constant 0.000000e+00 : f32
      %broadcast_in_dim3A_493 = vector.broadcast %jit3A_492 : f32 to vector<16xf32>
      %select_n3A_494 = arith.select %ge3A_298, %mul3A_491, %broadcast_in_dim3A_493 : vector<16xi1>, vector<16xf32>
      %add3A_495 = arith.addf %add3A_487, %select_n3A_494 : vector<16xf32>
      %gather3A_496 = tpu.vector_load_idx %arg6[%add3A_432, %rem3A_55] : memref<128x12xf32, #tpu.memory_space<vmem>>[vector<16xi32>, vector<16xi32>], vector<16xf32>,
      %mul3A_497 = arith.mulf %gather3A_496, %gather3A_156 : vector<16xf32>
      %add3A_498 = arith.addf %mul3A_497, %gather3A_108 : vector<16xf32>
      %mul3A_499 = arith.mulf %add3A_498, %add3A_498 : vector<16xf32>
      %jit3A_500 = arith.constant 0.000000e+00 : f32
      %broadcast_in_dim3A_501 = vector.broadcast %jit3A_500 : f32 to vector<16xf32>
      %select_n3A_502 = arith.select %ge3A_301, %mul3A_499, %broadcast_in_dim3A_501 : vector<16xi1>, vector<16xf32>
      %add3A_503 = arith.addf %add3A_495, %select_n3A_502 : vector<16xf32>
      %gather3A_504 = tpu.vector_load_idx %arg6[%add3A_432, %rem3A_61] : memref<128x12xf32, #tpu.memory_space<vmem>>[vector<16xi32>, vector<16xi32>], vector<16xf32>,
      %mul3A_505 = arith.mulf %gather3A_504, %gather3A_160 : vector<16xf32>
      %add3A_506 = arith.addf %mul3A_505, %gather3A_112 : vector<16xf32>
      %mul3A_507 = arith.mulf %add3A_506, %add3A_506 : vector<16xf32>
      %jit3A_508 = arith.constant 0.000000e+00 : f32
      %broadcast_in_dim3A_509 = vector.broadcast %jit3A_508 : f32 to vector<16xf32>
      %select_n3A_510 = arith.select %ge3A_304, %mul3A_507, %broadcast_in_dim3A_509 : vector<16xi1>, vector<16xf32>
      %add3A_511 = arith.addf %add3A_503, %select_n3A_510 : vector<16xf32>
      %gather3A_512 = tpu.vector_load_idx %arg6[%add3A_432, %rem3A_67] : memref<128x12xf32, #tpu.memory_space<vmem>>[vector<16xi32>, vector<16xi32>], vector<16xf32>,
      %mul3A_513 = arith.mulf %gather3A_512, %gather3A_164 : vector<16xf32>
      %add3A_514 = arith.addf %mul3A_513, %gather3A_116 : vector<16xf32>
      %mul3A_515 = arith.mulf %add3A_514, %add3A_514 : vector<16xf32>
      %jit3A_516 = arith.constant 0.000000e+00 : f32
      %broadcast_in_dim3A_517 = vector.broadcast %jit3A_516 : f32 to vector<16xf32>
      %select_n3A_518 = arith.select %ge3A_307, %mul3A_515, %broadcast_in_dim3A_517 : vector<16xi1>, vector<16xf32>
      %add3A_519 = arith.addf %add3A_511, %select_n3A_518 : vector<16xf32>
      %gather3A_520 = tpu.vector_load_idx %arg6[%add3A_432, %rem3A_73] : memref<128x12xf32, #tpu.memory_space<vmem>>[vector<16xi32>, vector<16xi32>], vector<16xf32>,
      %mul3A_521 = arith.mulf %gather3A_520, %gather3A_168 : vector<16xf32>
      %add3A_522 = arith.addf %mul3A_521, %gather3A_120 : vector<16xf32>
      %mul3A_523 = arith.mulf %add3A_522, %add3A_522 : vector<16xf32>
      %jit3A_524 = arith.constant 0.000000e+00 : f32
      %broadcast_in_dim3A_525 = vector.broadcast %jit3A_524 : f32 to vector<16xf32>
      %select_n3A_526 = arith.select %ge3A_310, %mul3A_523, %broadcast_in_dim3A_525 : vector<16xi1>, vector<16xf32>
      %add3A_527 = arith.addf %add3A_519, %select_n3A_526 : vector<16xf32>
      %bitcast3A = vector.bitcast %add3A_527 : vector<16xf32> to vector<16xi32>
      %shift_right_logical3A = arith.constant 1 : i32
      %shift_right_logical3A_528 = vector.broadcast %shift_right_logical3A : i32 to vector<16xi32>
      %shift_right_logical3A_529 = arith.shrui %bitcast3A, %shift_right_logical3A_528 : vector<16xi32>
      %sub3A = arith.constant 1597463007 : i32
      %sub3A_530 = vector.broadcast %sub3A : i32 to vector<16xi32>
      %sub3A_531 = arith.subi %sub3A_530, %shift_right_logical3A_529 : vector<16xi32>
      %bitcast3A_532 = vector.bitcast %sub3A_531 : vector<16xi32> to vector<16xf32>
      %mul3A_533 = arith.constant 5.000000e-01 : f32
      %mul3A_534 = vector.broadcast %mul3A_533 : f32 to vector<16xf32>
      %mul3A_535 = arith.mulf %mul3A_534, %add3A_527 : vector<16xf32>
      %mul3A_536 = arith.mulf %mul3A_535, %bitcast3A_532 : vector<16xf32>
      %mul3A_537 = arith.mulf %mul3A_536, %bitcast3A_532 : vector<16xf32>
      %sub3A_538 = arith.constant 1.500000e+00 : f32
      %sub3A_539 = vector.broadcast %sub3A_538 : f32 to vector<16xf32>
      %sub3A_540 = arith.subf %sub3A_539, %mul3A_537 : vector<16xf32>
      %mul3A_541 = arith.mulf %bitcast3A_532, %sub3A_540 : vector<16xf32>
      %mul3A_542 = arith.constant 5.000000e-01 : f32
      %mul3A_543 = vector.broadcast %mul3A_542 : f32 to vector<16xf32>
      %mul3A_544 = arith.mulf %mul3A_543, %add3A_527 : vector<16xf32>
      %mul3A_545 = arith.mulf %mul3A_544, %mul3A_541 : vector<16xf32>
      %mul3A_546 = arith.mulf %mul3A_545, %mul3A_541 : vector<16xf32>
      %sub3A_547 = arith.constant 1.500000e+00 : f32
      %sub3A_548 = vector.broadcast %sub3A_547 : f32 to vector<16xf32>
      %sub3A_549 = arith.subf %sub3A_548, %mul3A_546 : vector<16xf32>
      %mul3A_550 = arith.mulf %mul3A_541, %sub3A_549 : vector<16xf32>
      %mul3A_551 = arith.constant 5.000000e-01 : f32
      %mul3A_552 = vector.broadcast %mul3A_551 : f32 to vector<16xf32>
      %mul3A_553 = arith.mulf %mul3A_552, %add3A_527 : vector<16xf32>
      %mul3A_554 = arith.mulf %mul3A_553, %mul3A_550 : vector<16xf32>
      %mul3A_555 = arith.mulf %mul3A_554, %mul3A_550 : vector<16xf32>
      %sub3A_556 = arith.constant 1.500000e+00 : f32
      %sub3A_557 = vector.broadcast %sub3A_556 : f32 to vector<16xf32>
      %sub3A_558 = arith.subf %sub3A_557, %mul3A_555 : vector<16xf32>
      %mul3A_559 = arith.mulf %mul3A_550, %sub3A_558 : vector<16xf32>
      %mul3A_560 = arith.mulf %add3A_527, %mul3A_559 : vector<16xf32>
      %add3A_561 = arith.constant 9.99999993E-9 : f32
      %add3A_562 = vector.broadcast %add3A_561 : f32 to vector<16xf32>
      %add3A_563 = arith.addf %mul3A_560, %add3A_562 : vector<16xf32>
      %max3A = arith.constant 0.00999999977 : f32
      %max3A_564 = vector.broadcast %max3A : f32 to vector<16xf32>
      %max3A_565 = arith.maximumf %add3A_563, %max3A_564 : vector<16xf32>
      %min3A = arith.constant 6.28318548 : f32
      %min3A_566 = vector.broadcast %min3A : f32 to vector<16xf32>
      %min3A_567 = arith.minimumf %max3A_565, %min3A_566 : vector<16xf32>
      %div3A = arith.divf %min3A_567, %add3A_563 : vector<16xf32>
      %abs3A = math.absf %add3A_436 : vector<16xf32>
      %max3A_568 = arith.constant 1.000000e-01 : f32
      %max3A_569 = vector.broadcast %max3A_568 : f32 to vector<16xf32>
      %max3A_570 = arith.maximumf %abs3A, %max3A_569 : vector<16xf32>
      %max3A_571 = arith.constant 1.000000e-01 : f32
      %max3A_572 = vector.broadcast %max3A_571 : f32 to vector<16xf32>
      %max3A_573 = arith.maximumf %add3A_436, %max3A_572 : vector<16xf32>
      %min3A_574 = arith.constant 3.0415926 : f32
      %min3A_575 = vector.broadcast %min3A_574 : f32 to vector<16xf32>
      %min3A_576 = arith.minimumf %max3A_573, %min3A_575 : vector<16xf32>
      %rem3A_577 = arith.constant 1.000000e+00 : f32
      %rem3A_578 = vector.broadcast %rem3A_577 : f32 to vector<16xf32>
      %rem3A_579 = arith.remf %add3A_436, %rem3A_578 : vector<16xf32>
      %lt3A_580 = arith.constant 0.000000e+00 : f32
      %lt3A_581 = vector.broadcast %lt3A_580 : f32 to vector<16xf32>
      %lt3A_582 = arith.cmpf olt, %rem3A_579, %lt3A_581 : vector<16xf32>
      %add3A_583 = arith.constant 1.000000e+00 : f32
      %add3A_584 = vector.broadcast %add3A_583 : f32 to vector<16xf32>
      %add3A_585 = arith.addf %rem3A_579, %add3A_584 : vector<16xf32>
      %select_n3A_586 = arith.select %lt3A_582, %add3A_585, %rem3A_579 : vector<16xi1>, vector<16xf32>
      %mul3A_587 = arith.mulf %add3A_436, %div3A : vector<16xf32>
      %select_n3A_588 = arith.select %lt3A_242, %select_n3A_586, %mul3A_587 : vector<16xi1>, vector<16xf32>
      %select_n3A_589 = arith.select %lt3A_206, %min3A_576, %select_n3A_588 : vector<16xi1>, vector<16xf32>
      %select_n3A_590 = arith.select %lt3A_170, %max3A_570, %select_n3A_589 : vector<16xi1>, vector<16xf32>
      tpu.vector_store_idx %arg7[%add3A_432, %rem3A_7], %select_n3A_590 : memref<128x12xf32, #tpu.memory_space<vmem>>[vector<16xi32>, vector<16xi32>], vector<16xf32>,
      %abs3A_591 = math.absf %add3A_442 : vector<16xf32>
      %max3A_592 = arith.constant 1.000000e-01 : f32
      %max3A_593 = vector.broadcast %max3A_592 : f32 to vector<16xf32>
      %max3A_594 = arith.maximumf %abs3A_591, %max3A_593 : vector<16xf32>
      %max3A_595 = arith.constant 1.000000e-01 : f32
      %max3A_596 = vector.broadcast %max3A_595 : f32 to vector<16xf32>
      %max3A_597 = arith.maximumf %add3A_442, %max3A_596 : vector<16xf32>
      %min3A_598 = arith.constant 3.0415926 : f32
      %min3A_599 = vector.broadcast %min3A_598 : f32 to vector<16xf32>
      %min3A_600 = arith.minimumf %max3A_597, %min3A_599 : vector<16xf32>
      %rem3A_601 = arith.constant 1.000000e+00 : f32
      %rem3A_602 = vector.broadcast %rem3A_601 : f32 to vector<16xf32>
      %rem3A_603 = arith.remf %add3A_442, %rem3A_602 : vector<16xf32>
      %lt3A_604 = arith.constant 0.000000e+00 : f32
      %lt3A_605 = vector.broadcast %lt3A_604 : f32 to vector<16xf32>
      %lt3A_606 = arith.cmpf olt, %rem3A_603, %lt3A_605 : vector<16xf32>
      %add3A_607 = arith.constant 1.000000e+00 : f32
      %add3A_608 = vector.broadcast %add3A_607 : f32 to vector<16xf32>
      %add3A_609 = arith.addf %rem3A_603, %add3A_608 : vector<16xf32>
      %select_n3A_610 = arith.select %lt3A_606, %add3A_609, %rem3A_603 : vector<16xi1>, vector<16xf32>
      %mul3A_611 = arith.mulf %add3A_442, %div3A : vector<16xf32>
      %select_n3A_612 = arith.select %lt3A_245, %select_n3A_610, %mul3A_611 : vector<16xi1>, vector<16xf32>
      %select_n3A_613 = arith.select %lt3A_209, %min3A_600, %select_n3A_612 : vector<16xi1>, vector<16xf32>
      %select_n3A_614 = arith.select %lt3A_173, %max3A_594, %select_n3A_613 : vector<16xi1>, vector<16xf32>
      tpu.vector_store_idx %arg7[%add3A_432, %rem3A_13], %select_n3A_614 : memref<128x12xf32, #tpu.memory_space<vmem>>[vector<16xi32>, vector<16xi32>], vector<16xf32>,
      %abs3A_615 = math.absf %add3A_450 : vector<16xf32>
      %max3A_616 = arith.constant 1.000000e-01 : f32
      %max3A_617 = vector.broadcast %max3A_616 : f32 to vector<16xf32>
      %max3A_618 = arith.maximumf %abs3A_615, %max3A_617 : vector<16xf32>
      %max3A_619 = arith.constant 1.000000e-01 : f32
      %max3A_620 = vector.broadcast %max3A_619 : f32 to vector<16xf32>
      %max3A_621 = arith.maximumf %add3A_450, %max3A_620 : vector<16xf32>
      %min3A_622 = arith.constant 3.0415926 : f32
      %min3A_623 = vector.broadcast %min3A_622 : f32 to vector<16xf32>
      %min3A_624 = arith.minimumf %max3A_621, %min3A_623 : vector<16xf32>
      %rem3A_625 = arith.constant 1.000000e+00 : f32
      %rem3A_626 = vector.broadcast %rem3A_625 : f32 to vector<16xf32>
      %rem3A_627 = arith.remf %add3A_450, %rem3A_626 : vector<16xf32>
      %lt3A_628 = arith.constant 0.000000e+00 : f32
      %lt3A_629 = vector.broadcast %lt3A_628 : f32 to vector<16xf32>
      %lt3A_630 = arith.cmpf olt, %rem3A_627, %lt3A_629 : vector<16xf32>
      %add3A_631 = arith.constant 1.000000e+00 : f32
      %add3A_632 = vector.broadcast %add3A_631 : f32 to vector<16xf32>
      %add3A_633 = arith.addf %rem3A_627, %add3A_632 : vector<16xf32>
      %select_n3A_634 = arith.select %lt3A_630, %add3A_633, %rem3A_627 : vector<16xi1>, vector<16xf32>
      %mul3A_635 = arith.mulf %add3A_450, %div3A : vector<16xf32>
      %select_n3A_636 = arith.select %lt3A_248, %select_n3A_634, %mul3A_635 : vector<16xi1>, vector<16xf32>
      %select_n3A_637 = arith.select %lt3A_212, %min3A_624, %select_n3A_636 : vector<16xi1>, vector<16xf32>
      %select_n3A_638 = arith.select %lt3A_176, %max3A_618, %select_n3A_637 : vector<16xi1>, vector<16xf32>
      tpu.vector_store_idx %arg7[%add3A_432, %rem3A_19], %select_n3A_638 : memref<128x12xf32, #tpu.memory_space<vmem>>[vector<16xi32>, vector<16xi32>], vector<16xf32>,
      %abs3A_639 = math.absf %add3A_458 : vector<16xf32>
      %max3A_640 = arith.constant 1.000000e-01 : f32
      %max3A_641 = vector.broadcast %max3A_640 : f32 to vector<16xf32>
      %max3A_642 = arith.maximumf %abs3A_639, %max3A_641 : vector<16xf32>
      %max3A_643 = arith.constant 1.000000e-01 : f32
      %max3A_644 = vector.broadcast %max3A_643 : f32 to vector<16xf32>
      %max3A_645 = arith.maximumf %add3A_458, %max3A_644 : vector<16xf32>
      %min3A_646 = arith.constant 3.0415926 : f32
      %min3A_647 = vector.broadcast %min3A_646 : f32 to vector<16xf32>
      %min3A_648 = arith.minimumf %max3A_645, %min3A_647 : vector<16xf32>
      %rem3A_649 = arith.constant 1.000000e+00 : f32
      %rem3A_650 = vector.broadcast %rem3A_649 : f32 to vector<16xf32>
      %rem3A_651 = arith.remf %add3A_458, %rem3A_650 : vector<16xf32>
      %lt3A_652 = arith.constant 0.000000e+00 : f32
      %lt3A_653 = vector.broadcast %lt3A_652 : f32 to vector<16xf32>
      %lt3A_654 = arith.cmpf olt, %rem3A_651, %lt3A_653 : vector<16xf32>
      %add3A_655 = arith.constant 1.000000e+00 : f32
      %add3A_656 = vector.broadcast %add3A_655 : f32 to vector<16xf32>
      %add3A_657 = arith.addf %rem3A_651, %add3A_656 : vector<16xf32>
      %select_n3A_658 = arith.select %lt3A_654, %add3A_657, %rem3A_651 : vector<16xi1>, vector<16xf32>
      %mul3A_659 = arith.mulf %add3A_458, %div3A : vector<16xf32>
      %select_n3A_660 = arith.select %lt3A_251, %select_n3A_658, %mul3A_659 : vector<16xi1>, vector<16xf32>
      %select_n3A_661 = arith.select %lt3A_215, %min3A_648, %select_n3A_660 : vector<16xi1>, vector<16xf32>
      %select_n3A_662 = arith.select %lt3A_179, %max3A_642, %select_n3A_661 : vector<16xi1>, vector<16xf32>
      tpu.vector_store_idx %arg7[%add3A_432, %rem3A_25], %select_n3A_662 : memref<128x12xf32, #tpu.memory_space<vmem>>[vector<16xi32>, vector<16xi32>], vector<16xf32>,
      %abs3A_663 = math.absf %add3A_466 : vector<16xf32>
      %max3A_664 = arith.constant 1.000000e-01 : f32
      %max3A_665 = vector.broadcast %max3A_664 : f32 to vector<16xf32>
      %max3A_666 = arith.maximumf %abs3A_663, %max3A_665 : vector<16xf32>
      %max3A_667 = arith.constant 1.000000e-01 : f32
      %max3A_668 = vector.broadcast %max3A_667 : f32 to vector<16xf32>
      %max3A_669 = arith.maximumf %add3A_466, %max3A_668 : vector<16xf32>
      %min3A_670 = arith.constant 3.0415926 : f32
      %min3A_671 = vector.broadcast %min3A_670 : f32 to vector<16xf32>
      %min3A_672 = arith.minimumf %max3A_669, %min3A_671 : vector<16xf32>
      %rem3A_673 = arith.constant 1.000000e+00 : f32
      %rem3A_674 = vector.broadcast %rem3A_673 : f32 to vector<16xf32>
      %rem3A_675 = arith.remf %add3A_466, %rem3A_674 : vector<16xf32>
      %lt3A_676 = arith.constant 0.000000e+00 : f32
      %lt3A_677 = vector.broadcast %lt3A_676 : f32 to vector<16xf32>
      %lt3A_678 = arith.cmpf olt, %rem3A_675, %lt3A_677 : vector<16xf32>
      %add3A_679 = arith.constant 1.000000e+00 : f32
      %add3A_680 = vector.broadcast %add3A_679 : f32 to vector<16xf32>
      %add3A_681 = arith.addf %rem3A_675, %add3A_680 : vector<16xf32>
      %select_n3A_682 = arith.select %lt3A_678, %add3A_681, %rem3A_675 : vector<16xi1>, vector<16xf32>
      %mul3A_683 = arith.mulf %add3A_466, %div3A : vector<16xf32>
      %select_n3A_684 = arith.select %lt3A_254, %select_n3A_682, %mul3A_683 : vector<16xi1>, vector<16xf32>
      %select_n3A_685 = arith.select %lt3A_218, %min3A_672, %select_n3A_684 : vector<16xi1>, vector<16xf32>
      %select_n3A_686 = arith.select %lt3A_182, %max3A_666, %select_n3A_685 : vector<16xi1>, vector<16xf32>
      tpu.vector_store_idx %arg7[%add3A_432, %rem3A_31], %select_n3A_686 : memref<128x12xf32, #tpu.memory_space<vmem>>[vector<16xi32>, vector<16xi32>], vector<16xf32>,
      %abs3A_687 = math.absf %add3A_474 : vector<16xf32>
      %max3A_688 = arith.constant 1.000000e-01 : f32
      %max3A_689 = vector.broadcast %max3A_688 : f32 to vector<16xf32>
      %max3A_690 = arith.maximumf %abs3A_687, %max3A_689 : vector<16xf32>
      %max3A_691 = arith.constant 1.000000e-01 : f32
      %max3A_692 = vector.broadcast %max3A_691 : f32 to vector<16xf32>
      %max3A_693 = arith.maximumf %add3A_474, %max3A_692 : vector<16xf32>
      %min3A_694 = arith.constant 3.0415926 : f32
      %min3A_695 = vector.broadcast %min3A_694 : f32 to vector<16xf32>
      %min3A_696 = arith.minimumf %max3A_693, %min3A_695 : vector<16xf32>
      %rem3A_697 = arith.constant 1.000000e+00 : f32
      %rem3A_698 = vector.broadcast %rem3A_697 : f32 to vector<16xf32>
      %rem3A_699 = arith.remf %add3A_474, %rem3A_698 : vector<16xf32>
      %lt3A_700 = arith.constant 0.000000e+00 : f32
      %lt3A_701 = vector.broadcast %lt3A_700 : f32 to vector<16xf32>
      %lt3A_702 = arith.cmpf olt, %rem3A_699, %lt3A_701 : vector<16xf32>
      %add3A_703 = arith.constant 1.000000e+00 : f32
      %add3A_704 = vector.broadcast %add3A_703 : f32 to vector<16xf32>
      %add3A_705 = arith.addf %rem3A_699, %add3A_704 : vector<16xf32>
      %select_n3A_706 = arith.select %lt3A_702, %add3A_705, %rem3A_699 : vector<16xi1>, vector<16xf32>
      %mul3A_707 = arith.mulf %add3A_474, %div3A : vector<16xf32>
      %select_n3A_708 = arith.select %lt3A_257, %select_n3A_706, %mul3A_707 : vector<16xi1>, vector<16xf32>
      %select_n3A_709 = arith.select %lt3A_221, %min3A_696, %select_n3A_708 : vector<16xi1>, vector<16xf32>
      %select_n3A_710 = arith.select %lt3A_185, %max3A_690, %select_n3A_709 : vector<16xi1>, vector<16xf32>
      tpu.vector_store_idx %arg7[%add3A_432, %rem3A_37], %select_n3A_710 : memref<128x12xf32, #tpu.memory_space<vmem>>[vector<16xi32>, vector<16xi32>], vector<16xf32>,
      %abs3A_711 = math.absf %add3A_482 : vector<16xf32>
      %max3A_712 = arith.constant 1.000000e-01 : f32
      %max3A_713 = vector.broadcast %max3A_712 : f32 to vector<16xf32>
      %max3A_714 = arith.maximumf %abs3A_711, %max3A_713 : vector<16xf32>
      %max3A_715 = arith.constant 1.000000e-01 : f32
      %max3A_716 = vector.broadcast %max3A_715 : f32 to vector<16xf32>
      %max3A_717 = arith.maximumf %add3A_482, %max3A_716 : vector<16xf32>
      %min3A_718 = arith.constant 3.0415926 : f32
      %min3A_719 = vector.broadcast %min3A_718 : f32 to vector<16xf32>
      %min3A_720 = arith.minimumf %max3A_717, %min3A_719 : vector<16xf32>
      %rem3A_721 = arith.constant 1.000000e+00 : f32
      %rem3A_722 = vector.broadcast %rem3A_721 : f32 to vector<16xf32>
      %rem3A_723 = arith.remf %add3A_482, %rem3A_722 : vector<16xf32>
      %lt3A_724 = arith.constant 0.000000e+00 : f32
      %lt3A_725 = vector.broadcast %lt3A_724 : f32 to vector<16xf32>
      %lt3A_726 = arith.cmpf olt, %rem3A_723, %lt3A_725 : vector<16xf32>
      %add3A_727 = arith.constant 1.000000e+00 : f32
      %add3A_728 = vector.broadcast %add3A_727 : f32 to vector<16xf32>
      %add3A_729 = arith.addf %rem3A_723, %add3A_728 : vector<16xf32>
      %select_n3A_730 = arith.select %lt3A_726, %add3A_729, %rem3A_723 : vector<16xi1>, vector<16xf32>
      %mul3A_731 = arith.mulf %add3A_482, %div3A : vector<16xf32>
      %select_n3A_732 = arith.select %lt3A_260, %select_n3A_730, %mul3A_731 : vector<16xi1>, vector<16xf32>
      %select_n3A_733 = arith.select %lt3A_224, %min3A_720, %select_n3A_732 : vector<16xi1>, vector<16xf32>
      %select_n3A_734 = arith.select %lt3A_188, %max3A_714, %select_n3A_733 : vector<16xi1>, vector<16xf32>
      tpu.vector_store_idx %arg7[%add3A_432, %rem3A_43], %select_n3A_734 : memref<128x12xf32, #tpu.memory_space<vmem>>[vector<16xi32>, vector<16xi32>], vector<16xf32>,
      %abs3A_735 = math.absf %add3A_490 : vector<16xf32>
      %max3A_736 = arith.constant 1.000000e-01 : f32
      %max3A_737 = vector.broadcast %max3A_736 : f32 to vector<16xf32>
      %max3A_738 = arith.maximumf %abs3A_735, %max3A_737 : vector<16xf32>
      %max3A_739 = arith.constant 1.000000e-01 : f32
      %max3A_740 = vector.broadcast %max3A_739 : f32 to vector<16xf32>
      %max3A_741 = arith.maximumf %add3A_490, %max3A_740 : vector<16xf32>
      %min3A_742 = arith.constant 3.0415926 : f32
      %min3A_743 = vector.broadcast %min3A_742 : f32 to vector<16xf32>
      %min3A_744 = arith.minimumf %max3A_741, %min3A_743 : vector<16xf32>
      %rem3A_745 = arith.constant 1.000000e+00 : f32
      %rem3A_746 = vector.broadcast %rem3A_745 : f32 to vector<16xf32>
      %rem3A_747 = arith.remf %add3A_490, %rem3A_746 : vector<16xf32>
      %lt3A_748 = arith.constant 0.000000e+00 : f32
      %lt3A_749 = vector.broadcast %lt3A_748 : f32 to vector<16xf32>
      %lt3A_750 = arith.cmpf olt, %rem3A_747, %lt3A_749 : vector<16xf32>
      %add3A_751 = arith.constant 1.000000e+00 : f32
      %add3A_752 = vector.broadcast %add3A_751 : f32 to vector<16xf32>
      %add3A_753 = arith.addf %rem3A_747, %add3A_752 : vector<16xf32>
      %select_n3A_754 = arith.select %lt3A_750, %add3A_753, %rem3A_747 : vector<16xi1>, vector<16xf32>
      %mul3A_755 = arith.mulf %add3A_490, %div3A : vector<16xf32>
      %select_n3A_756 = arith.select %lt3A_263, %select_n3A_754, %mul3A_755 : vector<16xi1>, vector<16xf32>
      %select_n3A_757 = arith.select %lt3A_227, %min3A_744, %select_n3A_756 : vector<16xi1>, vector<16xf32>
      %select_n3A_758 = arith.select %lt3A_191, %max3A_738, %select_n3A_757 : vector<16xi1>, vector<16xf32>
      tpu.vector_store_idx %arg7[%add3A_432, %rem3A_49], %select_n3A_758 : memref<128x12xf32, #tpu.memory_space<vmem>>[vector<16xi32>, vector<16xi32>], vector<16xf32>,
      %abs3A_759 = math.absf %add3A_498 : vector<16xf32>
      %max3A_760 = arith.constant 1.000000e-01 : f32
      %max3A_761 = vector.broadcast %max3A_760 : f32 to vector<16xf32>
      %max3A_762 = arith.maximumf %abs3A_759, %max3A_761 : vector<16xf32>
      %max3A_763 = arith.constant 1.000000e-01 : f32
      %max3A_764 = vector.broadcast %max3A_763 : f32 to vector<16xf32>
      %max3A_765 = arith.maximumf %add3A_498, %max3A_764 : vector<16xf32>
      %min3A_766 = arith.constant 3.0415926 : f32
      %min3A_767 = vector.broadcast %min3A_766 : f32 to vector<16xf32>
      %min3A_768 = arith.minimumf %max3A_765, %min3A_767 : vector<16xf32>
      %rem3A_769 = arith.constant 1.000000e+00 : f32
      %rem3A_770 = vector.broadcast %rem3A_769 : f32 to vector<16xf32>
      %rem3A_771 = arith.remf %add3A_498, %rem3A_770 : vector<16xf32>
      %lt3A_772 = arith.constant 0.000000e+00 : f32
      %lt3A_773 = vector.broadcast %lt3A_772 : f32 to vector<16xf32>
      %lt3A_774 = arith.cmpf olt, %rem3A_771, %lt3A_773 : vector<16xf32>
      %add3A_775 = arith.constant 1.000000e+00 : f32
      %add3A_776 = vector.broadcast %add3A_775 : f32 to vector<16xf32>
      %add3A_777 = arith.addf %rem3A_771, %add3A_776 : vector<16xf32>
      %select_n3A_778 = arith.select %lt3A_774, %add3A_777, %rem3A_771 : vector<16xi1>, vector<16xf32>
      %mul3A_779 = arith.mulf %add3A_498, %div3A : vector<16xf32>
      %select_n3A_780 = arith.select %lt3A_266, %select_n3A_778, %mul3A_779 : vector<16xi1>, vector<16xf32>
      %select_n3A_781 = arith.select %lt3A_230, %min3A_768, %select_n3A_780 : vector<16xi1>, vector<16xf32>
      %select_n3A_782 = arith.select %lt3A_194, %max3A_762, %select_n3A_781 : vector<16xi1>, vector<16xf32>
      tpu.vector_store_idx %arg7[%add3A_432, %rem3A_55], %select_n3A_782 : memref<128x12xf32, #tpu.memory_space<vmem>>[vector<16xi32>, vector<16xi32>], vector<16xf32>,
      %abs3A_783 = math.absf %add3A_506 : vector<16xf32>
      %max3A_784 = arith.constant 1.000000e-01 : f32
      %max3A_785 = vector.broadcast %max3A_784 : f32 to vector<16xf32>
      %max3A_786 = arith.maximumf %abs3A_783, %max3A_785 : vector<16xf32>
      %max3A_787 = arith.constant 1.000000e-01 : f32
      %max3A_788 = vector.broadcast %max3A_787 : f32 to vector<16xf32>
      %max3A_789 = arith.maximumf %add3A_506, %max3A_788 : vector<16xf32>
      %min3A_790 = arith.constant 3.0415926 : f32
      %min3A_791 = vector.broadcast %min3A_790 : f32 to vector<16xf32>
      %min3A_792 = arith.minimumf %max3A_789, %min3A_791 : vector<16xf32>
      %rem3A_793 = arith.constant 1.000000e+00 : f32
      %rem3A_794 = vector.broadcast %rem3A_793 : f32 to vector<16xf32>
      %rem3A_795 = arith.remf %add3A_506, %rem3A_794 : vector<16xf32>
      %lt3A_796 = arith.constant 0.000000e+00 : f32
      %lt3A_797 = vector.broadcast %lt3A_796 : f32 to vector<16xf32>
      %lt3A_798 = arith.cmpf olt, %rem3A_795, %lt3A_797 : vector<16xf32>
      %add3A_799 = arith.constant 1.000000e+00 : f32
      %add3A_800 = vector.broadcast %add3A_799 : f32 to vector<16xf32>
      %add3A_801 = arith.addf %rem3A_795, %add3A_800 : vector<16xf32>
      %select_n3A_802 = arith.select %lt3A_798, %add3A_801, %rem3A_795 : vector<16xi1>, vector<16xf32>
      %mul3A_803 = arith.mulf %add3A_506, %div3A : vector<16xf32>
      %select_n3A_804 = arith.select %lt3A_269, %select_n3A_802, %mul3A_803 : vector<16xi1>, vector<16xf32>
      %select_n3A_805 = arith.select %lt3A_233, %min3A_792, %select_n3A_804 : vector<16xi1>, vector<16xf32>
      %select_n3A_806 = arith.select %lt3A_197, %max3A_786, %select_n3A_805 : vector<16xi1>, vector<16xf32>
      tpu.vector_store_idx %arg7[%add3A_432, %rem3A_61], %select_n3A_806 : memref<128x12xf32, #tpu.memory_space<vmem>>[vector<16xi32>, vector<16xi32>], vector<16xf32>,
      %abs3A_807 = math.absf %add3A_514 : vector<16xf32>
      %max3A_808 = arith.constant 1.000000e-01 : f32
      %max3A_809 = vector.broadcast %max3A_808 : f32 to vector<16xf32>
      %max3A_810 = arith.maximumf %abs3A_807, %max3A_809 : vector<16xf32>
      %max3A_811 = arith.constant 1.000000e-01 : f32
      %max3A_812 = vector.broadcast %max3A_811 : f32 to vector<16xf32>
      %max3A_813 = arith.maximumf %add3A_514, %max3A_812 : vector<16xf32>
      %min3A_814 = arith.constant 3.0415926 : f32
      %min3A_815 = vector.broadcast %min3A_814 : f32 to vector<16xf32>
      %min3A_816 = arith.minimumf %max3A_813, %min3A_815 : vector<16xf32>
      %rem3A_817 = arith.constant 1.000000e+00 : f32
      %rem3A_818 = vector.broadcast %rem3A_817 : f32 to vector<16xf32>
      %rem3A_819 = arith.remf %add3A_514, %rem3A_818 : vector<16xf32>
      %lt3A_820 = arith.constant 0.000000e+00 : f32
      %lt3A_821 = vector.broadcast %lt3A_820 : f32 to vector<16xf32>
      %lt3A_822 = arith.cmpf olt, %rem3A_819, %lt3A_821 : vector<16xf32>
      %add3A_823 = arith.constant 1.000000e+00 : f32
      %add3A_824 = vector.broadcast %add3A_823 : f32 to vector<16xf32>
      %add3A_825 = arith.addf %rem3A_819, %add3A_824 : vector<16xf32>
      %select_n3A_826 = arith.select %lt3A_822, %add3A_825, %rem3A_819 : vector<16xi1>, vector<16xf32>
      %mul3A_827 = arith.mulf %add3A_514, %div3A : vector<16xf32>
      %select_n3A_828 = arith.select %lt3A_272, %select_n3A_826, %mul3A_827 : vector<16xi1>, vector<16xf32>
      %select_n3A_829 = arith.select %lt3A_236, %min3A_816, %select_n3A_828 : vector<16xi1>, vector<16xf32>
      %select_n3A_830 = arith.select %lt3A_200, %max3A_810, %select_n3A_829 : vector<16xi1>, vector<16xf32>
      tpu.vector_store_idx %arg7[%add3A_432, %rem3A_67], %select_n3A_830 : memref<128x12xf32, #tpu.memory_space<vmem>>[vector<16xi32>, vector<16xi32>], vector<16xf32>,
      %abs3A_831 = math.absf %add3A_522 : vector<16xf32>
      %max3A_832 = arith.constant 1.000000e-01 : f32
      %max3A_833 = vector.broadcast %max3A_832 : f32 to vector<16xf32>
      %max3A_834 = arith.maximumf %abs3A_831, %max3A_833 : vector<16xf32>
      %max3A_835 = arith.constant 1.000000e-01 : f32
      %max3A_836 = vector.broadcast %max3A_835 : f32 to vector<16xf32>
      %max3A_837 = arith.maximumf %add3A_522, %max3A_836 : vector<16xf32>
      %min3A_838 = arith.constant 3.0415926 : f32
      %min3A_839 = vector.broadcast %min3A_838 : f32 to vector<16xf32>
      %min3A_840 = arith.minimumf %max3A_837, %min3A_839 : vector<16xf32>
      %rem3A_841 = arith.constant 1.000000e+00 : f32
      %rem3A_842 = vector.broadcast %rem3A_841 : f32 to vector<16xf32>
      %rem3A_843 = arith.remf %add3A_522, %rem3A_842 : vector<16xf32>
      %lt3A_844 = arith.constant 0.000000e+00 : f32
      %lt3A_845 = vector.broadcast %lt3A_844 : f32 to vector<16xf32>
      %lt3A_846 = arith.cmpf olt, %rem3A_843, %lt3A_845 : vector<16xf32>
      %add3A_847 = arith.constant 1.000000e+00 : f32
      %add3A_848 = vector.broadcast %add3A_847 : f32 to vector<16xf32>
      %add3A_849 = arith.addf %rem3A_843, %add3A_848 : vector<16xf32>
      %select_n3A_850 = arith.select %lt3A_846, %add3A_849, %rem3A_843 : vector<16xi1>, vector<16xf32>
      %mul3A_851 = arith.mulf %add3A_522, %div3A : vector<16xf32>
      %select_n3A_852 = arith.select %lt3A_275, %select_n3A_850, %mul3A_851 : vector<16xi1>, vector<16xf32>
      %select_n3A_853 = arith.select %lt3A_239, %min3A_840, %select_n3A_852 : vector<16xi1>, vector<16xf32>
      %select_n3A_854 = arith.select %lt3A_203, %max3A_834, %select_n3A_853 : vector<16xi1>, vector<16xf32>
      tpu.vector_store_idx %arg7[%add3A_432, %rem3A_73], %select_n3A_854 : memref<128x12xf32, #tpu.memory_space<vmem>>[vector<16xi32>, vector<16xi32>], vector<16xf32>,
    }
    %scan3A_331 = arith.constant 8 : i32
    %add3A_332 = arith.constant 0 : i32
    %add3A_333 = arith.addi %mul3A_2, %add3A_332 : i32
    %dma_start3A_334 = arith.constant 0 : i32
    %dma_start3A_335 = tpu.memref_slice %arg5[%add3A_333, %dma_start3A_334] : memref<16384x12xf32, #tpu.memory_space<hbm>> -> memref<128x12xf32, #tpu.memory_space<hbm>>
    %dma_start3A_336 = arith.constant 0 : i32
    %dma_start3A_337 = tpu.memref_slice %arg5[%add3A_333, %dma_start3A_336] : memref<16384x12xf32, #tpu.memory_space<hbm>> -> memref<128x12xf32, #tpu.memory_space<hbm>>
    tpu.enqueue_dma source(%arg7 : memref<128x12xf32, #tpu.memory_space<vmem>>) target(%dma_start3A_337 : memref<128x12xf32, #tpu.memory_space<hbm>>) target_semaphore(%arg12 : memref<!tpu.dma_semaphore, #tpu.memory_space<semaphore_mem>>)
    %add3A_338 = arith.constant 256 : i32
    %add3A_339 = arith.addi %mul3A_2, %add3A_338 : i32
    %dma_start3A_340 = arith.constant 0 : i32
    %dma_start3A_341 = tpu.memref_slice %arg2[%add3A_339, %dma_start3A_340] : memref<16384x12xf32, #tpu.memory_space<hbm>> -> memref<128x12xf32, #tpu.memory_space<hbm>>
    %dma_start3A_342 = arith.constant 0 : i32
    %dma_start3A_343 = tpu.memref_slice %arg2[%add3A_339, %dma_start3A_342] : memref<16384x12xf32, #tpu.memory_space<hbm>> -> memref<128x12xf32, #tpu.memory_space<hbm>>
    tpu.enqueue_dma source(%dma_start3A_343 : memref<128x12xf32, #tpu.memory_space<hbm>>) target(%arg6 : memref<128x12xf32, #tpu.memory_space<vmem>>) target_semaphore(%arg10 : memref<!tpu.dma_semaphore, #tpu.memory_space<semaphore_mem>>)
    %add3A_344 = arith.constant 128 : i32
    %add3A_345 = arith.addi %mul3A_2, %add3A_344 : i32
    %dma_wait3A_346 = arith.constant 0 : i32
    %dma_wait3A_347 = tpu.memref_slice %arg2[%add3A_345, %dma_wait3A_346] : memref<16384x12xf32, #tpu.memory_space<hbm>> -> memref<128x12xf32, #tpu.memory_space<hbm>>
    %dma_wait3A_348 = arith.constant 0 : i32
    %dma_wait3A_349 = tpu.memref_slice %arg2[%add3A_345, %dma_wait3A_348] : memref<16384x12xf32, #tpu.memory_space<hbm>> -> memref<128x12xf32, #tpu.memory_space<hbm>>
    tpu.wait_dma2 semaphore(%arg11 : memref<!tpu.dma_semaphore, #tpu.memory_space<semaphore_mem>>) src(%dma_wait3A_349 : memref<128x12xf32, #tpu.memory_space<hbm>>) dst(%arg8 : memref<128x12xf32, #tpu.memory_space<vmem>>)
    %scan3A_350 = arith.constant 0 : i32
    %scan3A_351 = arith.constant 0 : i32
    %scan3A_352 = arith.constant 8 : i32
    %scan3A_353 = arith.addi %scan3A_351, %scan3A_352 : i32
    %scan3A_354 = arith.constant 1 : i32
    scf.for %scan3A_428 = %scan3A_351 to %scan3A_353 step %scan3A_354  : i32 {
      %mul3A_429 = arith.constant 16 : i32
      %mul3A_430 = arith.muli %scan3A_428, %mul3A_429 : i32
      %add3A_431 = vector.broadcast %mul3A_430 : i32 to vector<16xi32>
      %add3A_432 = arith.addi %add3A_431, %iota3A : vector<16xi32>
      %broadcast_in_dim3A = arith.constant 1.000000e-30 : f32
      %broadcast_in_dim3A_433 = vector.broadcast %broadcast_in_dim3A : f32 to vector<16xf32>
      %gather3A_434 = tpu.vector_load_idx %arg8[%add3A_432, %rem3A_7] : memref<128x12xf32, #tpu.memory_space<vmem>>[vector<16xi32>, vector<16xi32>], vector<16xf32>,
      %mul3A_435 = arith.mulf %gather3A_434, %gather3A_124 : vector<16xf32>
      %add3A_436 = arith.addf %mul3A_435, %gather3A : vector<16xf32>
      %mul3A_437 = arith.mulf %add3A_436, %add3A_436 : vector<16xf32>
      %jit3A = arith.constant 0.000000e+00 : f32
      %broadcast_in_dim3A_438 = vector.broadcast %jit3A : f32 to vector<16xf32>
      %select_n3A = arith.select %ge3A_277, %mul3A_437, %broadcast_in_dim3A_438 : vector<16xi1>, vector<16xf32>
      %add3A_439 = arith.addf %broadcast_in_dim3A_433, %select_n3A : vector<16xf32>
      %gather3A_440 = tpu.vector_load_idx %arg8[%add3A_432, %rem3A_13] : memref<128x12xf32, #tpu.memory_space<vmem>>[vector<16xi32>, vector<16xi32>], vector<16xf32>,
      %mul3A_441 = arith.mulf %gather3A_440, %gather3A_128 : vector<16xf32>
      %add3A_442 = arith.addf %mul3A_441, %gather3A_80 : vector<16xf32>
      %mul3A_443 = arith.mulf %add3A_442, %add3A_442 : vector<16xf32>
      %jit3A_444 = arith.constant 0.000000e+00 : f32
      %broadcast_in_dim3A_445 = vector.broadcast %jit3A_444 : f32 to vector<16xf32>
      %select_n3A_446 = arith.select %ge3A_280, %mul3A_443, %broadcast_in_dim3A_445 : vector<16xi1>, vector<16xf32>
      %add3A_447 = arith.addf %add3A_439, %select_n3A_446 : vector<16xf32>
      %gather3A_448 = tpu.vector_load_idx %arg8[%add3A_432, %rem3A_19] : memref<128x12xf32, #tpu.memory_space<vmem>>[vector<16xi32>, vector<16xi32>], vector<16xf32>,
      %mul3A_449 = arith.mulf %gather3A_448, %gather3A_132 : vector<16xf32>
      %add3A_450 = arith.addf %mul3A_449, %gather3A_84 : vector<16xf32>
      %mul3A_451 = arith.mulf %add3A_450, %add3A_450 : vector<16xf32>
      %jit3A_452 = arith.constant 0.000000e+00 : f32
      %broadcast_in_dim3A_453 = vector.broadcast %jit3A_452 : f32 to vector<16xf32>
      %select_n3A_454 = arith.select %ge3A_283, %mul3A_451, %broadcast_in_dim3A_453 : vector<16xi1>, vector<16xf32>
      %add3A_455 = arith.addf %add3A_447, %select_n3A_454 : vector<16xf32>
      %gather3A_456 = tpu.vector_load_idx %arg8[%add3A_432, %rem3A_25] : memref<128x12xf32, #tpu.memory_space<vmem>>[vector<16xi32>, vector<16xi32>], vector<16xf32>,
      %mul3A_457 = arith.mulf %gather3A_456, %gather3A_136 : vector<16xf32>
      %add3A_458 = arith.addf %mul3A_457, %gather3A_88 : vector<16xf32>
      %mul3A_459 = arith.mulf %add3A_458, %add3A_458 : vector<16xf32>
      %jit3A_460 = arith.constant 0.000000e+00 : f32
      %broadcast_in_dim3A_461 = vector.broadcast %jit3A_460 : f32 to vector<16xf32>
      %select_n3A_462 = arith.select %ge3A_286, %mul3A_459, %broadcast_in_dim3A_461 : vector<16xi1>, vector<16xf32>
      %add3A_463 = arith.addf %add3A_455, %select_n3A_462 : vector<16xf32>
      %gather3A_464 = tpu.vector_load_idx %arg8[%add3A_432, %rem3A_31] : memref<128x12xf32, #tpu.memory_space<vmem>>[vector<16xi32>, vector<16xi32>], vector<16xf32>,
      %mul3A_465 = arith.mulf %gather3A_464, %gather3A_140 : vector<16xf32>
      %add3A_466 = arith.addf %mul3A_465, %gather3A_92 : vector<16xf32>
      %mul3A_467 = arith.mulf %add3A_466, %add3A_466 : vector<16xf32>
      %jit3A_468 = arith.constant 0.000000e+00 : f32
      %broadcast_in_dim3A_469 = vector.broadcast %jit3A_468 : f32 to vector<16xf32>
      %select_n3A_470 = arith.select %ge3A_289, %mul3A_467, %broadcast_in_dim3A_469 : vector<16xi1>, vector<16xf32>
      %add3A_471 = arith.addf %add3A_463, %select_n3A_470 : vector<16xf32>
      %gather3A_472 = tpu.vector_load_idx %arg8[%add3A_432, %rem3A_37] : memref<128x12xf32, #tpu.memory_space<vmem>>[vector<16xi32>, vector<16xi32>], vector<16xf32>,
      %mul3A_473 = arith.mulf %gather3A_472, %gather3A_144 : vector<16xf32>
      %add3A_474 = arith.addf %mul3A_473, %gather3A_96 : vector<16xf32>
      %mul3A_475 = arith.mulf %add3A_474, %add3A_474 : vector<16xf32>
      %jit3A_476 = arith.constant 0.000000e+00 : f32
      %broadcast_in_dim3A_477 = vector.broadcast %jit3A_476 : f32 to vector<16xf32>
      %select_n3A_478 = arith.select %ge3A_292, %mul3A_475, %broadcast_in_dim3A_477 : vector<16xi1>, vector<16xf32>
      %add3A_479 = arith.addf %add3A_471, %select_n3A_478 : vector<16xf32>
      %gather3A_480 = tpu.vector_load_idx %arg8[%add3A_432, %rem3A_43] : memref<128x12xf32, #tpu.memory_space<vmem>>[vector<16xi32>, vector<16xi32>], vector<16xf32>,
      %mul3A_481 = arith.mulf %gather3A_480, %gather3A_148 : vector<16xf32>
      %add3A_482 = arith.addf %mul3A_481, %gather3A_100 : vector<16xf32>
      %mul3A_483 = arith.mulf %add3A_482, %add3A_482 : vector<16xf32>
      %jit3A_484 = arith.constant 0.000000e+00 : f32
      %broadcast_in_dim3A_485 = vector.broadcast %jit3A_484 : f32 to vector<16xf32>
      %select_n3A_486 = arith.select %ge3A_295, %mul3A_483, %broadcast_in_dim3A_485 : vector<16xi1>, vector<16xf32>
      %add3A_487 = arith.addf %add3A_479, %select_n3A_486 : vector<16xf32>
      %gather3A_488 = tpu.vector_load_idx %arg8[%add3A_432, %rem3A_49] : memref<128x12xf32, #tpu.memory_space<vmem>>[vector<16xi32>, vector<16xi32>], vector<16xf32>,
      %mul3A_489 = arith.mulf %gather3A_488, %gather3A_152 : vector<16xf32>
      %add3A_490 = arith.addf %mul3A_489, %gather3A_104 : vector<16xf32>
      %mul3A_491 = arith.mulf %add3A_490, %add3A_490 : vector<16xf32>
      %jit3A_492 = arith.constant 0.000000e+00 : f32
      %broadcast_in_dim3A_493 = vector.broadcast %jit3A_492 : f32 to vector<16xf32>
      %select_n3A_494 = arith.select %ge3A_298, %mul3A_491, %broadcast_in_dim3A_493 : vector<16xi1>, vector<16xf32>
      %add3A_495 = arith.addf %add3A_487, %select_n3A_494 : vector<16xf32>
      %gather3A_496 = tpu.vector_load_idx %arg8[%add3A_432, %rem3A_55] : memref<128x12xf32, #tpu.memory_space<vmem>>[vector<16xi32>, vector<16xi32>], vector<16xf32>,
      %mul3A_497 = arith.mulf %gather3A_496, %gather3A_156 : vector<16xf32>
      %add3A_498 = arith.addf %mul3A_497, %gather3A_108 : vector<16xf32>
      %mul3A_499 = arith.mulf %add3A_498, %add3A_498 : vector<16xf32>
      %jit3A_500 = arith.constant 0.000000e+00 : f32
      %broadcast_in_dim3A_501 = vector.broadcast %jit3A_500 : f32 to vector<16xf32>
      %select_n3A_502 = arith.select %ge3A_301, %mul3A_499, %broadcast_in_dim3A_501 : vector<16xi1>, vector<16xf32>
      %add3A_503 = arith.addf %add3A_495, %select_n3A_502 : vector<16xf32>
      %gather3A_504 = tpu.vector_load_idx %arg8[%add3A_432, %rem3A_61] : memref<128x12xf32, #tpu.memory_space<vmem>>[vector<16xi32>, vector<16xi32>], vector<16xf32>,
      %mul3A_505 = arith.mulf %gather3A_504, %gather3A_160 : vector<16xf32>
      %add3A_506 = arith.addf %mul3A_505, %gather3A_112 : vector<16xf32>
      %mul3A_507 = arith.mulf %add3A_506, %add3A_506 : vector<16xf32>
      %jit3A_508 = arith.constant 0.000000e+00 : f32
      %broadcast_in_dim3A_509 = vector.broadcast %jit3A_508 : f32 to vector<16xf32>
      %select_n3A_510 = arith.select %ge3A_304, %mul3A_507, %broadcast_in_dim3A_509 : vector<16xi1>, vector<16xf32>
      %add3A_511 = arith.addf %add3A_503, %select_n3A_510 : vector<16xf32>
      %gather3A_512 = tpu.vector_load_idx %arg8[%add3A_432, %rem3A_67] : memref<128x12xf32, #tpu.memory_space<vmem>>[vector<16xi32>, vector<16xi32>], vector<16xf32>,
      %mul3A_513 = arith.mulf %gather3A_512, %gather3A_164 : vector<16xf32>
      %add3A_514 = arith.addf %mul3A_513, %gather3A_116 : vector<16xf32>
      %mul3A_515 = arith.mulf %add3A_514, %add3A_514 : vector<16xf32>
      %jit3A_516 = arith.constant 0.000000e+00 : f32
      %broadcast_in_dim3A_517 = vector.broadcast %jit3A_516 : f32 to vector<16xf32>
      %select_n3A_518 = arith.select %ge3A_307, %mul3A_515, %broadcast_in_dim3A_517 : vector<16xi1>, vector<16xf32>
      %add3A_519 = arith.addf %add3A_511, %select_n3A_518 : vector<16xf32>
      %gather3A_520 = tpu.vector_load_idx %arg8[%add3A_432, %rem3A_73] : memref<128x12xf32, #tpu.memory_space<vmem>>[vector<16xi32>, vector<16xi32>], vector<16xf32>,
      %mul3A_521 = arith.mulf %gather3A_520, %gather3A_168 : vector<16xf32>
      %add3A_522 = arith.addf %mul3A_521, %gather3A_120 : vector<16xf32>
      %mul3A_523 = arith.mulf %add3A_522, %add3A_522 : vector<16xf32>
      %jit3A_524 = arith.constant 0.000000e+00 : f32
      %broadcast_in_dim3A_525 = vector.broadcast %jit3A_524 : f32 to vector<16xf32>
      %select_n3A_526 = arith.select %ge3A_310, %mul3A_523, %broadcast_in_dim3A_525 : vector<16xi1>, vector<16xf32>
      %add3A_527 = arith.addf %add3A_519, %select_n3A_526 : vector<16xf32>
      %bitcast3A = vector.bitcast %add3A_527 : vector<16xf32> to vector<16xi32>
      %shift_right_logical3A = arith.constant 1 : i32
      %shift_right_logical3A_528 = vector.broadcast %shift_right_logical3A : i32 to vector<16xi32>
      %shift_right_logical3A_529 = arith.shrui %bitcast3A, %shift_right_logical3A_528 : vector<16xi32>
      %sub3A = arith.constant 1597463007 : i32
      %sub3A_530 = vector.broadcast %sub3A : i32 to vector<16xi32>
      %sub3A_531 = arith.subi %sub3A_530, %shift_right_logical3A_529 : vector<16xi32>
      %bitcast3A_532 = vector.bitcast %sub3A_531 : vector<16xi32> to vector<16xf32>
      %mul3A_533 = arith.constant 5.000000e-01 : f32
      %mul3A_534 = vector.broadcast %mul3A_533 : f32 to vector<16xf32>
      %mul3A_535 = arith.mulf %mul3A_534, %add3A_527 : vector<16xf32>
      %mul3A_536 = arith.mulf %mul3A_535, %bitcast3A_532 : vector<16xf32>
      %mul3A_537 = arith.mulf %mul3A_536, %bitcast3A_532 : vector<16xf32>
      %sub3A_538 = arith.constant 1.500000e+00 : f32
      %sub3A_539 = vector.broadcast %sub3A_538 : f32 to vector<16xf32>
      %sub3A_540 = arith.subf %sub3A_539, %mul3A_537 : vector<16xf32>
      %mul3A_541 = arith.mulf %bitcast3A_532, %sub3A_540 : vector<16xf32>
      %mul3A_542 = arith.constant 5.000000e-01 : f32
      %mul3A_543 = vector.broadcast %mul3A_542 : f32 to vector<16xf32>
      %mul3A_544 = arith.mulf %mul3A_543, %add3A_527 : vector<16xf32>
      %mul3A_545 = arith.mulf %mul3A_544, %mul3A_541 : vector<16xf32>
      %mul3A_546 = arith.mulf %mul3A_545, %mul3A_541 : vector<16xf32>
      %sub3A_547 = arith.constant 1.500000e+00 : f32
      %sub3A_548 = vector.broadcast %sub3A_547 : f32 to vector<16xf32>
      %sub3A_549 = arith.subf %sub3A_548, %mul3A_546 : vector<16xf32>
      %mul3A_550 = arith.mulf %mul3A_541, %sub3A_549 : vector<16xf32>
      %mul3A_551 = arith.constant 5.000000e-01 : f32
      %mul3A_552 = vector.broadcast %mul3A_551 : f32 to vector<16xf32>
      %mul3A_553 = arith.mulf %mul3A_552, %add3A_527 : vector<16xf32>
      %mul3A_554 = arith.mulf %mul3A_553, %mul3A_550 : vector<16xf32>
      %mul3A_555 = arith.mulf %mul3A_554, %mul3A_550 : vector<16xf32>
      %sub3A_556 = arith.constant 1.500000e+00 : f32
      %sub3A_557 = vector.broadcast %sub3A_556 : f32 to vector<16xf32>
      %sub3A_558 = arith.subf %sub3A_557, %mul3A_555 : vector<16xf32>
      %mul3A_559 = arith.mulf %mul3A_550, %sub3A_558 : vector<16xf32>
      %mul3A_560 = arith.mulf %add3A_527, %mul3A_559 : vector<16xf32>
      %add3A_561 = arith.constant 9.99999993E-9 : f32
      %add3A_562 = vector.broadcast %add3A_561 : f32 to vector<16xf32>
      %add3A_563 = arith.addf %mul3A_560, %add3A_562 : vector<16xf32>
      %max3A = arith.constant 0.00999999977 : f32
      %max3A_564 = vector.broadcast %max3A : f32 to vector<16xf32>
      %max3A_565 = arith.maximumf %add3A_563, %max3A_564 : vector<16xf32>
      %min3A = arith.constant 6.28318548 : f32
      %min3A_566 = vector.broadcast %min3A : f32 to vector<16xf32>
      %min3A_567 = arith.minimumf %max3A_565, %min3A_566 : vector<16xf32>
      %div3A = arith.divf %min3A_567, %add3A_563 : vector<16xf32>
      %abs3A = math.absf %add3A_436 : vector<16xf32>
      %max3A_568 = arith.constant 1.000000e-01 : f32
      %max3A_569 = vector.broadcast %max3A_568 : f32 to vector<16xf32>
      %max3A_570 = arith.maximumf %abs3A, %max3A_569 : vector<16xf32>
      %max3A_571 = arith.constant 1.000000e-01 : f32
      %max3A_572 = vector.broadcast %max3A_571 : f32 to vector<16xf32>
      %max3A_573 = arith.maximumf %add3A_436, %max3A_572 : vector<16xf32>
      %min3A_574 = arith.constant 3.0415926 : f32
      %min3A_575 = vector.broadcast %min3A_574 : f32 to vector<16xf32>
      %min3A_576 = arith.minimumf %max3A_573, %min3A_575 : vector<16xf32>
      %rem3A_577 = arith.constant 1.000000e+00 : f32
      %rem3A_578 = vector.broadcast %rem3A_577 : f32 to vector<16xf32>
      %rem3A_579 = arith.remf %add3A_436, %rem3A_578 : vector<16xf32>
      %lt3A_580 = arith.constant 0.000000e+00 : f32
      %lt3A_581 = vector.broadcast %lt3A_580 : f32 to vector<16xf32>
      %lt3A_582 = arith.cmpf olt, %rem3A_579, %lt3A_581 : vector<16xf32>
      %add3A_583 = arith.constant 1.000000e+00 : f32
      %add3A_584 = vector.broadcast %add3A_583 : f32 to vector<16xf32>
      %add3A_585 = arith.addf %rem3A_579, %add3A_584 : vector<16xf32>
      %select_n3A_586 = arith.select %lt3A_582, %add3A_585, %rem3A_579 : vector<16xi1>, vector<16xf32>
      %mul3A_587 = arith.mulf %add3A_436, %div3A : vector<16xf32>
      %select_n3A_588 = arith.select %lt3A_242, %select_n3A_586, %mul3A_587 : vector<16xi1>, vector<16xf32>
      %select_n3A_589 = arith.select %lt3A_206, %min3A_576, %select_n3A_588 : vector<16xi1>, vector<16xf32>
      %select_n3A_590 = arith.select %lt3A_170, %max3A_570, %select_n3A_589 : vector<16xi1>, vector<16xf32>
      tpu.vector_store_idx %arg9[%add3A_432, %rem3A_7], %select_n3A_590 : memref<128x12xf32, #tpu.memory_space<vmem>>[vector<16xi32>, vector<16xi32>], vector<16xf32>,
      %abs3A_591 = math.absf %add3A_442 : vector<16xf32>
      %max3A_592 = arith.constant 1.000000e-01 : f32
      %max3A_593 = vector.broadcast %max3A_592 : f32 to vector<16xf32>
      %max3A_594 = arith.maximumf %abs3A_591, %max3A_593 : vector<16xf32>
      %max3A_595 = arith.constant 1.000000e-01 : f32
      %max3A_596 = vector.broadcast %max3A_595 : f32 to vector<16xf32>
      %max3A_597 = arith.maximumf %add3A_442, %max3A_596 : vector<16xf32>
      %min3A_598 = arith.constant 3.0415926 : f32
      %min3A_599 = vector.broadcast %min3A_598 : f32 to vector<16xf32>
      %min3A_600 = arith.minimumf %max3A_597, %min3A_599 : vector<16xf32>
      %rem3A_601 = arith.constant 1.000000e+00 : f32
      %rem3A_602 = vector.broadcast %rem3A_601 : f32 to vector<16xf32>
      %rem3A_603 = arith.remf %add3A_442, %rem3A_602 : vector<16xf32>
      %lt3A_604 = arith.constant 0.000000e+00 : f32
      %lt3A_605 = vector.broadcast %lt3A_604 : f32 to vector<16xf32>
      %lt3A_606 = arith.cmpf olt, %rem3A_603, %lt3A_605 : vector<16xf32>
      %add3A_607 = arith.constant 1.000000e+00 : f32
      %add3A_608 = vector.broadcast %add3A_607 : f32 to vector<16xf32>
      %add3A_609 = arith.addf %rem3A_603, %add3A_608 : vector<16xf32>
      %select_n3A_610 = arith.select %lt3A_606, %add3A_609, %rem3A_603 : vector<16xi1>, vector<16xf32>
      %mul3A_611 = arith.mulf %add3A_442, %div3A : vector<16xf32>
      %select_n3A_612 = arith.select %lt3A_245, %select_n3A_610, %mul3A_611 : vector<16xi1>, vector<16xf32>
      %select_n3A_613 = arith.select %lt3A_209, %min3A_600, %select_n3A_612 : vector<16xi1>, vector<16xf32>
      %select_n3A_614 = arith.select %lt3A_173, %max3A_594, %select_n3A_613 : vector<16xi1>, vector<16xf32>
      tpu.vector_store_idx %arg9[%add3A_432, %rem3A_13], %select_n3A_614 : memref<128x12xf32, #tpu.memory_space<vmem>>[vector<16xi32>, vector<16xi32>], vector<16xf32>,
      %abs3A_615 = math.absf %add3A_450 : vector<16xf32>
      %max3A_616 = arith.constant 1.000000e-01 : f32
      %max3A_617 = vector.broadcast %max3A_616 : f32 to vector<16xf32>
      %max3A_618 = arith.maximumf %abs3A_615, %max3A_617 : vector<16xf32>
      %max3A_619 = arith.constant 1.000000e-01 : f32
      %max3A_620 = vector.broadcast %max3A_619 : f32 to vector<16xf32>
      %max3A_621 = arith.maximumf %add3A_450, %max3A_620 : vector<16xf32>
      %min3A_622 = arith.constant 3.0415926 : f32
      %min3A_623 = vector.broadcast %min3A_622 : f32 to vector<16xf32>
      %min3A_624 = arith.minimumf %max3A_621, %min3A_623 : vector<16xf32>
      %rem3A_625 = arith.constant 1.000000e+00 : f32
      %rem3A_626 = vector.broadcast %rem3A_625 : f32 to vector<16xf32>
      %rem3A_627 = arith.remf %add3A_450, %rem3A_626 : vector<16xf32>
      %lt3A_628 = arith.constant 0.000000e+00 : f32
      %lt3A_629 = vector.broadcast %lt3A_628 : f32 to vector<16xf32>
      %lt3A_630 = arith.cmpf olt, %rem3A_627, %lt3A_629 : vector<16xf32>
      %add3A_631 = arith.constant 1.000000e+00 : f32
      %add3A_632 = vector.broadcast %add3A_631 : f32 to vector<16xf32>
      %add3A_633 = arith.addf %rem3A_627, %add3A_632 : vector<16xf32>
      %select_n3A_634 = arith.select %lt3A_630, %add3A_633, %rem3A_627 : vector<16xi1>, vector<16xf32>
      %mul3A_635 = arith.mulf %add3A_450, %div3A : vector<16xf32>
      %select_n3A_636 = arith.select %lt3A_248, %select_n3A_634, %mul3A_635 : vector<16xi1>, vector<16xf32>
      %select_n3A_637 = arith.select %lt3A_212, %min3A_624, %select_n3A_636 : vector<16xi1>, vector<16xf32>
      %select_n3A_638 = arith.select %lt3A_176, %max3A_618, %select_n3A_637 : vector<16xi1>, vector<16xf32>
      tpu.vector_store_idx %arg9[%add3A_432, %rem3A_19], %select_n3A_638 : memref<128x12xf32, #tpu.memory_space<vmem>>[vector<16xi32>, vector<16xi32>], vector<16xf32>,
      %abs3A_639 = math.absf %add3A_458 : vector<16xf32>
      %max3A_640 = arith.constant 1.000000e-01 : f32
      %max3A_641 = vector.broadcast %max3A_640 : f32 to vector<16xf32>
      %max3A_642 = arith.maximumf %abs3A_639, %max3A_641 : vector<16xf32>
      %max3A_643 = arith.constant 1.000000e-01 : f32
      %max3A_644 = vector.broadcast %max3A_643 : f32 to vector<16xf32>
      %max3A_645 = arith.maximumf %add3A_458, %max3A_644 : vector<16xf32>
      %min3A_646 = arith.constant 3.0415926 : f32
      %min3A_647 = vector.broadcast %min3A_646 : f32 to vector<16xf32>
      %min3A_648 = arith.minimumf %max3A_645, %min3A_647 : vector<16xf32>
      %rem3A_649 = arith.constant 1.000000e+00 : f32
      %rem3A_650 = vector.broadcast %rem3A_649 : f32 to vector<16xf32>
      %rem3A_651 = arith.remf %add3A_458, %rem3A_650 : vector<16xf32>
      %lt3A_652 = arith.constant 0.000000e+00 : f32
      %lt3A_653 = vector.broadcast %lt3A_652 : f32 to vector<16xf32>
      %lt3A_654 = arith.cmpf olt, %rem3A_651, %lt3A_653 : vector<16xf32>
      %add3A_655 = arith.constant 1.000000e+00 : f32
      %add3A_656 = vector.broadcast %add3A_655 : f32 to vector<16xf32>
      %add3A_657 = arith.addf %rem3A_651, %add3A_656 : vector<16xf32>
      %select_n3A_658 = arith.select %lt3A_654, %add3A_657, %rem3A_651 : vector<16xi1>, vector<16xf32>
      %mul3A_659 = arith.mulf %add3A_458, %div3A : vector<16xf32>
      %select_n3A_660 = arith.select %lt3A_251, %select_n3A_658, %mul3A_659 : vector<16xi1>, vector<16xf32>
      %select_n3A_661 = arith.select %lt3A_215, %min3A_648, %select_n3A_660 : vector<16xi1>, vector<16xf32>
      %select_n3A_662 = arith.select %lt3A_179, %max3A_642, %select_n3A_661 : vector<16xi1>, vector<16xf32>
      tpu.vector_store_idx %arg9[%add3A_432, %rem3A_25], %select_n3A_662 : memref<128x12xf32, #tpu.memory_space<vmem>>[vector<16xi32>, vector<16xi32>], vector<16xf32>,
      %abs3A_663 = math.absf %add3A_466 : vector<16xf32>
      %max3A_664 = arith.constant 1.000000e-01 : f32
      %max3A_665 = vector.broadcast %max3A_664 : f32 to vector<16xf32>
      %max3A_666 = arith.maximumf %abs3A_663, %max3A_665 : vector<16xf32>
      %max3A_667 = arith.constant 1.000000e-01 : f32
      %max3A_668 = vector.broadcast %max3A_667 : f32 to vector<16xf32>
      %max3A_669 = arith.maximumf %add3A_466, %max3A_668 : vector<16xf32>
      %min3A_670 = arith.constant 3.0415926 : f32
      %min3A_671 = vector.broadcast %min3A_670 : f32 to vector<16xf32>
      %min3A_672 = arith.minimumf %max3A_669, %min3A_671 : vector<16xf32>
      %rem3A_673 = arith.constant 1.000000e+00 : f32
      %rem3A_674 = vector.broadcast %rem3A_673 : f32 to vector<16xf32>
      %rem3A_675 = arith.remf %add3A_466, %rem3A_674 : vector<16xf32>
      %lt3A_676 = arith.constant 0.000000e+00 : f32
      %lt3A_677 = vector.broadcast %lt3A_676 : f32 to vector<16xf32>
      %lt3A_678 = arith.cmpf olt, %rem3A_675, %lt3A_677 : vector<16xf32>
      %add3A_679 = arith.constant 1.000000e+00 : f32
      %add3A_680 = vector.broadcast %add3A_679 : f32 to vector<16xf32>
      %add3A_681 = arith.addf %rem3A_675, %add3A_680 : vector<16xf32>
      %select_n3A_682 = arith.select %lt3A_678, %add3A_681, %rem3A_675 : vector<16xi1>, vector<16xf32>
      %mul3A_683 = arith.mulf %add3A_466, %div3A : vector<16xf32>
      %select_n3A_684 = arith.select %lt3A_254, %select_n3A_682, %mul3A_683 : vector<16xi1>, vector<16xf32>
      %select_n3A_685 = arith.select %lt3A_218, %min3A_672, %select_n3A_684 : vector<16xi1>, vector<16xf32>
      %select_n3A_686 = arith.select %lt3A_182, %max3A_666, %select_n3A_685 : vector<16xi1>, vector<16xf32>
      tpu.vector_store_idx %arg9[%add3A_432, %rem3A_31], %select_n3A_686 : memref<128x12xf32, #tpu.memory_space<vmem>>[vector<16xi32>, vector<16xi32>], vector<16xf32>,
      %abs3A_687 = math.absf %add3A_474 : vector<16xf32>
      %max3A_688 = arith.constant 1.000000e-01 : f32
      %max3A_689 = vector.broadcast %max3A_688 : f32 to vector<16xf32>
      %max3A_690 = arith.maximumf %abs3A_687, %max3A_689 : vector<16xf32>
      %max3A_691 = arith.constant 1.000000e-01 : f32
      %max3A_692 = vector.broadcast %max3A_691 : f32 to vector<16xf32>
      %max3A_693 = arith.maximumf %add3A_474, %max3A_692 : vector<16xf32>
      %min3A_694 = arith.constant 3.0415926 : f32
      %min3A_695 = vector.broadcast %min3A_694 : f32 to vector<16xf32>
      %min3A_696 = arith.minimumf %max3A_693, %min3A_695 : vector<16xf32>
      %rem3A_697 = arith.constant 1.000000e+00 : f32
      %rem3A_698 = vector.broadcast %rem3A_697 : f32 to vector<16xf32>
      %rem3A_699 = arith.remf %add3A_474, %rem3A_698 : vector<16xf32>
      %lt3A_700 = arith.constant 0.000000e+00 : f32
      %lt3A_701 = vector.broadcast %lt3A_700 : f32 to vector<16xf32>
      %lt3A_702 = arith.cmpf olt, %rem3A_699, %lt3A_701 : vector<16xf32>
      %add3A_703 = arith.constant 1.000000e+00 : f32
      %add3A_704 = vector.broadcast %add3A_703 : f32 to vector<16xf32>
      %add3A_705 = arith.addf %rem3A_699, %add3A_704 : vector<16xf32>
      %select_n3A_706 = arith.select %lt3A_702, %add3A_705, %rem3A_699 : vector<16xi1>, vector<16xf32>
      %mul3A_707 = arith.mulf %add3A_474, %div3A : vector<16xf32>
      %select_n3A_708 = arith.select %lt3A_257, %select_n3A_706, %mul3A_707 : vector<16xi1>, vector<16xf32>
      %select_n3A_709 = arith.select %lt3A_221, %min3A_696, %select_n3A_708 : vector<16xi1>, vector<16xf32>
      %select_n3A_710 = arith.select %lt3A_185, %max3A_690, %select_n3A_709 : vector<16xi1>, vector<16xf32>
      tpu.vector_store_idx %arg9[%add3A_432, %rem3A_37], %select_n3A_710 : memref<128x12xf32, #tpu.memory_space<vmem>>[vector<16xi32>, vector<16xi32>], vector<16xf32>,
      %abs3A_711 = math.absf %add3A_482 : vector<16xf32>
      %max3A_712 = arith.constant 1.000000e-01 : f32
      %max3A_713 = vector.broadcast %max3A_712 : f32 to vector<16xf32>
      %max3A_714 = arith.maximumf %abs3A_711, %max3A_713 : vector<16xf32>
      %max3A_715 = arith.constant 1.000000e-01 : f32
      %max3A_716 = vector.broadcast %max3A_715 : f32 to vector<16xf32>
      %max3A_717 = arith.maximumf %add3A_482, %max3A_716 : vector<16xf32>
      %min3A_718 = arith.constant 3.0415926 : f32
      %min3A_719 = vector.broadcast %min3A_718 : f32 to vector<16xf32>
      %min3A_720 = arith.minimumf %max3A_717, %min3A_719 : vector<16xf32>
      %rem3A_721 = arith.constant 1.000000e+00 : f32
      %rem3A_722 = vector.broadcast %rem3A_721 : f32 to vector<16xf32>
      %rem3A_723 = arith.remf %add3A_482, %rem3A_722 : vector<16xf32>
      %lt3A_724 = arith.constant 0.000000e+00 : f32
      %lt3A_725 = vector.broadcast %lt3A_724 : f32 to vector<16xf32>
      %lt3A_726 = arith.cmpf olt, %rem3A_723, %lt3A_725 : vector<16xf32>
      %add3A_727 = arith.constant 1.000000e+00 : f32
      %add3A_728 = vector.broadcast %add3A_727 : f32 to vector<16xf32>
      %add3A_729 = arith.addf %rem3A_723, %add3A_728 : vector<16xf32>
      %select_n3A_730 = arith.select %lt3A_726, %add3A_729, %rem3A_723 : vector<16xi1>, vector<16xf32>
      %mul3A_731 = arith.mulf %add3A_482, %div3A : vector<16xf32>
      %select_n3A_732 = arith.select %lt3A_260, %select_n3A_730, %mul3A_731 : vector<16xi1>, vector<16xf32>
      %select_n3A_733 = arith.select %lt3A_224, %min3A_720, %select_n3A_732 : vector<16xi1>, vector<16xf32>
      %select_n3A_734 = arith.select %lt3A_188, %max3A_714, %select_n3A_733 : vector<16xi1>, vector<16xf32>
      tpu.vector_store_idx %arg9[%add3A_432, %rem3A_43], %select_n3A_734 : memref<128x12xf32, #tpu.memory_space<vmem>>[vector<16xi32>, vector<16xi32>], vector<16xf32>,
      %abs3A_735 = math.absf %add3A_490 : vector<16xf32>
      %max3A_736 = arith.constant 1.000000e-01 : f32
      %max3A_737 = vector.broadcast %max3A_736 : f32 to vector<16xf32>
      %max3A_738 = arith.maximumf %abs3A_735, %max3A_737 : vector<16xf32>
      %max3A_739 = arith.constant 1.000000e-01 : f32
      %max3A_740 = vector.broadcast %max3A_739 : f32 to vector<16xf32>
      %max3A_741 = arith.maximumf %add3A_490, %max3A_740 : vector<16xf32>
      %min3A_742 = arith.constant 3.0415926 : f32
      %min3A_743 = vector.broadcast %min3A_742 : f32 to vector<16xf32>
      %min3A_744 = arith.minimumf %max3A_741, %min3A_743 : vector<16xf32>
      %rem3A_745 = arith.constant 1.000000e+00 : f32
      %rem3A_746 = vector.broadcast %rem3A_745 : f32 to vector<16xf32>
      %rem3A_747 = arith.remf %add3A_490, %rem3A_746 : vector<16xf32>
      %lt3A_748 = arith.constant 0.000000e+00 : f32
      %lt3A_749 = vector.broadcast %lt3A_748 : f32 to vector<16xf32>
      %lt3A_750 = arith.cmpf olt, %rem3A_747, %lt3A_749 : vector<16xf32>
      %add3A_751 = arith.constant 1.000000e+00 : f32
      %add3A_752 = vector.broadcast %add3A_751 : f32 to vector<16xf32>
      %add3A_753 = arith.addf %rem3A_747, %add3A_752 : vector<16xf32>
      %select_n3A_754 = arith.select %lt3A_750, %add3A_753, %rem3A_747 : vector<16xi1>, vector<16xf32>
      %mul3A_755 = arith.mulf %add3A_490, %div3A : vector<16xf32>
      %select_n3A_756 = arith.select %lt3A_263, %select_n3A_754, %mul3A_755 : vector<16xi1>, vector<16xf32>
      %select_n3A_757 = arith.select %lt3A_227, %min3A_744, %select_n3A_756 : vector<16xi1>, vector<16xf32>
      %select_n3A_758 = arith.select %lt3A_191, %max3A_738, %select_n3A_757 : vector<16xi1>, vector<16xf32>
      tpu.vector_store_idx %arg9[%add3A_432, %rem3A_49], %select_n3A_758 : memref<128x12xf32, #tpu.memory_space<vmem>>[vector<16xi32>, vector<16xi32>], vector<16xf32>,
      %abs3A_759 = math.absf %add3A_498 : vector<16xf32>
      %max3A_760 = arith.constant 1.000000e-01 : f32
      %max3A_761 = vector.broadcast %max3A_760 : f32 to vector<16xf32>
      %max3A_762 = arith.maximumf %abs3A_759, %max3A_761 : vector<16xf32>
      %max3A_763 = arith.constant 1.000000e-01 : f32
      %max3A_764 = vector.broadcast %max3A_763 : f32 to vector<16xf32>
      %max3A_765 = arith.maximumf %add3A_498, %max3A_764 : vector<16xf32>
      %min3A_766 = arith.constant 3.0415926 : f32
      %min3A_767 = vector.broadcast %min3A_766 : f32 to vector<16xf32>
      %min3A_768 = arith.minimumf %max3A_765, %min3A_767 : vector<16xf32>
      %rem3A_769 = arith.constant 1.000000e+00 : f32
      %rem3A_770 = vector.broadcast %rem3A_769 : f32 to vector<16xf32>
      %rem3A_771 = arith.remf %add3A_498, %rem3A_770 : vector<16xf32>
      %lt3A_772 = arith.constant 0.000000e+00 : f32
      %lt3A_773 = vector.broadcast %lt3A_772 : f32 to vector<16xf32>
      %lt3A_774 = arith.cmpf olt, %rem3A_771, %lt3A_773 : vector<16xf32>
      %add3A_775 = arith.constant 1.000000e+00 : f32
      %add3A_776 = vector.broadcast %add3A_775 : f32 to vector<16xf32>
      %add3A_777 = arith.addf %rem3A_771, %add3A_776 : vector<16xf32>
      %select_n3A_778 = arith.select %lt3A_774, %add3A_777, %rem3A_771 : vector<16xi1>, vector<16xf32>
      %mul3A_779 = arith.mulf %add3A_498, %div3A : vector<16xf32>
      %select_n3A_780 = arith.select %lt3A_266, %select_n3A_778, %mul3A_779 : vector<16xi1>, vector<16xf32>
      %select_n3A_781 = arith.select %lt3A_230, %min3A_768, %select_n3A_780 : vector<16xi1>, vector<16xf32>
      %select_n3A_782 = arith.select %lt3A_194, %max3A_762, %select_n3A_781 : vector<16xi1>, vector<16xf32>
      tpu.vector_store_idx %arg9[%add3A_432, %rem3A_55], %select_n3A_782 : memref<128x12xf32, #tpu.memory_space<vmem>>[vector<16xi32>, vector<16xi32>], vector<16xf32>,
      %abs3A_783 = math.absf %add3A_506 : vector<16xf32>
      %max3A_784 = arith.constant 1.000000e-01 : f32
      %max3A_785 = vector.broadcast %max3A_784 : f32 to vector<16xf32>
      %max3A_786 = arith.maximumf %abs3A_783, %max3A_785 : vector<16xf32>
      %max3A_787 = arith.constant 1.000000e-01 : f32
      %max3A_788 = vector.broadcast %max3A_787 : f32 to vector<16xf32>
      %max3A_789 = arith.maximumf %add3A_506, %max3A_788 : vector<16xf32>
      %min3A_790 = arith.constant 3.0415926 : f32
      %min3A_791 = vector.broadcast %min3A_790 : f32 to vector<16xf32>
      %min3A_792 = arith.minimumf %max3A_789, %min3A_791 : vector<16xf32>
      %rem3A_793 = arith.constant 1.000000e+00 : f32
      %rem3A_794 = vector.broadcast %rem3A_793 : f32 to vector<16xf32>
      %rem3A_795 = arith.remf %add3A_506, %rem3A_794 : vector<16xf32>
      %lt3A_796 = arith.constant 0.000000e+00 : f32
      %lt3A_797 = vector.broadcast %lt3A_796 : f32 to vector<16xf32>
      %lt3A_798 = arith.cmpf olt, %rem3A_795, %lt3A_797 : vector<16xf32>
      %add3A_799 = arith.constant 1.000000e+00 : f32
      %add3A_800 = vector.broadcast %add3A_799 : f32 to vector<16xf32>
      %add3A_801 = arith.addf %rem3A_795, %add3A_800 : vector<16xf32>
      %select_n3A_802 = arith.select %lt3A_798, %add3A_801, %rem3A_795 : vector<16xi1>, vector<16xf32>
      %mul3A_803 = arith.mulf %add3A_506, %div3A : vector<16xf32>
      %select_n3A_804 = arith.select %lt3A_269, %select_n3A_802, %mul3A_803 : vector<16xi1>, vector<16xf32>
      %select_n3A_805 = arith.select %lt3A_233, %min3A_792, %select_n3A_804 : vector<16xi1>, vector<16xf32>
      %select_n3A_806 = arith.select %lt3A_197, %max3A_786, %select_n3A_805 : vector<16xi1>, vector<16xf32>
      tpu.vector_store_idx %arg9[%add3A_432, %rem3A_61], %select_n3A_806 : memref<128x12xf32, #tpu.memory_space<vmem>>[vector<16xi32>, vector<16xi32>], vector<16xf32>,
      %abs3A_807 = math.absf %add3A_514 : vector<16xf32>
      %max3A_808 = arith.constant 1.000000e-01 : f32
      %max3A_809 = vector.broadcast %max3A_808 : f32 to vector<16xf32>
      %max3A_810 = arith.maximumf %abs3A_807, %max3A_809 : vector<16xf32>
      %max3A_811 = arith.constant 1.000000e-01 : f32
      %max3A_812 = vector.broadcast %max3A_811 : f32 to vector<16xf32>
      %max3A_813 = arith.maximumf %add3A_514, %max3A_812 : vector<16xf32>
      %min3A_814 = arith.constant 3.0415926 : f32
      %min3A_815 = vector.broadcast %min3A_814 : f32 to vector<16xf32>
      %min3A_816 = arith.minimumf %max3A_813, %min3A_815 : vector<16xf32>
      %rem3A_817 = arith.constant 1.000000e+00 : f32
      %rem3A_818 = vector.broadcast %rem3A_817 : f32 to vector<16xf32>
      %rem3A_819 = arith.remf %add3A_514, %rem3A_818 : vector<16xf32>
      %lt3A_820 = arith.constant 0.000000e+00 : f32
      %lt3A_821 = vector.broadcast %lt3A_820 : f32 to vector<16xf32>
      %lt3A_822 = arith.cmpf olt, %rem3A_819, %lt3A_821 : vector<16xf32>
      %add3A_823 = arith.constant 1.000000e+00 : f32
      %add3A_824 = vector.broadcast %add3A_823 : f32 to vector<16xf32>
      %add3A_825 = arith.addf %rem3A_819, %add3A_824 : vector<16xf32>
      %select_n3A_826 = arith.select %lt3A_822, %add3A_825, %rem3A_819 : vector<16xi1>, vector<16xf32>
      %mul3A_827 = arith.mulf %add3A_514, %div3A : vector<16xf32>
      %select_n3A_828 = arith.select %lt3A_272, %select_n3A_826, %mul3A_827 : vector<16xi1>, vector<16xf32>
      %select_n3A_829 = arith.select %lt3A_236, %min3A_816, %select_n3A_828 : vector<16xi1>, vector<16xf32>
      %select_n3A_830 = arith.select %lt3A_200, %max3A_810, %select_n3A_829 : vector<16xi1>, vector<16xf32>
      tpu.vector_store_idx %arg9[%add3A_432, %rem3A_67], %select_n3A_830 : memref<128x12xf32, #tpu.memory_space<vmem>>[vector<16xi32>, vector<16xi32>], vector<16xf32>,
      %abs3A_831 = math.absf %add3A_522 : vector<16xf32>
      %max3A_832 = arith.constant 1.000000e-01 : f32
      %max3A_833 = vector.broadcast %max3A_832 : f32 to vector<16xf32>
      %max3A_834 = arith.maximumf %abs3A_831, %max3A_833 : vector<16xf32>
      %max3A_835 = arith.constant 1.000000e-01 : f32
      %max3A_836 = vector.broadcast %max3A_835 : f32 to vector<16xf32>
      %max3A_837 = arith.maximumf %add3A_522, %max3A_836 : vector<16xf32>
      %min3A_838 = arith.constant 3.0415926 : f32
      %min3A_839 = vector.broadcast %min3A_838 : f32 to vector<16xf32>
      %min3A_840 = arith.minimumf %max3A_837, %min3A_839 : vector<16xf32>
      %rem3A_841 = arith.constant 1.000000e+00 : f32
      %rem3A_842 = vector.broadcast %rem3A_841 : f32 to vector<16xf32>
      %rem3A_843 = arith.remf %add3A_522, %rem3A_842 : vector<16xf32>
      %lt3A_844 = arith.constant 0.000000e+00 : f32
      %lt3A_845 = vector.broadcast %lt3A_844 : f32 to vector<16xf32>
      %lt3A_846 = arith.cmpf olt, %rem3A_843, %lt3A_845 : vector<16xf32>
      %add3A_847 = arith.constant 1.000000e+00 : f32
      %add3A_848 = vector.broadcast %add3A_847 : f32 to vector<16xf32>
      %add3A_849 = arith.addf %rem3A_843, %add3A_848 : vector<16xf32>
      %select_n3A_850 = arith.select %lt3A_846, %add3A_849, %rem3A_843 : vector<16xi1>, vector<16xf32>
      %mul3A_851 = arith.mulf %add3A_522, %div3A : vector<16xf32>
      %select_n3A_852 = arith.select %lt3A_275, %select_n3A_850, %mul3A_851 : vector<16xi1>, vector<16xf32>
      %select_n3A_853 = arith.select %lt3A_239, %min3A_840, %select_n3A_852 : vector<16xi1>, vector<16xf32>
      %select_n3A_854 = arith.select %lt3A_203, %max3A_834, %select_n3A_853 : vector<16xi1>, vector<16xf32>
      tpu.vector_store_idx %arg9[%add3A_432, %rem3A_73], %select_n3A_854 : memref<128x12xf32, #tpu.memory_space<vmem>>[vector<16xi32>, vector<16xi32>], vector<16xf32>,
    }
    %scan3A_355 = arith.constant 8 : i32
    %add3A_356 = arith.constant 128 : i32
    %add3A_357 = arith.addi %mul3A_2, %add3A_356 : i32
    %dma_start3A_358 = arith.constant 0 : i32
    %dma_start3A_359 = tpu.memref_slice %arg5[%add3A_357, %dma_start3A_358] : memref<16384x12xf32, #tpu.memory_space<hbm>> -> memref<128x12xf32, #tpu.memory_space<hbm>>
    %dma_start3A_360 = arith.constant 0 : i32
    %dma_start3A_361 = tpu.memref_slice %arg5[%add3A_357, %dma_start3A_360] : memref<16384x12xf32, #tpu.memory_space<hbm>> -> memref<128x12xf32, #tpu.memory_space<hbm>>
    tpu.enqueue_dma source(%arg9 : memref<128x12xf32, #tpu.memory_space<vmem>>) target(%dma_start3A_361 : memref<128x12xf32, #tpu.memory_space<hbm>>) target_semaphore(%arg13 : memref<!tpu.dma_semaphore, #tpu.memory_space<semaphore_mem>>)
    %add3A_362 = arith.constant 384 : i32
    %add3A_363 = arith.addi %mul3A_2, %add3A_362 : i32
    %dma_start3A_364 = arith.constant 0 : i32
    %dma_start3A_365 = tpu.memref_slice %arg2[%add3A_363, %dma_start3A_364] : memref<16384x12xf32, #tpu.memory_space<hbm>> -> memref<128x12xf32, #tpu.memory_space<hbm>>
    %dma_start3A_366 = arith.constant 0 : i32
    %dma_start3A_367 = tpu.memref_slice %arg2[%add3A_363, %dma_start3A_366] : memref<16384x12xf32, #tpu.memory_space<hbm>> -> memref<128x12xf32, #tpu.memory_space<hbm>>
    tpu.enqueue_dma source(%dma_start3A_367 : memref<128x12xf32, #tpu.memory_space<hbm>>) target(%arg8 : memref<128x12xf32, #tpu.memory_space<vmem>>) target_semaphore(%arg11 : memref<!tpu.dma_semaphore, #tpu.memory_space<semaphore_mem>>)
    %add3A_368 = arith.constant 256 : i32
    %add3A_369 = arith.addi %mul3A_2, %add3A_368 : i32
    %dma_wait3A_370 = arith.constant 0 : i32
    %dma_wait3A_371 = tpu.memref_slice %arg2[%add3A_369, %dma_wait3A_370] : memref<16384x12xf32, #tpu.memory_space<hbm>> -> memref<128x12xf32, #tpu.memory_space<hbm>>
    %dma_wait3A_372 = arith.constant 0 : i32
    %dma_wait3A_373 = tpu.memref_slice %arg2[%add3A_369, %dma_wait3A_372] : memref<16384x12xf32, #tpu.memory_space<hbm>> -> memref<128x12xf32, #tpu.memory_space<hbm>>
    tpu.wait_dma2 semaphore(%arg10 : memref<!tpu.dma_semaphore, #tpu.memory_space<semaphore_mem>>) src(%dma_wait3A_373 : memref<128x12xf32, #tpu.memory_space<hbm>>) dst(%arg6 : memref<128x12xf32, #tpu.memory_space<vmem>>)
    %add3A_374 = arith.constant 0 : i32
    %add3A_375 = arith.addi %mul3A_2, %add3A_374 : i32
    %dma_wait3A_376 = arith.constant 0 : i32
    %dma_wait3A_377 = tpu.memref_slice %arg5[%add3A_375, %dma_wait3A_376] : memref<16384x12xf32, #tpu.memory_space<hbm>> -> memref<128x12xf32, #tpu.memory_space<hbm>>
    %dma_wait3A_378 = arith.constant 0 : i32
    %dma_wait3A_379 = tpu.memref_slice %arg5[%add3A_375, %dma_wait3A_378] : memref<16384x12xf32, #tpu.memory_space<hbm>> -> memref<128x12xf32, #tpu.memory_space<hbm>>
    tpu.wait_dma2 semaphore(%arg12 : memref<!tpu.dma_semaphore, #tpu.memory_space<semaphore_mem>>) src(%arg7 : memref<128x12xf32, #tpu.memory_space<vmem>>) dst(%dma_wait3A_379 : memref<128x12xf32, #tpu.memory_space<hbm>>)
    %scan3A_380 = arith.constant 0 : i32
    %scan3A_381 = arith.constant 0 : i32
    %scan3A_382 = arith.constant 8 : i32
    %scan3A_383 = arith.addi %scan3A_381, %scan3A_382 : i32
    %scan3A_384 = arith.constant 1 : i32
    scf.for %scan3A_428 = %scan3A_381 to %scan3A_383 step %scan3A_384  : i32 {
      %mul3A_429 = arith.constant 16 : i32
      %mul3A_430 = arith.muli %scan3A_428, %mul3A_429 : i32
      %add3A_431 = vector.broadcast %mul3A_430 : i32 to vector<16xi32>
      %add3A_432 = arith.addi %add3A_431, %iota3A : vector<16xi32>
      %broadcast_in_dim3A = arith.constant 1.000000e-30 : f32
      %broadcast_in_dim3A_433 = vector.broadcast %broadcast_in_dim3A : f32 to vector<16xf32>
      %gather3A_434 = tpu.vector_load_idx %arg6[%add3A_432, %rem3A_7] : memref<128x12xf32, #tpu.memory_space<vmem>>[vector<16xi32>, vector<16xi32>], vector<16xf32>,
      %mul3A_435 = arith.mulf %gather3A_434, %gather3A_124 : vector<16xf32>
      %add3A_436 = arith.addf %mul3A_435, %gather3A : vector<16xf32>
      %mul3A_437 = arith.mulf %add3A_436, %add3A_436 : vector<16xf32>
      %jit3A = arith.constant 0.000000e+00 : f32
      %broadcast_in_dim3A_438 = vector.broadcast %jit3A : f32 to vector<16xf32>
      %select_n3A = arith.select %ge3A_277, %mul3A_437, %broadcast_in_dim3A_438 : vector<16xi1>, vector<16xf32>
      %add3A_439 = arith.addf %broadcast_in_dim3A_433, %select_n3A : vector<16xf32>
      %gather3A_440 = tpu.vector_load_idx %arg6[%add3A_432, %rem3A_13] : memref<128x12xf32, #tpu.memory_space<vmem>>[vector<16xi32>, vector<16xi32>], vector<16xf32>,
      %mul3A_441 = arith.mulf %gather3A_440, %gather3A_128 : vector<16xf32>
      %add3A_442 = arith.addf %mul3A_441, %gather3A_80 : vector<16xf32>
      %mul3A_443 = arith.mulf %add3A_442, %add3A_442 : vector<16xf32>
      %jit3A_444 = arith.constant 0.000000e+00 : f32
      %broadcast_in_dim3A_445 = vector.broadcast %jit3A_444 : f32 to vector<16xf32>
      %select_n3A_446 = arith.select %ge3A_280, %mul3A_443, %broadcast_in_dim3A_445 : vector<16xi1>, vector<16xf32>
      %add3A_447 = arith.addf %add3A_439, %select_n3A_446 : vector<16xf32>
      %gather3A_448 = tpu.vector_load_idx %arg6[%add3A_432, %rem3A_19] : memref<128x12xf32, #tpu.memory_space<vmem>>[vector<16xi32>, vector<16xi32>], vector<16xf32>,
      %mul3A_449 = arith.mulf %gather3A_448, %gather3A_132 : vector<16xf32>
      %add3A_450 = arith.addf %mul3A_449, %gather3A_84 : vector<16xf32>
      %mul3A_451 = arith.mulf %add3A_450, %add3A_450 : vector<16xf32>
      %jit3A_452 = arith.constant 0.000000e+00 : f32
      %broadcast_in_dim3A_453 = vector.broadcast %jit3A_452 : f32 to vector<16xf32>
      %select_n3A_454 = arith.select %ge3A_283, %mul3A_451, %broadcast_in_dim3A_453 : vector<16xi1>, vector<16xf32>
      %add3A_455 = arith.addf %add3A_447, %select_n3A_454 : vector<16xf32>
      %gather3A_456 = tpu.vector_load_idx %arg6[%add3A_432, %rem3A_25] : memref<128x12xf32, #tpu.memory_space<vmem>>[vector<16xi32>, vector<16xi32>], vector<16xf32>,
      %mul3A_457 = arith.mulf %gather3A_456, %gather3A_136 : vector<16xf32>
      %add3A_458 = arith.addf %mul3A_457, %gather3A_88 : vector<16xf32>
      %mul3A_459 = arith.mulf %add3A_458, %add3A_458 : vector<16xf32>
      %jit3A_460 = arith.constant 0.000000e+00 : f32
      %broadcast_in_dim3A_461 = vector.broadcast %jit3A_460 : f32 to vector<16xf32>
      %select_n3A_462 = arith.select %ge3A_286, %mul3A_459, %broadcast_in_dim3A_461 : vector<16xi1>, vector<16xf32>
      %add3A_463 = arith.addf %add3A_455, %select_n3A_462 : vector<16xf32>
      %gather3A_464 = tpu.vector_load_idx %arg6[%add3A_432, %rem3A_31] : memref<128x12xf32, #tpu.memory_space<vmem>>[vector<16xi32>, vector<16xi32>], vector<16xf32>,
      %mul3A_465 = arith.mulf %gather3A_464, %gather3A_140 : vector<16xf32>
      %add3A_466 = arith.addf %mul3A_465, %gather3A_92 : vector<16xf32>
      %mul3A_467 = arith.mulf %add3A_466, %add3A_466 : vector<16xf32>
      %jit3A_468 = arith.constant 0.000000e+00 : f32
      %broadcast_in_dim3A_469 = vector.broadcast %jit3A_468 : f32 to vector<16xf32>
      %select_n3A_470 = arith.select %ge3A_289, %mul3A_467, %broadcast_in_dim3A_469 : vector<16xi1>, vector<16xf32>
      %add3A_471 = arith.addf %add3A_463, %select_n3A_470 : vector<16xf32>
      %gather3A_472 = tpu.vector_load_idx %arg6[%add3A_432, %rem3A_37] : memref<128x12xf32, #tpu.memory_space<vmem>>[vector<16xi32>, vector<16xi32>], vector<16xf32>,
      %mul3A_473 = arith.mulf %gather3A_472, %gather3A_144 : vector<16xf32>
      %add3A_474 = arith.addf %mul3A_473, %gather3A_96 : vector<16xf32>
      %mul3A_475 = arith.mulf %add3A_474, %add3A_474 : vector<16xf32>
      %jit3A_476 = arith.constant 0.000000e+00 : f32
      %broadcast_in_dim3A_477 = vector.broadcast %jit3A_476 : f32 to vector<16xf32>
      %select_n3A_478 = arith.select %ge3A_292, %mul3A_475, %broadcast_in_dim3A_477 : vector<16xi1>, vector<16xf32>
      %add3A_479 = arith.addf %add3A_471, %select_n3A_478 : vector<16xf32>
      %gather3A_480 = tpu.vector_load_idx %arg6[%add3A_432, %rem3A_43] : memref<128x12xf32, #tpu.memory_space<vmem>>[vector<16xi32>, vector<16xi32>], vector<16xf32>,
      %mul3A_481 = arith.mulf %gather3A_480, %gather3A_148 : vector<16xf32>
      %add3A_482 = arith.addf %mul3A_481, %gather3A_100 : vector<16xf32>
      %mul3A_483 = arith.mulf %add3A_482, %add3A_482 : vector<16xf32>
      %jit3A_484 = arith.constant 0.000000e+00 : f32
      %broadcast_in_dim3A_485 = vector.broadcast %jit3A_484 : f32 to vector<16xf32>
      %select_n3A_486 = arith.select %ge3A_295, %mul3A_483, %broadcast_in_dim3A_485 : vector<16xi1>, vector<16xf32>
      %add3A_487 = arith.addf %add3A_479, %select_n3A_486 : vector<16xf32>
      %gather3A_488 = tpu.vector_load_idx %arg6[%add3A_432, %rem3A_49] : memref<128x12xf32, #tpu.memory_space<vmem>>[vector<16xi32>, vector<16xi32>], vector<16xf32>,
      %mul3A_489 = arith.mulf %gather3A_488, %gather3A_152 : vector<16xf32>
      %add3A_490 = arith.addf %mul3A_489, %gather3A_104 : vector<16xf32>
      %mul3A_491 = arith.mulf %add3A_490, %add3A_490 : vector<16xf32>
      %jit3A_492 = arith.constant 0.000000e+00 : f32
      %broadcast_in_dim3A_493 = vector.broadcast %jit3A_492 : f32 to vector<16xf32>
      %select_n3A_494 = arith.select %ge3A_298, %mul3A_491, %broadcast_in_dim3A_493 : vector<16xi1>, vector<16xf32>
      %add3A_495 = arith.addf %add3A_487, %select_n3A_494 : vector<16xf32>
      %gather3A_496 = tpu.vector_load_idx %arg6[%add3A_432, %rem3A_55] : memref<128x12xf32, #tpu.memory_space<vmem>>[vector<16xi32>, vector<16xi32>], vector<16xf32>,
      %mul3A_497 = arith.mulf %gather3A_496, %gather3A_156 : vector<16xf32>
      %add3A_498 = arith.addf %mul3A_497, %gather3A_108 : vector<16xf32>
      %mul3A_499 = arith.mulf %add3A_498, %add3A_498 : vector<16xf32>
      %jit3A_500 = arith.constant 0.000000e+00 : f32
      %broadcast_in_dim3A_501 = vector.broadcast %jit3A_500 : f32 to vector<16xf32>
      %select_n3A_502 = arith.select %ge3A_301, %mul3A_499, %broadcast_in_dim3A_501 : vector<16xi1>, vector<16xf32>
      %add3A_503 = arith.addf %add3A_495, %select_n3A_502 : vector<16xf32>
      %gather3A_504 = tpu.vector_load_idx %arg6[%add3A_432, %rem3A_61] : memref<128x12xf32, #tpu.memory_space<vmem>>[vector<16xi32>, vector<16xi32>], vector<16xf32>,
      %mul3A_505 = arith.mulf %gather3A_504, %gather3A_160 : vector<16xf32>
      %add3A_506 = arith.addf %mul3A_505, %gather3A_112 : vector<16xf32>
      %mul3A_507 = arith.mulf %add3A_506, %add3A_506 : vector<16xf32>
      %jit3A_508 = arith.constant 0.000000e+00 : f32
      %broadcast_in_dim3A_509 = vector.broadcast %jit3A_508 : f32 to vector<16xf32>
      %select_n3A_510 = arith.select %ge3A_304, %mul3A_507, %broadcast_in_dim3A_509 : vector<16xi1>, vector<16xf32>
      %add3A_511 = arith.addf %add3A_503, %select_n3A_510 : vector<16xf32>
      %gather3A_512 = tpu.vector_load_idx %arg6[%add3A_432, %rem3A_67] : memref<128x12xf32, #tpu.memory_space<vmem>>[vector<16xi32>, vector<16xi32>], vector<16xf32>,
      %mul3A_513 = arith.mulf %gather3A_512, %gather3A_164 : vector<16xf32>
      %add3A_514 = arith.addf %mul3A_513, %gather3A_116 : vector<16xf32>
      %mul3A_515 = arith.mulf %add3A_514, %add3A_514 : vector<16xf32>
      %jit3A_516 = arith.constant 0.000000e+00 : f32
      %broadcast_in_dim3A_517 = vector.broadcast %jit3A_516 : f32 to vector<16xf32>
      %select_n3A_518 = arith.select %ge3A_307, %mul3A_515, %broadcast_in_dim3A_517 : vector<16xi1>, vector<16xf32>
      %add3A_519 = arith.addf %add3A_511, %select_n3A_518 : vector<16xf32>
      %gather3A_520 = tpu.vector_load_idx %arg6[%add3A_432, %rem3A_73] : memref<128x12xf32, #tpu.memory_space<vmem>>[vector<16xi32>, vector<16xi32>], vector<16xf32>,
      %mul3A_521 = arith.mulf %gather3A_520, %gather3A_168 : vector<16xf32>
      %add3A_522 = arith.addf %mul3A_521, %gather3A_120 : vector<16xf32>
      %mul3A_523 = arith.mulf %add3A_522, %add3A_522 : vector<16xf32>
      %jit3A_524 = arith.constant 0.000000e+00 : f32
      %broadcast_in_dim3A_525 = vector.broadcast %jit3A_524 : f32 to vector<16xf32>
      %select_n3A_526 = arith.select %ge3A_310, %mul3A_523, %broadcast_in_dim3A_525 : vector<16xi1>, vector<16xf32>
      %add3A_527 = arith.addf %add3A_519, %select_n3A_526 : vector<16xf32>
      %bitcast3A = vector.bitcast %add3A_527 : vector<16xf32> to vector<16xi32>
      %shift_right_logical3A = arith.constant 1 : i32
      %shift_right_logical3A_528 = vector.broadcast %shift_right_logical3A : i32 to vector<16xi32>
      %shift_right_logical3A_529 = arith.shrui %bitcast3A, %shift_right_logical3A_528 : vector<16xi32>
      %sub3A = arith.constant 1597463007 : i32
      %sub3A_530 = vector.broadcast %sub3A : i32 to vector<16xi32>
      %sub3A_531 = arith.subi %sub3A_530, %shift_right_logical3A_529 : vector<16xi32>
      %bitcast3A_532 = vector.bitcast %sub3A_531 : vector<16xi32> to vector<16xf32>
      %mul3A_533 = arith.constant 5.000000e-01 : f32
      %mul3A_534 = vector.broadcast %mul3A_533 : f32 to vector<16xf32>
      %mul3A_535 = arith.mulf %mul3A_534, %add3A_527 : vector<16xf32>
      %mul3A_536 = arith.mulf %mul3A_535, %bitcast3A_532 : vector<16xf32>
      %mul3A_537 = arith.mulf %mul3A_536, %bitcast3A_532 : vector<16xf32>
      %sub3A_538 = arith.constant 1.500000e+00 : f32
      %sub3A_539 = vector.broadcast %sub3A_538 : f32 to vector<16xf32>
      %sub3A_540 = arith.subf %sub3A_539, %mul3A_537 : vector<16xf32>
      %mul3A_541 = arith.mulf %bitcast3A_532, %sub3A_540 : vector<16xf32>
      %mul3A_542 = arith.constant 5.000000e-01 : f32
      %mul3A_543 = vector.broadcast %mul3A_542 : f32 to vector<16xf32>
      %mul3A_544 = arith.mulf %mul3A_543, %add3A_527 : vector<16xf32>
      %mul3A_545 = arith.mulf %mul3A_544, %mul3A_541 : vector<16xf32>
      %mul3A_546 = arith.mulf %mul3A_545, %mul3A_541 : vector<16xf32>
      %sub3A_547 = arith.constant 1.500000e+00 : f32
      %sub3A_548 = vector.broadcast %sub3A_547 : f32 to vector<16xf32>
      %sub3A_549 = arith.subf %sub3A_548, %mul3A_546 : vector<16xf32>
      %mul3A_550 = arith.mulf %mul3A_541, %sub3A_549 : vector<16xf32>
      %mul3A_551 = arith.constant 5.000000e-01 : f32
      %mul3A_552 = vector.broadcast %mul3A_551 : f32 to vector<16xf32>
      %mul3A_553 = arith.mulf %mul3A_552, %add3A_527 : vector<16xf32>
      %mul3A_554 = arith.mulf %mul3A_553, %mul3A_550 : vector<16xf32>
      %mul3A_555 = arith.mulf %mul3A_554, %mul3A_550 : vector<16xf32>
      %sub3A_556 = arith.constant 1.500000e+00 : f32
      %sub3A_557 = vector.broadcast %sub3A_556 : f32 to vector<16xf32>
      %sub3A_558 = arith.subf %sub3A_557, %mul3A_555 : vector<16xf32>
      %mul3A_559 = arith.mulf %mul3A_550, %sub3A_558 : vector<16xf32>
      %mul3A_560 = arith.mulf %add3A_527, %mul3A_559 : vector<16xf32>
      %add3A_561 = arith.constant 9.99999993E-9 : f32
      %add3A_562 = vector.broadcast %add3A_561 : f32 to vector<16xf32>
      %add3A_563 = arith.addf %mul3A_560, %add3A_562 : vector<16xf32>
      %max3A = arith.constant 0.00999999977 : f32
      %max3A_564 = vector.broadcast %max3A : f32 to vector<16xf32>
      %max3A_565 = arith.maximumf %add3A_563, %max3A_564 : vector<16xf32>
      %min3A = arith.constant 6.28318548 : f32
      %min3A_566 = vector.broadcast %min3A : f32 to vector<16xf32>
      %min3A_567 = arith.minimumf %max3A_565, %min3A_566 : vector<16xf32>
      %div3A = arith.divf %min3A_567, %add3A_563 : vector<16xf32>
      %abs3A = math.absf %add3A_436 : vector<16xf32>
      %max3A_568 = arith.constant 1.000000e-01 : f32
      %max3A_569 = vector.broadcast %max3A_568 : f32 to vector<16xf32>
      %max3A_570 = arith.maximumf %abs3A, %max3A_569 : vector<16xf32>
      %max3A_571 = arith.constant 1.000000e-01 : f32
      %max3A_572 = vector.broadcast %max3A_571 : f32 to vector<16xf32>
      %max3A_573 = arith.maximumf %add3A_436, %max3A_572 : vector<16xf32>
      %min3A_574 = arith.constant 3.0415926 : f32
      %min3A_575 = vector.broadcast %min3A_574 : f32 to vector<16xf32>
      %min3A_576 = arith.minimumf %max3A_573, %min3A_575 : vector<16xf32>
      %rem3A_577 = arith.constant 1.000000e+00 : f32
      %rem3A_578 = vector.broadcast %rem3A_577 : f32 to vector<16xf32>
      %rem3A_579 = arith.remf %add3A_436, %rem3A_578 : vector<16xf32>
      %lt3A_580 = arith.constant 0.000000e+00 : f32
      %lt3A_581 = vector.broadcast %lt3A_580 : f32 to vector<16xf32>
      %lt3A_582 = arith.cmpf olt, %rem3A_579, %lt3A_581 : vector<16xf32>
      %add3A_583 = arith.constant 1.000000e+00 : f32
      %add3A_584 = vector.broadcast %add3A_583 : f32 to vector<16xf32>
      %add3A_585 = arith.addf %rem3A_579, %add3A_584 : vector<16xf32>
      %select_n3A_586 = arith.select %lt3A_582, %add3A_585, %rem3A_579 : vector<16xi1>, vector<16xf32>
      %mul3A_587 = arith.mulf %add3A_436, %div3A : vector<16xf32>
      %select_n3A_588 = arith.select %lt3A_242, %select_n3A_586, %mul3A_587 : vector<16xi1>, vector<16xf32>
      %select_n3A_589 = arith.select %lt3A_206, %min3A_576, %select_n3A_588 : vector<16xi1>, vector<16xf32>
      %select_n3A_590 = arith.select %lt3A_170, %max3A_570, %select_n3A_589 : vector<16xi1>, vector<16xf32>
      tpu.vector_store_idx %arg7[%add3A_432, %rem3A_7], %select_n3A_590 : memref<128x12xf32, #tpu.memory_space<vmem>>[vector<16xi32>, vector<16xi32>], vector<16xf32>,
      %abs3A_591 = math.absf %add3A_442 : vector<16xf32>
      %max3A_592 = arith.constant 1.000000e-01 : f32
      %max3A_593 = vector.broadcast %max3A_592 : f32 to vector<16xf32>
      %max3A_594 = arith.maximumf %abs3A_591, %max3A_593 : vector<16xf32>
      %max3A_595 = arith.constant 1.000000e-01 : f32
      %max3A_596 = vector.broadcast %max3A_595 : f32 to vector<16xf32>
      %max3A_597 = arith.maximumf %add3A_442, %max3A_596 : vector<16xf32>
      %min3A_598 = arith.constant 3.0415926 : f32
      %min3A_599 = vector.broadcast %min3A_598 : f32 to vector<16xf32>
      %min3A_600 = arith.minimumf %max3A_597, %min3A_599 : vector<16xf32>
      %rem3A_601 = arith.constant 1.000000e+00 : f32
      %rem3A_602 = vector.broadcast %rem3A_601 : f32 to vector<16xf32>
      %rem3A_603 = arith.remf %add3A_442, %rem3A_602 : vector<16xf32>
      %lt3A_604 = arith.constant 0.000000e+00 : f32
      %lt3A_605 = vector.broadcast %lt3A_604 : f32 to vector<16xf32>
      %lt3A_606 = arith.cmpf olt, %rem3A_603, %lt3A_605 : vector<16xf32>
      %add3A_607 = arith.constant 1.000000e+00 : f32
      %add3A_608 = vector.broadcast %add3A_607 : f32 to vector<16xf32>
      %add3A_609 = arith.addf %rem3A_603, %add3A_608 : vector<16xf32>
      %select_n3A_610 = arith.select %lt3A_606, %add3A_609, %rem3A_603 : vector<16xi1>, vector<16xf32>
      %mul3A_611 = arith.mulf %add3A_442, %div3A : vector<16xf32>
      %select_n3A_612 = arith.select %lt3A_245, %select_n3A_610, %mul3A_611 : vector<16xi1>, vector<16xf32>
      %select_n3A_613 = arith.select %lt3A_209, %min3A_600, %select_n3A_612 : vector<16xi1>, vector<16xf32>
      %select_n3A_614 = arith.select %lt3A_173, %max3A_594, %select_n3A_613 : vector<16xi1>, vector<16xf32>
      tpu.vector_store_idx %arg7[%add3A_432, %rem3A_13], %select_n3A_614 : memref<128x12xf32, #tpu.memory_space<vmem>>[vector<16xi32>, vector<16xi32>], vector<16xf32>,
      %abs3A_615 = math.absf %add3A_450 : vector<16xf32>
      %max3A_616 = arith.constant 1.000000e-01 : f32
      %max3A_617 = vector.broadcast %max3A_616 : f32 to vector<16xf32>
      %max3A_618 = arith.maximumf %abs3A_615, %max3A_617 : vector<16xf32>
      %max3A_619 = arith.constant 1.000000e-01 : f32
      %max3A_620 = vector.broadcast %max3A_619 : f32 to vector<16xf32>
      %max3A_621 = arith.maximumf %add3A_450, %max3A_620 : vector<16xf32>
      %min3A_622 = arith.constant 3.0415926 : f32
      %min3A_623 = vector.broadcast %min3A_622 : f32 to vector<16xf32>
      %min3A_624 = arith.minimumf %max3A_621, %min3A_623 : vector<16xf32>
      %rem3A_625 = arith.constant 1.000000e+00 : f32
      %rem3A_626 = vector.broadcast %rem3A_625 : f32 to vector<16xf32>
      %rem3A_627 = arith.remf %add3A_450, %rem3A_626 : vector<16xf32>
      %lt3A_628 = arith.constant 0.000000e+00 : f32
      %lt3A_629 = vector.broadcast %lt3A_628 : f32 to vector<16xf32>
      %lt3A_630 = arith.cmpf olt, %rem3A_627, %lt3A_629 : vector<16xf32>
      %add3A_631 = arith.constant 1.000000e+00 : f32
      %add3A_632 = vector.broadcast %add3A_631 : f32 to vector<16xf32>
      %add3A_633 = arith.addf %rem3A_627, %add3A_632 : vector<16xf32>
      %select_n3A_634 = arith.select %lt3A_630, %add3A_633, %rem3A_627 : vector<16xi1>, vector<16xf32>
      %mul3A_635 = arith.mulf %add3A_450, %div3A : vector<16xf32>
      %select_n3A_636 = arith.select %lt3A_248, %select_n3A_634, %mul3A_635 : vector<16xi1>, vector<16xf32>
      %select_n3A_637 = arith.select %lt3A_212, %min3A_624, %select_n3A_636 : vector<16xi1>, vector<16xf32>
      %select_n3A_638 = arith.select %lt3A_176, %max3A_618, %select_n3A_637 : vector<16xi1>, vector<16xf32>
      tpu.vector_store_idx %arg7[%add3A_432, %rem3A_19], %select_n3A_638 : memref<128x12xf32, #tpu.memory_space<vmem>>[vector<16xi32>, vector<16xi32>], vector<16xf32>,
      %abs3A_639 = math.absf %add3A_458 : vector<16xf32>
      %max3A_640 = arith.constant 1.000000e-01 : f32
      %max3A_641 = vector.broadcast %max3A_640 : f32 to vector<16xf32>
      %max3A_642 = arith.maximumf %abs3A_639, %max3A_641 : vector<16xf32>
      %max3A_643 = arith.constant 1.000000e-01 : f32
      %max3A_644 = vector.broadcast %max3A_643 : f32 to vector<16xf32>
      %max3A_645 = arith.maximumf %add3A_458, %max3A_644 : vector<16xf32>
      %min3A_646 = arith.constant 3.0415926 : f32
      %min3A_647 = vector.broadcast %min3A_646 : f32 to vector<16xf32>
      %min3A_648 = arith.minimumf %max3A_645, %min3A_647 : vector<16xf32>
      %rem3A_649 = arith.constant 1.000000e+00 : f32
      %rem3A_650 = vector.broadcast %rem3A_649 : f32 to vector<16xf32>
      %rem3A_651 = arith.remf %add3A_458, %rem3A_650 : vector<16xf32>
      %lt3A_652 = arith.constant 0.000000e+00 : f32
      %lt3A_653 = vector.broadcast %lt3A_652 : f32 to vector<16xf32>
      %lt3A_654 = arith.cmpf olt, %rem3A_651, %lt3A_653 : vector<16xf32>
      %add3A_655 = arith.constant 1.000000e+00 : f32
      %add3A_656 = vector.broadcast %add3A_655 : f32 to vector<16xf32>
      %add3A_657 = arith.addf %rem3A_651, %add3A_656 : vector<16xf32>
      %select_n3A_658 = arith.select %lt3A_654, %add3A_657, %rem3A_651 : vector<16xi1>, vector<16xf32>
      %mul3A_659 = arith.mulf %add3A_458, %div3A : vector<16xf32>
      %select_n3A_660 = arith.select %lt3A_251, %select_n3A_658, %mul3A_659 : vector<16xi1>, vector<16xf32>
      %select_n3A_661 = arith.select %lt3A_215, %min3A_648, %select_n3A_660 : vector<16xi1>, vector<16xf32>
      %select_n3A_662 = arith.select %lt3A_179, %max3A_642, %select_n3A_661 : vector<16xi1>, vector<16xf32>
      tpu.vector_store_idx %arg7[%add3A_432, %rem3A_25], %select_n3A_662 : memref<128x12xf32, #tpu.memory_space<vmem>>[vector<16xi32>, vector<16xi32>], vector<16xf32>,
      %abs3A_663 = math.absf %add3A_466 : vector<16xf32>
      %max3A_664 = arith.constant 1.000000e-01 : f32
      %max3A_665 = vector.broadcast %max3A_664 : f32 to vector<16xf32>
      %max3A_666 = arith.maximumf %abs3A_663, %max3A_665 : vector<16xf32>
      %max3A_667 = arith.constant 1.000000e-01 : f32
      %max3A_668 = vector.broadcast %max3A_667 : f32 to vector<16xf32>
      %max3A_669 = arith.maximumf %add3A_466, %max3A_668 : vector<16xf32>
      %min3A_670 = arith.constant 3.0415926 : f32
      %min3A_671 = vector.broadcast %min3A_670 : f32 to vector<16xf32>
      %min3A_672 = arith.minimumf %max3A_669, %min3A_671 : vector<16xf32>
      %rem3A_673 = arith.constant 1.000000e+00 : f32
      %rem3A_674 = vector.broadcast %rem3A_673 : f32 to vector<16xf32>
      %rem3A_675 = arith.remf %add3A_466, %rem3A_674 : vector<16xf32>
      %lt3A_676 = arith.constant 0.000000e+00 : f32
      %lt3A_677 = vector.broadcast %lt3A_676 : f32 to vector<16xf32>
      %lt3A_678 = arith.cmpf olt, %rem3A_675, %lt3A_677 : vector<16xf32>
      %add3A_679 = arith.constant 1.000000e+00 : f32
      %add3A_680 = vector.broadcast %add3A_679 : f32 to vector<16xf32>
      %add3A_681 = arith.addf %rem3A_675, %add3A_680 : vector<16xf32>
      %select_n3A_682 = arith.select %lt3A_678, %add3A_681, %rem3A_675 : vector<16xi1>, vector<16xf32>
      %mul3A_683 = arith.mulf %add3A_466, %div3A : vector<16xf32>
      %select_n3A_684 = arith.select %lt3A_254, %select_n3A_682, %mul3A_683 : vector<16xi1>, vector<16xf32>
      %select_n3A_685 = arith.select %lt3A_218, %min3A_672, %select_n3A_684 : vector<16xi1>, vector<16xf32>
      %select_n3A_686 = arith.select %lt3A_182, %max3A_666, %select_n3A_685 : vector<16xi1>, vector<16xf32>
      tpu.vector_store_idx %arg7[%add3A_432, %rem3A_31], %select_n3A_686 : memref<128x12xf32, #tpu.memory_space<vmem>>[vector<16xi32>, vector<16xi32>], vector<16xf32>,
      %abs3A_687 = math.absf %add3A_474 : vector<16xf32>
      %max3A_688 = arith.constant 1.000000e-01 : f32
      %max3A_689 = vector.broadcast %max3A_688 : f32 to vector<16xf32>
      %max3A_690 = arith.maximumf %abs3A_687, %max3A_689 : vector<16xf32>
      %max3A_691 = arith.constant 1.000000e-01 : f32
      %max3A_692 = vector.broadcast %max3A_691 : f32 to vector<16xf32>
      %max3A_693 = arith.maximumf %add3A_474, %max3A_692 : vector<16xf32>
      %min3A_694 = arith.constant 3.0415926 : f32
      %min3A_695 = vector.broadcast %min3A_694 : f32 to vector<16xf32>
      %min3A_696 = arith.minimumf %max3A_693, %min3A_695 : vector<16xf32>
      %rem3A_697 = arith.constant 1.000000e+00 : f32
      %rem3A_698 = vector.broadcast %rem3A_697 : f32 to vector<16xf32>
      %rem3A_699 = arith.remf %add3A_474, %rem3A_698 : vector<16xf32>
      %lt3A_700 = arith.constant 0.000000e+00 : f32
      %lt3A_701 = vector.broadcast %lt3A_700 : f32 to vector<16xf32>
      %lt3A_702 = arith.cmpf olt, %rem3A_699, %lt3A_701 : vector<16xf32>
      %add3A_703 = arith.constant 1.000000e+00 : f32
      %add3A_704 = vector.broadcast %add3A_703 : f32 to vector<16xf32>
      %add3A_705 = arith.addf %rem3A_699, %add3A_704 : vector<16xf32>
      %select_n3A_706 = arith.select %lt3A_702, %add3A_705, %rem3A_699 : vector<16xi1>, vector<16xf32>
      %mul3A_707 = arith.mulf %add3A_474, %div3A : vector<16xf32>
      %select_n3A_708 = arith.select %lt3A_257, %select_n3A_706, %mul3A_707 : vector<16xi1>, vector<16xf32>
      %select_n3A_709 = arith.select %lt3A_221, %min3A_696, %select_n3A_708 : vector<16xi1>, vector<16xf32>
      %select_n3A_710 = arith.select %lt3A_185, %max3A_690, %select_n3A_709 : vector<16xi1>, vector<16xf32>
      tpu.vector_store_idx %arg7[%add3A_432, %rem3A_37], %select_n3A_710 : memref<128x12xf32, #tpu.memory_space<vmem>>[vector<16xi32>, vector<16xi32>], vector<16xf32>,
      %abs3A_711 = math.absf %add3A_482 : vector<16xf32>
      %max3A_712 = arith.constant 1.000000e-01 : f32
      %max3A_713 = vector.broadcast %max3A_712 : f32 to vector<16xf32>
      %max3A_714 = arith.maximumf %abs3A_711, %max3A_713 : vector<16xf32>
      %max3A_715 = arith.constant 1.000000e-01 : f32
      %max3A_716 = vector.broadcast %max3A_715 : f32 to vector<16xf32>
      %max3A_717 = arith.maximumf %add3A_482, %max3A_716 : vector<16xf32>
      %min3A_718 = arith.constant 3.0415926 : f32
      %min3A_719 = vector.broadcast %min3A_718 : f32 to vector<16xf32>
      %min3A_720 = arith.minimumf %max3A_717, %min3A_719 : vector<16xf32>
      %rem3A_721 = arith.constant 1.000000e+00 : f32
      %rem3A_722 = vector.broadcast %rem3A_721 : f32 to vector<16xf32>
      %rem3A_723 = arith.remf %add3A_482, %rem3A_722 : vector<16xf32>
      %lt3A_724 = arith.constant 0.000000e+00 : f32
      %lt3A_725 = vector.broadcast %lt3A_724 : f32 to vector<16xf32>
      %lt3A_726 = arith.cmpf olt, %rem3A_723, %lt3A_725 : vector<16xf32>
      %add3A_727 = arith.constant 1.000000e+00 : f32
      %add3A_728 = vector.broadcast %add3A_727 : f32 to vector<16xf32>
      %add3A_729 = arith.addf %rem3A_723, %add3A_728 : vector<16xf32>
      %select_n3A_730 = arith.select %lt3A_726, %add3A_729, %rem3A_723 : vector<16xi1>, vector<16xf32>
      %mul3A_731 = arith.mulf %add3A_482, %div3A : vector<16xf32>
      %select_n3A_732 = arith.select %lt3A_260, %select_n3A_730, %mul3A_731 : vector<16xi1>, vector<16xf32>
      %select_n3A_733 = arith.select %lt3A_224, %min3A_720, %select_n3A_732 : vector<16xi1>, vector<16xf32>
      %select_n3A_734 = arith.select %lt3A_188, %max3A_714, %select_n3A_733 : vector<16xi1>, vector<16xf32>
      tpu.vector_store_idx %arg7[%add3A_432, %rem3A_43], %select_n3A_734 : memref<128x12xf32, #tpu.memory_space<vmem>>[vector<16xi32>, vector<16xi32>], vector<16xf32>,
      %abs3A_735 = math.absf %add3A_490 : vector<16xf32>
      %max3A_736 = arith.constant 1.000000e-01 : f32
      %max3A_737 = vector.broadcast %max3A_736 : f32 to vector<16xf32>
      %max3A_738 = arith.maximumf %abs3A_735, %max3A_737 : vector<16xf32>
      %max3A_739 = arith.constant 1.000000e-01 : f32
      %max3A_740 = vector.broadcast %max3A_739 : f32 to vector<16xf32>
      %max3A_741 = arith.maximumf %add3A_490, %max3A_740 : vector<16xf32>
      %min3A_742 = arith.constant 3.0415926 : f32
      %min3A_743 = vector.broadcast %min3A_742 : f32 to vector<16xf32>
      %min3A_744 = arith.minimumf %max3A_741, %min3A_743 : vector<16xf32>
      %rem3A_745 = arith.constant 1.000000e+00 : f32
      %rem3A_746 = vector.broadcast %rem3A_745 : f32 to vector<16xf32>
      %rem3A_747 = arith.remf %add3A_490, %rem3A_746 : vector<16xf32>
      %lt3A_748 = arith.constant 0.000000e+00 : f32
      %lt3A_749 = vector.broadcast %lt3A_748 : f32 to vector<16xf32>
      %lt3A_750 = arith.cmpf olt, %rem3A_747, %lt3A_749 : vector<16xf32>
      %add3A_751 = arith.constant 1.000000e+00 : f32
      %add3A_752 = vector.broadcast %add3A_751 : f32 to vector<16xf32>
      %add3A_753 = arith.addf %rem3A_747, %add3A_752 : vector<16xf32>
      %select_n3A_754 = arith.select %lt3A_750, %add3A_753, %rem3A_747 : vector<16xi1>, vector<16xf32>
      %mul3A_755 = arith.mulf %add3A_490, %div3A : vector<16xf32>
      %select_n3A_756 = arith.select %lt3A_263, %select_n3A_754, %mul3A_755 : vector<16xi1>, vector<16xf32>
      %select_n3A_757 = arith.select %lt3A_227, %min3A_744, %select_n3A_756 : vector<16xi1>, vector<16xf32>
      %select_n3A_758 = arith.select %lt3A_191, %max3A_738, %select_n3A_757 : vector<16xi1>, vector<16xf32>
      tpu.vector_store_idx %arg7[%add3A_432, %rem3A_49], %select_n3A_758 : memref<128x12xf32, #tpu.memory_space<vmem>>[vector<16xi32>, vector<16xi32>], vector<16xf32>,
      %abs3A_759 = math.absf %add3A_498 : vector<16xf32>
      %max3A_760 = arith.constant 1.000000e-01 : f32
      %max3A_761 = vector.broadcast %max3A_760 : f32 to vector<16xf32>
      %max3A_762 = arith.maximumf %abs3A_759, %max3A_761 : vector<16xf32>
      %max3A_763 = arith.constant 1.000000e-01 : f32
      %max3A_764 = vector.broadcast %max3A_763 : f32 to vector<16xf32>
      %max3A_765 = arith.maximumf %add3A_498, %max3A_764 : vector<16xf32>
      %min3A_766 = arith.constant 3.0415926 : f32
      %min3A_767 = vector.broadcast %min3A_766 : f32 to vector<16xf32>
      %min3A_768 = arith.minimumf %max3A_765, %min3A_767 : vector<16xf32>
      %rem3A_769 = arith.constant 1.000000e+00 : f32
      %rem3A_770 = vector.broadcast %rem3A_769 : f32 to vector<16xf32>
      %rem3A_771 = arith.remf %add3A_498, %rem3A_770 : vector<16xf32>
      %lt3A_772 = arith.constant 0.000000e+00 : f32
      %lt3A_773 = vector.broadcast %lt3A_772 : f32 to vector<16xf32>
      %lt3A_774 = arith.cmpf olt, %rem3A_771, %lt3A_773 : vector<16xf32>
      %add3A_775 = arith.constant 1.000000e+00 : f32
      %add3A_776 = vector.broadcast %add3A_775 : f32 to vector<16xf32>
      %add3A_777 = arith.addf %rem3A_771, %add3A_776 : vector<16xf32>
      %select_n3A_778 = arith.select %lt3A_774, %add3A_777, %rem3A_771 : vector<16xi1>, vector<16xf32>
      %mul3A_779 = arith.mulf %add3A_498, %div3A : vector<16xf32>
      %select_n3A_780 = arith.select %lt3A_266, %select_n3A_778, %mul3A_779 : vector<16xi1>, vector<16xf32>
      %select_n3A_781 = arith.select %lt3A_230, %min3A_768, %select_n3A_780 : vector<16xi1>, vector<16xf32>
      %select_n3A_782 = arith.select %lt3A_194, %max3A_762, %select_n3A_781 : vector<16xi1>, vector<16xf32>
      tpu.vector_store_idx %arg7[%add3A_432, %rem3A_55], %select_n3A_782 : memref<128x12xf32, #tpu.memory_space<vmem>>[vector<16xi32>, vector<16xi32>], vector<16xf32>,
      %abs3A_783 = math.absf %add3A_506 : vector<16xf32>
      %max3A_784 = arith.constant 1.000000e-01 : f32
      %max3A_785 = vector.broadcast %max3A_784 : f32 to vector<16xf32>
      %max3A_786 = arith.maximumf %abs3A_783, %max3A_785 : vector<16xf32>
      %max3A_787 = arith.constant 1.000000e-01 : f32
      %max3A_788 = vector.broadcast %max3A_787 : f32 to vector<16xf32>
      %max3A_789 = arith.maximumf %add3A_506, %max3A_788 : vector<16xf32>
      %min3A_790 = arith.constant 3.0415926 : f32
      %min3A_791 = vector.broadcast %min3A_790 : f32 to vector<16xf32>
      %min3A_792 = arith.minimumf %max3A_789, %min3A_791 : vector<16xf32>
      %rem3A_793 = arith.constant 1.000000e+00 : f32
      %rem3A_794 = vector.broadcast %rem3A_793 : f32 to vector<16xf32>
      %rem3A_795 = arith.remf %add3A_506, %rem3A_794 : vector<16xf32>
      %lt3A_796 = arith.constant 0.000000e+00 : f32
      %lt3A_797 = vector.broadcast %lt3A_796 : f32 to vector<16xf32>
      %lt3A_798 = arith.cmpf olt, %rem3A_795, %lt3A_797 : vector<16xf32>
      %add3A_799 = arith.constant 1.000000e+00 : f32
      %add3A_800 = vector.broadcast %add3A_799 : f32 to vector<16xf32>
      %add3A_801 = arith.addf %rem3A_795, %add3A_800 : vector<16xf32>
      %select_n3A_802 = arith.select %lt3A_798, %add3A_801, %rem3A_795 : vector<16xi1>, vector<16xf32>
      %mul3A_803 = arith.mulf %add3A_506, %div3A : vector<16xf32>
      %select_n3A_804 = arith.select %lt3A_269, %select_n3A_802, %mul3A_803 : vector<16xi1>, vector<16xf32>
      %select_n3A_805 = arith.select %lt3A_233, %min3A_792, %select_n3A_804 : vector<16xi1>, vector<16xf32>
      %select_n3A_806 = arith.select %lt3A_197, %max3A_786, %select_n3A_805 : vector<16xi1>, vector<16xf32>
      tpu.vector_store_idx %arg7[%add3A_432, %rem3A_61], %select_n3A_806 : memref<128x12xf32, #tpu.memory_space<vmem>>[vector<16xi32>, vector<16xi32>], vector<16xf32>,
      %abs3A_807 = math.absf %add3A_514 : vector<16xf32>
      %max3A_808 = arith.constant 1.000000e-01 : f32
      %max3A_809 = vector.broadcast %max3A_808 : f32 to vector<16xf32>
      %max3A_810 = arith.maximumf %abs3A_807, %max3A_809 : vector<16xf32>
      %max3A_811 = arith.constant 1.000000e-01 : f32
      %max3A_812 = vector.broadcast %max3A_811 : f32 to vector<16xf32>
      %max3A_813 = arith.maximumf %add3A_514, %max3A_812 : vector<16xf32>
      %min3A_814 = arith.constant 3.0415926 : f32
      %min3A_815 = vector.broadcast %min3A_814 : f32 to vector<16xf32>
      %min3A_816 = arith.minimumf %max3A_813, %min3A_815 : vector<16xf32>
      %rem3A_817 = arith.constant 1.000000e+00 : f32
      %rem3A_818 = vector.broadcast %rem3A_817 : f32 to vector<16xf32>
      %rem3A_819 = arith.remf %add3A_514, %rem3A_818 : vector<16xf32>
      %lt3A_820 = arith.constant 0.000000e+00 : f32
      %lt3A_821 = vector.broadcast %lt3A_820 : f32 to vector<16xf32>
      %lt3A_822 = arith.cmpf olt, %rem3A_819, %lt3A_821 : vector<16xf32>
      %add3A_823 = arith.constant 1.000000e+00 : f32
      %add3A_824 = vector.broadcast %add3A_823 : f32 to vector<16xf32>
      %add3A_825 = arith.addf %rem3A_819, %add3A_824 : vector<16xf32>
      %select_n3A_826 = arith.select %lt3A_822, %add3A_825, %rem3A_819 : vector<16xi1>, vector<16xf32>
      %mul3A_827 = arith.mulf %add3A_514, %div3A : vector<16xf32>
      %select_n3A_828 = arith.select %lt3A_272, %select_n3A_826, %mul3A_827 : vector<16xi1>, vector<16xf32>
      %select_n3A_829 = arith.select %lt3A_236, %min3A_816, %select_n3A_828 : vector<16xi1>, vector<16xf32>
      %select_n3A_830 = arith.select %lt3A_200, %max3A_810, %select_n3A_829 : vector<16xi1>, vector<16xf32>
      tpu.vector_store_idx %arg7[%add3A_432, %rem3A_67], %select_n3A_830 : memref<128x12xf32, #tpu.memory_space<vmem>>[vector<16xi32>, vector<16xi32>], vector<16xf32>,
      %abs3A_831 = math.absf %add3A_522 : vector<16xf32>
      %max3A_832 = arith.constant 1.000000e-01 : f32
      %max3A_833 = vector.broadcast %max3A_832 : f32 to vector<16xf32>
      %max3A_834 = arith.maximumf %abs3A_831, %max3A_833 : vector<16xf32>
      %max3A_835 = arith.constant 1.000000e-01 : f32
      %max3A_836 = vector.broadcast %max3A_835 : f32 to vector<16xf32>
      %max3A_837 = arith.maximumf %add3A_522, %max3A_836 : vector<16xf32>
      %min3A_838 = arith.constant 3.0415926 : f32
      %min3A_839 = vector.broadcast %min3A_838 : f32 to vector<16xf32>
      %min3A_840 = arith.minimumf %max3A_837, %min3A_839 : vector<16xf32>
      %rem3A_841 = arith.constant 1.000000e+00 : f32
      %rem3A_842 = vector.broadcast %rem3A_841 : f32 to vector<16xf32>
      %rem3A_843 = arith.remf %add3A_522, %rem3A_842 : vector<16xf32>
      %lt3A_844 = arith.constant 0.000000e+00 : f32
      %lt3A_845 = vector.broadcast %lt3A_844 : f32 to vector<16xf32>
      %lt3A_846 = arith.cmpf olt, %rem3A_843, %lt3A_845 : vector<16xf32>
      %add3A_847 = arith.constant 1.000000e+00 : f32
      %add3A_848 = vector.broadcast %add3A_847 : f32 to vector<16xf32>
      %add3A_849 = arith.addf %rem3A_843, %add3A_848 : vector<16xf32>
      %select_n3A_850 = arith.select %lt3A_846, %add3A_849, %rem3A_843 : vector<16xi1>, vector<16xf32>
      %mul3A_851 = arith.mulf %add3A_522, %div3A : vector<16xf32>
      %select_n3A_852 = arith.select %lt3A_275, %select_n3A_850, %mul3A_851 : vector<16xi1>, vector<16xf32>
      %select_n3A_853 = arith.select %lt3A_239, %min3A_840, %select_n3A_852 : vector<16xi1>, vector<16xf32>
      %select_n3A_854 = arith.select %lt3A_203, %max3A_834, %select_n3A_853 : vector<16xi1>, vector<16xf32>
      tpu.vector_store_idx %arg7[%add3A_432, %rem3A_73], %select_n3A_854 : memref<128x12xf32, #tpu.memory_space<vmem>>[vector<16xi32>, vector<16xi32>], vector<16xf32>,
    }
    %scan3A_385 = arith.constant 8 : i32
    %add3A_386 = arith.constant 256 : i32
    %add3A_387 = arith.addi %mul3A_2, %add3A_386 : i32
    %dma_start3A_388 = arith.constant 0 : i32
    %dma_start3A_389 = tpu.memref_slice %arg5[%add3A_387, %dma_start3A_388] : memref<16384x12xf32, #tpu.memory_space<hbm>> -> memref<128x12xf32, #tpu.memory_space<hbm>>
    %dma_start3A_390 = arith.constant 0 : i32
    %dma_start3A_391 = tpu.memref_slice %arg5[%add3A_387, %dma_start3A_390] : memref<16384x12xf32, #tpu.memory_space<hbm>> -> memref<128x12xf32, #tpu.memory_space<hbm>>
    tpu.enqueue_dma source(%arg7 : memref<128x12xf32, #tpu.memory_space<vmem>>) target(%dma_start3A_391 : memref<128x12xf32, #tpu.memory_space<hbm>>) target_semaphore(%arg12 : memref<!tpu.dma_semaphore, #tpu.memory_space<semaphore_mem>>)
    %add3A_392 = arith.constant 384 : i32
    %add3A_393 = arith.addi %mul3A_2, %add3A_392 : i32
    %dma_wait3A_394 = arith.constant 0 : i32
    %dma_wait3A_395 = tpu.memref_slice %arg2[%add3A_393, %dma_wait3A_394] : memref<16384x12xf32, #tpu.memory_space<hbm>> -> memref<128x12xf32, #tpu.memory_space<hbm>>
    %dma_wait3A_396 = arith.constant 0 : i32
    %dma_wait3A_397 = tpu.memref_slice %arg2[%add3A_393, %dma_wait3A_396] : memref<16384x12xf32, #tpu.memory_space<hbm>> -> memref<128x12xf32, #tpu.memory_space<hbm>>
    tpu.wait_dma2 semaphore(%arg11 : memref<!tpu.dma_semaphore, #tpu.memory_space<semaphore_mem>>) src(%dma_wait3A_397 : memref<128x12xf32, #tpu.memory_space<hbm>>) dst(%arg8 : memref<128x12xf32, #tpu.memory_space<vmem>>)
    %add3A_398 = arith.constant 128 : i32
    %add3A_399 = arith.addi %mul3A_2, %add3A_398 : i32
    %dma_wait3A_400 = arith.constant 0 : i32
    %dma_wait3A_401 = tpu.memref_slice %arg5[%add3A_399, %dma_wait3A_400] : memref<16384x12xf32, #tpu.memory_space<hbm>> -> memref<128x12xf32, #tpu.memory_space<hbm>>
    %dma_wait3A_402 = arith.constant 0 : i32
    %dma_wait3A_403 = tpu.memref_slice %arg5[%add3A_399, %dma_wait3A_402] : memref<16384x12xf32, #tpu.memory_space<hbm>> -> memref<128x12xf32, #tpu.memory_space<hbm>>
    tpu.wait_dma2 semaphore(%arg13 : memref<!tpu.dma_semaphore, #tpu.memory_space<semaphore_mem>>) src(%arg9 : memref<128x12xf32, #tpu.memory_space<vmem>>) dst(%dma_wait3A_403 : memref<128x12xf32, #tpu.memory_space<hbm>>)
    %scan3A_404 = arith.constant 0 : i32
    %scan3A_405 = arith.constant 0 : i32
    %scan3A_406 = arith.constant 8 : i32
    %scan3A_407 = arith.addi %scan3A_405, %scan3A_406 : i32
    %scan3A_408 = arith.constant 1 : i32
    scf.for %scan3A_428 = %scan3A_405 to %scan3A_407 step %scan3A_408  : i32 {
      %mul3A_429 = arith.constant 16 : i32
      %mul3A_430 = arith.muli %scan3A_428, %mul3A_429 : i32
      %add3A_431 = vector.broadcast %mul3A_430 : i32 to vector<16xi32>
      %add3A_432 = arith.addi %add3A_431, %iota3A : vector<16xi32>
      %broadcast_in_dim3A = arith.constant 1.000000e-30 : f32
      %broadcast_in_dim3A_433 = vector.broadcast %broadcast_in_dim3A : f32 to vector<16xf32>
      %gather3A_434 = tpu.vector_load_idx %arg8[%add3A_432, %rem3A_7] : memref<128x12xf32, #tpu.memory_space<vmem>>[vector<16xi32>, vector<16xi32>], vector<16xf32>,
      %mul3A_435 = arith.mulf %gather3A_434, %gather3A_124 : vector<16xf32>
      %add3A_436 = arith.addf %mul3A_435, %gather3A : vector<16xf32>
      %mul3A_437 = arith.mulf %add3A_436, %add3A_436 : vector<16xf32>
      %jit3A = arith.constant 0.000000e+00 : f32
      %broadcast_in_dim3A_438 = vector.broadcast %jit3A : f32 to vector<16xf32>
      %select_n3A = arith.select %ge3A_277, %mul3A_437, %broadcast_in_dim3A_438 : vector<16xi1>, vector<16xf32>
      %add3A_439 = arith.addf %broadcast_in_dim3A_433, %select_n3A : vector<16xf32>
      %gather3A_440 = tpu.vector_load_idx %arg8[%add3A_432, %rem3A_13] : memref<128x12xf32, #tpu.memory_space<vmem>>[vector<16xi32>, vector<16xi32>], vector<16xf32>,
      %mul3A_441 = arith.mulf %gather3A_440, %gather3A_128 : vector<16xf32>
      %add3A_442 = arith.addf %mul3A_441, %gather3A_80 : vector<16xf32>
      %mul3A_443 = arith.mulf %add3A_442, %add3A_442 : vector<16xf32>
      %jit3A_444 = arith.constant 0.000000e+00 : f32
      %broadcast_in_dim3A_445 = vector.broadcast %jit3A_444 : f32 to vector<16xf32>
      %select_n3A_446 = arith.select %ge3A_280, %mul3A_443, %broadcast_in_dim3A_445 : vector<16xi1>, vector<16xf32>
      %add3A_447 = arith.addf %add3A_439, %select_n3A_446 : vector<16xf32>
      %gather3A_448 = tpu.vector_load_idx %arg8[%add3A_432, %rem3A_19] : memref<128x12xf32, #tpu.memory_space<vmem>>[vector<16xi32>, vector<16xi32>], vector<16xf32>,
      %mul3A_449 = arith.mulf %gather3A_448, %gather3A_132 : vector<16xf32>
      %add3A_450 = arith.addf %mul3A_449, %gather3A_84 : vector<16xf32>
      %mul3A_451 = arith.mulf %add3A_450, %add3A_450 : vector<16xf32>
      %jit3A_452 = arith.constant 0.000000e+00 : f32
      %broadcast_in_dim3A_453 = vector.broadcast %jit3A_452 : f32 to vector<16xf32>
      %select_n3A_454 = arith.select %ge3A_283, %mul3A_451, %broadcast_in_dim3A_453 : vector<16xi1>, vector<16xf32>
      %add3A_455 = arith.addf %add3A_447, %select_n3A_454 : vector<16xf32>
      %gather3A_456 = tpu.vector_load_idx %arg8[%add3A_432, %rem3A_25] : memref<128x12xf32, #tpu.memory_space<vmem>>[vector<16xi32>, vector<16xi32>], vector<16xf32>,
      %mul3A_457 = arith.mulf %gather3A_456, %gather3A_136 : vector<16xf32>
      %add3A_458 = arith.addf %mul3A_457, %gather3A_88 : vector<16xf32>
      %mul3A_459 = arith.mulf %add3A_458, %add3A_458 : vector<16xf32>
      %jit3A_460 = arith.constant 0.000000e+00 : f32
      %broadcast_in_dim3A_461 = vector.broadcast %jit3A_460 : f32 to vector<16xf32>
      %select_n3A_462 = arith.select %ge3A_286, %mul3A_459, %broadcast_in_dim3A_461 : vector<16xi1>, vector<16xf32>
      %add3A_463 = arith.addf %add3A_455, %select_n3A_462 : vector<16xf32>
      %gather3A_464 = tpu.vector_load_idx %arg8[%add3A_432, %rem3A_31] : memref<128x12xf32, #tpu.memory_space<vmem>>[vector<16xi32>, vector<16xi32>], vector<16xf32>,
      %mul3A_465 = arith.mulf %gather3A_464, %gather3A_140 : vector<16xf32>
      %add3A_466 = arith.addf %mul3A_465, %gather3A_92 : vector<16xf32>
      %mul3A_467 = arith.mulf %add3A_466, %add3A_466 : vector<16xf32>
      %jit3A_468 = arith.constant 0.000000e+00 : f32
      %broadcast_in_dim3A_469 = vector.broadcast %jit3A_468 : f32 to vector<16xf32>
      %select_n3A_470 = arith.select %ge3A_289, %mul3A_467, %broadcast_in_dim3A_469 : vector<16xi1>, vector<16xf32>
      %add3A_471 = arith.addf %add3A_463, %select_n3A_470 : vector<16xf32>
      %gather3A_472 = tpu.vector_load_idx %arg8[%add3A_432, %rem3A_37] : memref<128x12xf32, #tpu.memory_space<vmem>>[vector<16xi32>, vector<16xi32>], vector<16xf32>,
      %mul3A_473 = arith.mulf %gather3A_472, %gather3A_144 : vector<16xf32>
      %add3A_474 = arith.addf %mul3A_473, %gather3A_96 : vector<16xf32>
      %mul3A_475 = arith.mulf %add3A_474, %add3A_474 : vector<16xf32>
      %jit3A_476 = arith.constant 0.000000e+00 : f32
      %broadcast_in_dim3A_477 = vector.broadcast %jit3A_476 : f32 to vector<16xf32>
      %select_n3A_478 = arith.select %ge3A_292, %mul3A_475, %broadcast_in_dim3A_477 : vector<16xi1>, vector<16xf32>
      %add3A_479 = arith.addf %add3A_471, %select_n3A_478 : vector<16xf32>
      %gather3A_480 = tpu.vector_load_idx %arg8[%add3A_432, %rem3A_43] : memref<128x12xf32, #tpu.memory_space<vmem>>[vector<16xi32>, vector<16xi32>], vector<16xf32>,
      %mul3A_481 = arith.mulf %gather3A_480, %gather3A_148 : vector<16xf32>
      %add3A_482 = arith.addf %mul3A_481, %gather3A_100 : vector<16xf32>
      %mul3A_483 = arith.mulf %add3A_482, %add3A_482 : vector<16xf32>
      %jit3A_484 = arith.constant 0.000000e+00 : f32
      %broadcast_in_dim3A_485 = vector.broadcast %jit3A_484 : f32 to vector<16xf32>
      %select_n3A_486 = arith.select %ge3A_295, %mul3A_483, %broadcast_in_dim3A_485 : vector<16xi1>, vector<16xf32>
      %add3A_487 = arith.addf %add3A_479, %select_n3A_486 : vector<16xf32>
      %gather3A_488 = tpu.vector_load_idx %arg8[%add3A_432, %rem3A_49] : memref<128x12xf32, #tpu.memory_space<vmem>>[vector<16xi32>, vector<16xi32>], vector<16xf32>,
      %mul3A_489 = arith.mulf %gather3A_488, %gather3A_152 : vector<16xf32>
      %add3A_490 = arith.addf %mul3A_489, %gather3A_104 : vector<16xf32>
      %mul3A_491 = arith.mulf %add3A_490, %add3A_490 : vector<16xf32>
      %jit3A_492 = arith.constant 0.000000e+00 : f32
      %broadcast_in_dim3A_493 = vector.broadcast %jit3A_492 : f32 to vector<16xf32>
      %select_n3A_494 = arith.select %ge3A_298, %mul3A_491, %broadcast_in_dim3A_493 : vector<16xi1>, vector<16xf32>
      %add3A_495 = arith.addf %add3A_487, %select_n3A_494 : vector<16xf32>
      %gather3A_496 = tpu.vector_load_idx %arg8[%add3A_432, %rem3A_55] : memref<128x12xf32, #tpu.memory_space<vmem>>[vector<16xi32>, vector<16xi32>], vector<16xf32>,
      %mul3A_497 = arith.mulf %gather3A_496, %gather3A_156 : vector<16xf32>
      %add3A_498 = arith.addf %mul3A_497, %gather3A_108 : vector<16xf32>
      %mul3A_499 = arith.mulf %add3A_498, %add3A_498 : vector<16xf32>
      %jit3A_500 = arith.constant 0.000000e+00 : f32
      %broadcast_in_dim3A_501 = vector.broadcast %jit3A_500 : f32 to vector<16xf32>
      %select_n3A_502 = arith.select %ge3A_301, %mul3A_499, %broadcast_in_dim3A_501 : vector<16xi1>, vector<16xf32>
      %add3A_503 = arith.addf %add3A_495, %select_n3A_502 : vector<16xf32>
      %gather3A_504 = tpu.vector_load_idx %arg8[%add3A_432, %rem3A_61] : memref<128x12xf32, #tpu.memory_space<vmem>>[vector<16xi32>, vector<16xi32>], vector<16xf32>,
      %mul3A_505 = arith.mulf %gather3A_504, %gather3A_160 : vector<16xf32>
      %add3A_506 = arith.addf %mul3A_505, %gather3A_112 : vector<16xf32>
      %mul3A_507 = arith.mulf %add3A_506, %add3A_506 : vector<16xf32>
      %jit3A_508 = arith.constant 0.000000e+00 : f32
      %broadcast_in_dim3A_509 = vector.broadcast %jit3A_508 : f32 to vector<16xf32>
      %select_n3A_510 = arith.select %ge3A_304, %mul3A_507, %broadcast_in_dim3A_509 : vector<16xi1>, vector<16xf32>
      %add3A_511 = arith.addf %add3A_503, %select_n3A_510 : vector<16xf32>
      %gather3A_512 = tpu.vector_load_idx %arg8[%add3A_432, %rem3A_67] : memref<128x12xf32, #tpu.memory_space<vmem>>[vector<16xi32>, vector<16xi32>], vector<16xf32>,
      %mul3A_513 = arith.mulf %gather3A_512, %gather3A_164 : vector<16xf32>
      %add3A_514 = arith.addf %mul3A_513, %gather3A_116 : vector<16xf32>
      %mul3A_515 = arith.mulf %add3A_514, %add3A_514 : vector<16xf32>
      %jit3A_516 = arith.constant 0.000000e+00 : f32
      %broadcast_in_dim3A_517 = vector.broadcast %jit3A_516 : f32 to vector<16xf32>
      %select_n3A_518 = arith.select %ge3A_307, %mul3A_515, %broadcast_in_dim3A_517 : vector<16xi1>, vector<16xf32>
      %add3A_519 = arith.addf %add3A_511, %select_n3A_518 : vector<16xf32>
      %gather3A_520 = tpu.vector_load_idx %arg8[%add3A_432, %rem3A_73] : memref<128x12xf32, #tpu.memory_space<vmem>>[vector<16xi32>, vector<16xi32>], vector<16xf32>,
      %mul3A_521 = arith.mulf %gather3A_520, %gather3A_168 : vector<16xf32>
      %add3A_522 = arith.addf %mul3A_521, %gather3A_120 : vector<16xf32>
      %mul3A_523 = arith.mulf %add3A_522, %add3A_522 : vector<16xf32>
      %jit3A_524 = arith.constant 0.000000e+00 : f32
      %broadcast_in_dim3A_525 = vector.broadcast %jit3A_524 : f32 to vector<16xf32>
      %select_n3A_526 = arith.select %ge3A_310, %mul3A_523, %broadcast_in_dim3A_525 : vector<16xi1>, vector<16xf32>
      %add3A_527 = arith.addf %add3A_519, %select_n3A_526 : vector<16xf32>
      %bitcast3A = vector.bitcast %add3A_527 : vector<16xf32> to vector<16xi32>
      %shift_right_logical3A = arith.constant 1 : i32
      %shift_right_logical3A_528 = vector.broadcast %shift_right_logical3A : i32 to vector<16xi32>
      %shift_right_logical3A_529 = arith.shrui %bitcast3A, %shift_right_logical3A_528 : vector<16xi32>
      %sub3A = arith.constant 1597463007 : i32
      %sub3A_530 = vector.broadcast %sub3A : i32 to vector<16xi32>
      %sub3A_531 = arith.subi %sub3A_530, %shift_right_logical3A_529 : vector<16xi32>
      %bitcast3A_532 = vector.bitcast %sub3A_531 : vector<16xi32> to vector<16xf32>
      %mul3A_533 = arith.constant 5.000000e-01 : f32
      %mul3A_534 = vector.broadcast %mul3A_533 : f32 to vector<16xf32>
      %mul3A_535 = arith.mulf %mul3A_534, %add3A_527 : vector<16xf32>
      %mul3A_536 = arith.mulf %mul3A_535, %bitcast3A_532 : vector<16xf32>
      %mul3A_537 = arith.mulf %mul3A_536, %bitcast3A_532 : vector<16xf32>
      %sub3A_538 = arith.constant 1.500000e+00 : f32
      %sub3A_539 = vector.broadcast %sub3A_538 : f32 to vector<16xf32>
      %sub3A_540 = arith.subf %sub3A_539, %mul3A_537 : vector<16xf32>
      %mul3A_541 = arith.mulf %bitcast3A_532, %sub3A_540 : vector<16xf32>
      %mul3A_542 = arith.constant 5.000000e-01 : f32
      %mul3A_543 = vector.broadcast %mul3A_542 : f32 to vector<16xf32>
      %mul3A_544 = arith.mulf %mul3A_543, %add3A_527 : vector<16xf32>
      %mul3A_545 = arith.mulf %mul3A_544, %mul3A_541 : vector<16xf32>
      %mul3A_546 = arith.mulf %mul3A_545, %mul3A_541 : vector<16xf32>
      %sub3A_547 = arith.constant 1.500000e+00 : f32
      %sub3A_548 = vector.broadcast %sub3A_547 : f32 to vector<16xf32>
      %sub3A_549 = arith.subf %sub3A_548, %mul3A_546 : vector<16xf32>
      %mul3A_550 = arith.mulf %mul3A_541, %sub3A_549 : vector<16xf32>
      %mul3A_551 = arith.constant 5.000000e-01 : f32
      %mul3A_552 = vector.broadcast %mul3A_551 : f32 to vector<16xf32>
      %mul3A_553 = arith.mulf %mul3A_552, %add3A_527 : vector<16xf32>
      %mul3A_554 = arith.mulf %mul3A_553, %mul3A_550 : vector<16xf32>
      %mul3A_555 = arith.mulf %mul3A_554, %mul3A_550 : vector<16xf32>
      %sub3A_556 = arith.constant 1.500000e+00 : f32
      %sub3A_557 = vector.broadcast %sub3A_556 : f32 to vector<16xf32>
      %sub3A_558 = arith.subf %sub3A_557, %mul3A_555 : vector<16xf32>
      %mul3A_559 = arith.mulf %mul3A_550, %sub3A_558 : vector<16xf32>
      %mul3A_560 = arith.mulf %add3A_527, %mul3A_559 : vector<16xf32>
      %add3A_561 = arith.constant 9.99999993E-9 : f32
      %add3A_562 = vector.broadcast %add3A_561 : f32 to vector<16xf32>
      %add3A_563 = arith.addf %mul3A_560, %add3A_562 : vector<16xf32>
      %max3A = arith.constant 0.00999999977 : f32
      %max3A_564 = vector.broadcast %max3A : f32 to vector<16xf32>
      %max3A_565 = arith.maximumf %add3A_563, %max3A_564 : vector<16xf32>
      %min3A = arith.constant 6.28318548 : f32
      %min3A_566 = vector.broadcast %min3A : f32 to vector<16xf32>
      %min3A_567 = arith.minimumf %max3A_565, %min3A_566 : vector<16xf32>
      %div3A = arith.divf %min3A_567, %add3A_563 : vector<16xf32>
      %abs3A = math.absf %add3A_436 : vector<16xf32>
      %max3A_568 = arith.constant 1.000000e-01 : f32
      %max3A_569 = vector.broadcast %max3A_568 : f32 to vector<16xf32>
      %max3A_570 = arith.maximumf %abs3A, %max3A_569 : vector<16xf32>
      %max3A_571 = arith.constant 1.000000e-01 : f32
      %max3A_572 = vector.broadcast %max3A_571 : f32 to vector<16xf32>
      %max3A_573 = arith.maximumf %add3A_436, %max3A_572 : vector<16xf32>
      %min3A_574 = arith.constant 3.0415926 : f32
      %min3A_575 = vector.broadcast %min3A_574 : f32 to vector<16xf32>
      %min3A_576 = arith.minimumf %max3A_573, %min3A_575 : vector<16xf32>
      %rem3A_577 = arith.constant 1.000000e+00 : f32
      %rem3A_578 = vector.broadcast %rem3A_577 : f32 to vector<16xf32>
      %rem3A_579 = arith.remf %add3A_436, %rem3A_578 : vector<16xf32>
      %lt3A_580 = arith.constant 0.000000e+00 : f32
      %lt3A_581 = vector.broadcast %lt3A_580 : f32 to vector<16xf32>
      %lt3A_582 = arith.cmpf olt, %rem3A_579, %lt3A_581 : vector<16xf32>
      %add3A_583 = arith.constant 1.000000e+00 : f32
      %add3A_584 = vector.broadcast %add3A_583 : f32 to vector<16xf32>
      %add3A_585 = arith.addf %rem3A_579, %add3A_584 : vector<16xf32>
      %select_n3A_586 = arith.select %lt3A_582, %add3A_585, %rem3A_579 : vector<16xi1>, vector<16xf32>
      %mul3A_587 = arith.mulf %add3A_436, %div3A : vector<16xf32>
      %select_n3A_588 = arith.select %lt3A_242, %select_n3A_586, %mul3A_587 : vector<16xi1>, vector<16xf32>
      %select_n3A_589 = arith.select %lt3A_206, %min3A_576, %select_n3A_588 : vector<16xi1>, vector<16xf32>
      %select_n3A_590 = arith.select %lt3A_170, %max3A_570, %select_n3A_589 : vector<16xi1>, vector<16xf32>
      tpu.vector_store_idx %arg9[%add3A_432, %rem3A_7], %select_n3A_590 : memref<128x12xf32, #tpu.memory_space<vmem>>[vector<16xi32>, vector<16xi32>], vector<16xf32>,
      %abs3A_591 = math.absf %add3A_442 : vector<16xf32>
      %max3A_592 = arith.constant 1.000000e-01 : f32
      %max3A_593 = vector.broadcast %max3A_592 : f32 to vector<16xf32>
      %max3A_594 = arith.maximumf %abs3A_591, %max3A_593 : vector<16xf32>
      %max3A_595 = arith.constant 1.000000e-01 : f32
      %max3A_596 = vector.broadcast %max3A_595 : f32 to vector<16xf32>
      %max3A_597 = arith.maximumf %add3A_442, %max3A_596 : vector<16xf32>
      %min3A_598 = arith.constant 3.0415926 : f32
      %min3A_599 = vector.broadcast %min3A_598 : f32 to vector<16xf32>
      %min3A_600 = arith.minimumf %max3A_597, %min3A_599 : vector<16xf32>
      %rem3A_601 = arith.constant 1.000000e+00 : f32
      %rem3A_602 = vector.broadcast %rem3A_601 : f32 to vector<16xf32>
      %rem3A_603 = arith.remf %add3A_442, %rem3A_602 : vector<16xf32>
      %lt3A_604 = arith.constant 0.000000e+00 : f32
      %lt3A_605 = vector.broadcast %lt3A_604 : f32 to vector<16xf32>
      %lt3A_606 = arith.cmpf olt, %rem3A_603, %lt3A_605 : vector<16xf32>
      %add3A_607 = arith.constant 1.000000e+00 : f32
      %add3A_608 = vector.broadcast %add3A_607 : f32 to vector<16xf32>
      %add3A_609 = arith.addf %rem3A_603, %add3A_608 : vector<16xf32>
      %select_n3A_610 = arith.select %lt3A_606, %add3A_609, %rem3A_603 : vector<16xi1>, vector<16xf32>
      %mul3A_611 = arith.mulf %add3A_442, %div3A : vector<16xf32>
      %select_n3A_612 = arith.select %lt3A_245, %select_n3A_610, %mul3A_611 : vector<16xi1>, vector<16xf32>
      %select_n3A_613 = arith.select %lt3A_209, %min3A_600, %select_n3A_612 : vector<16xi1>, vector<16xf32>
      %select_n3A_614 = arith.select %lt3A_173, %max3A_594, %select_n3A_613 : vector<16xi1>, vector<16xf32>
      tpu.vector_store_idx %arg9[%add3A_432, %rem3A_13], %select_n3A_614 : memref<128x12xf32, #tpu.memory_space<vmem>>[vector<16xi32>, vector<16xi32>], vector<16xf32>,
      %abs3A_615 = math.absf %add3A_450 : vector<16xf32>
      %max3A_616 = arith.constant 1.000000e-01 : f32
      %max3A_617 = vector.broadcast %max3A_616 : f32 to vector<16xf32>
      %max3A_618 = arith.maximumf %abs3A_615, %max3A_617 : vector<16xf32>
      %max3A_619 = arith.constant 1.000000e-01 : f32
      %max3A_620 = vector.broadcast %max3A_619 : f32 to vector<16xf32>
      %max3A_621 = arith.maximumf %add3A_450, %max3A_620 : vector<16xf32>
      %min3A_622 = arith.constant 3.0415926 : f32
      %min3A_623 = vector.broadcast %min3A_622 : f32 to vector<16xf32>
      %min3A_624 = arith.minimumf %max3A_621, %min3A_623 : vector<16xf32>
      %rem3A_625 = arith.constant 1.000000e+00 : f32
      %rem3A_626 = vector.broadcast %rem3A_625 : f32 to vector<16xf32>
      %rem3A_627 = arith.remf %add3A_450, %rem3A_626 : vector<16xf32>
      %lt3A_628 = arith.constant 0.000000e+00 : f32
      %lt3A_629 = vector.broadcast %lt3A_628 : f32 to vector<16xf32>
      %lt3A_630 = arith.cmpf olt, %rem3A_627, %lt3A_629 : vector<16xf32>
      %add3A_631 = arith.constant 1.000000e+00 : f32
      %add3A_632 = vector.broadcast %add3A_631 : f32 to vector<16xf32>
      %add3A_633 = arith.addf %rem3A_627, %add3A_632 : vector<16xf32>
      %select_n3A_634 = arith.select %lt3A_630, %add3A_633, %rem3A_627 : vector<16xi1>, vector<16xf32>
      %mul3A_635 = arith.mulf %add3A_450, %div3A : vector<16xf32>
      %select_n3A_636 = arith.select %lt3A_248, %select_n3A_634, %mul3A_635 : vector<16xi1>, vector<16xf32>
      %select_n3A_637 = arith.select %lt3A_212, %min3A_624, %select_n3A_636 : vector<16xi1>, vector<16xf32>
      %select_n3A_638 = arith.select %lt3A_176, %max3A_618, %select_n3A_637 : vector<16xi1>, vector<16xf32>
      tpu.vector_store_idx %arg9[%add3A_432, %rem3A_19], %select_n3A_638 : memref<128x12xf32, #tpu.memory_space<vmem>>[vector<16xi32>, vector<16xi32>], vector<16xf32>,
      %abs3A_639 = math.absf %add3A_458 : vector<16xf32>
      %max3A_640 = arith.constant 1.000000e-01 : f32
      %max3A_641 = vector.broadcast %max3A_640 : f32 to vector<16xf32>
      %max3A_642 = arith.maximumf %abs3A_639, %max3A_641 : vector<16xf32>
      %max3A_643 = arith.constant 1.000000e-01 : f32
      %max3A_644 = vector.broadcast %max3A_643 : f32 to vector<16xf32>
      %max3A_645 = arith.maximumf %add3A_458, %max3A_644 : vector<16xf32>
      %min3A_646 = arith.constant 3.0415926 : f32
      %min3A_647 = vector.broadcast %min3A_646 : f32 to vector<16xf32>
      %min3A_648 = arith.minimumf %max3A_645, %min3A_647 : vector<16xf32>
      %rem3A_649 = arith.constant 1.000000e+00 : f32
      %rem3A_650 = vector.broadcast %rem3A_649 : f32 to vector<16xf32>
      %rem3A_651 = arith.remf %add3A_458, %rem3A_650 : vector<16xf32>
      %lt3A_652 = arith.constant 0.000000e+00 : f32
      %lt3A_653 = vector.broadcast %lt3A_652 : f32 to vector<16xf32>
      %lt3A_654 = arith.cmpf olt, %rem3A_651, %lt3A_653 : vector<16xf32>
      %add3A_655 = arith.constant 1.000000e+00 : f32
      %add3A_656 = vector.broadcast %add3A_655 : f32 to vector<16xf32>
      %add3A_657 = arith.addf %rem3A_651, %add3A_656 : vector<16xf32>
      %select_n3A_658 = arith.select %lt3A_654, %add3A_657, %rem3A_651 : vector<16xi1>, vector<16xf32>
      %mul3A_659 = arith.mulf %add3A_458, %div3A : vector<16xf32>
      %select_n3A_660 = arith.select %lt3A_251, %select_n3A_658, %mul3A_659 : vector<16xi1>, vector<16xf32>
      %select_n3A_661 = arith.select %lt3A_215, %min3A_648, %select_n3A_660 : vector<16xi1>, vector<16xf32>
      %select_n3A_662 = arith.select %lt3A_179, %max3A_642, %select_n3A_661 : vector<16xi1>, vector<16xf32>
      tpu.vector_store_idx %arg9[%add3A_432, %rem3A_25], %select_n3A_662 : memref<128x12xf32, #tpu.memory_space<vmem>>[vector<16xi32>, vector<16xi32>], vector<16xf32>,
      %abs3A_663 = math.absf %add3A_466 : vector<16xf32>
      %max3A_664 = arith.constant 1.000000e-01 : f32
      %max3A_665 = vector.broadcast %max3A_664 : f32 to vector<16xf32>
      %max3A_666 = arith.maximumf %abs3A_663, %max3A_665 : vector<16xf32>
      %max3A_667 = arith.constant 1.000000e-01 : f32
      %max3A_668 = vector.broadcast %max3A_667 : f32 to vector<16xf32>
      %max3A_669 = arith.maximumf %add3A_466, %max3A_668 : vector<16xf32>
      %min3A_670 = arith.constant 3.0415926 : f32
      %min3A_671 = vector.broadcast %min3A_670 : f32 to vector<16xf32>
      %min3A_672 = arith.minimumf %max3A_669, %min3A_671 : vector<16xf32>
      %rem3A_673 = arith.constant 1.000000e+00 : f32
      %rem3A_674 = vector.broadcast %rem3A_673 : f32 to vector<16xf32>
      %rem3A_675 = arith.remf %add3A_466, %rem3A_674 : vector<16xf32>
      %lt3A_676 = arith.constant 0.000000e+00 : f32
      %lt3A_677 = vector.broadcast %lt3A_676 : f32 to vector<16xf32>
      %lt3A_678 = arith.cmpf olt, %rem3A_675, %lt3A_677 : vector<16xf32>
      %add3A_679 = arith.constant 1.000000e+00 : f32
      %add3A_680 = vector.broadcast %add3A_679 : f32 to vector<16xf32>
      %add3A_681 = arith.addf %rem3A_675, %add3A_680 : vector<16xf32>
      %select_n3A_682 = arith.select %lt3A_678, %add3A_681, %rem3A_675 : vector<16xi1>, vector<16xf32>
      %mul3A_683 = arith.mulf %add3A_466, %div3A : vector<16xf32>
      %select_n3A_684 = arith.select %lt3A_254, %select_n3A_682, %mul3A_683 : vector<16xi1>, vector<16xf32>
      %select_n3A_685 = arith.select %lt3A_218, %min3A_672, %select_n3A_684 : vector<16xi1>, vector<16xf32>
      %select_n3A_686 = arith.select %lt3A_182, %max3A_666, %select_n3A_685 : vector<16xi1>, vector<16xf32>
      tpu.vector_store_idx %arg9[%add3A_432, %rem3A_31], %select_n3A_686 : memref<128x12xf32, #tpu.memory_space<vmem>>[vector<16xi32>, vector<16xi32>], vector<16xf32>,
      %abs3A_687 = math.absf %add3A_474 : vector<16xf32>
      %max3A_688 = arith.constant 1.000000e-01 : f32
      %max3A_689 = vector.broadcast %max3A_688 : f32 to vector<16xf32>
      %max3A_690 = arith.maximumf %abs3A_687, %max3A_689 : vector<16xf32>
      %max3A_691 = arith.constant 1.000000e-01 : f32
      %max3A_692 = vector.broadcast %max3A_691 : f32 to vector<16xf32>
      %max3A_693 = arith.maximumf %add3A_474, %max3A_692 : vector<16xf32>
      %min3A_694 = arith.constant 3.0415926 : f32
      %min3A_695 = vector.broadcast %min3A_694 : f32 to vector<16xf32>
      %min3A_696 = arith.minimumf %max3A_693, %min3A_695 : vector<16xf32>
      %rem3A_697 = arith.constant 1.000000e+00 : f32
      %rem3A_698 = vector.broadcast %rem3A_697 : f32 to vector<16xf32>
      %rem3A_699 = arith.remf %add3A_474, %rem3A_698 : vector<16xf32>
      %lt3A_700 = arith.constant 0.000000e+00 : f32
      %lt3A_701 = vector.broadcast %lt3A_700 : f32 to vector<16xf32>
      %lt3A_702 = arith.cmpf olt, %rem3A_699, %lt3A_701 : vector<16xf32>
      %add3A_703 = arith.constant 1.000000e+00 : f32
      %add3A_704 = vector.broadcast %add3A_703 : f32 to vector<16xf32>
      %add3A_705 = arith.addf %rem3A_699, %add3A_704 : vector<16xf32>
      %select_n3A_706 = arith.select %lt3A_702, %add3A_705, %rem3A_699 : vector<16xi1>, vector<16xf32>
      %mul3A_707 = arith.mulf %add3A_474, %div3A : vector<16xf32>
      %select_n3A_708 = arith.select %lt3A_257, %select_n3A_706, %mul3A_707 : vector<16xi1>, vector<16xf32>
      %select_n3A_709 = arith.select %lt3A_221, %min3A_696, %select_n3A_708 : vector<16xi1>, vector<16xf32>
      %select_n3A_710 = arith.select %lt3A_185, %max3A_690, %select_n3A_709 : vector<16xi1>, vector<16xf32>
      tpu.vector_store_idx %arg9[%add3A_432, %rem3A_37], %select_n3A_710 : memref<128x12xf32, #tpu.memory_space<vmem>>[vector<16xi32>, vector<16xi32>], vector<16xf32>,
      %abs3A_711 = math.absf %add3A_482 : vector<16xf32>
      %max3A_712 = arith.constant 1.000000e-01 : f32
      %max3A_713 = vector.broadcast %max3A_712 : f32 to vector<16xf32>
      %max3A_714 = arith.maximumf %abs3A_711, %max3A_713 : vector<16xf32>
      %max3A_715 = arith.constant 1.000000e-01 : f32
      %max3A_716 = vector.broadcast %max3A_715 : f32 to vector<16xf32>
      %max3A_717 = arith.maximumf %add3A_482, %max3A_716 : vector<16xf32>
      %min3A_718 = arith.constant 3.0415926 : f32
      %min3A_719 = vector.broadcast %min3A_718 : f32 to vector<16xf32>
      %min3A_720 = arith.minimumf %max3A_717, %min3A_719 : vector<16xf32>
      %rem3A_721 = arith.constant 1.000000e+00 : f32
      %rem3A_722 = vector.broadcast %rem3A_721 : f32 to vector<16xf32>
      %rem3A_723 = arith.remf %add3A_482, %rem3A_722 : vector<16xf32>
      %lt3A_724 = arith.constant 0.000000e+00 : f32
      %lt3A_725 = vector.broadcast %lt3A_724 : f32 to vector<16xf32>
      %lt3A_726 = arith.cmpf olt, %rem3A_723, %lt3A_725 : vector<16xf32>
      %add3A_727 = arith.constant 1.000000e+00 : f32
      %add3A_728 = vector.broadcast %add3A_727 : f32 to vector<16xf32>
      %add3A_729 = arith.addf %rem3A_723, %add3A_728 : vector<16xf32>
      %select_n3A_730 = arith.select %lt3A_726, %add3A_729, %rem3A_723 : vector<16xi1>, vector<16xf32>
      %mul3A_731 = arith.mulf %add3A_482, %div3A : vector<16xf32>
      %select_n3A_732 = arith.select %lt3A_260, %select_n3A_730, %mul3A_731 : vector<16xi1>, vector<16xf32>
      %select_n3A_733 = arith.select %lt3A_224, %min3A_720, %select_n3A_732 : vector<16xi1>, vector<16xf32>
      %select_n3A_734 = arith.select %lt3A_188, %max3A_714, %select_n3A_733 : vector<16xi1>, vector<16xf32>
      tpu.vector_store_idx %arg9[%add3A_432, %rem3A_43], %select_n3A_734 : memref<128x12xf32, #tpu.memory_space<vmem>>[vector<16xi32>, vector<16xi32>], vector<16xf32>,
      %abs3A_735 = math.absf %add3A_490 : vector<16xf32>
      %max3A_736 = arith.constant 1.000000e-01 : f32
      %max3A_737 = vector.broadcast %max3A_736 : f32 to vector<16xf32>
      %max3A_738 = arith.maximumf %abs3A_735, %max3A_737 : vector<16xf32>
      %max3A_739 = arith.constant 1.000000e-01 : f32
      %max3A_740 = vector.broadcast %max3A_739 : f32 to vector<16xf32>
      %max3A_741 = arith.maximumf %add3A_490, %max3A_740 : vector<16xf32>
      %min3A_742 = arith.constant 3.0415926 : f32
      %min3A_743 = vector.broadcast %min3A_742 : f32 to vector<16xf32>
      %min3A_744 = arith.minimumf %max3A_741, %min3A_743 : vector<16xf32>
      %rem3A_745 = arith.constant 1.000000e+00 : f32
      %rem3A_746 = vector.broadcast %rem3A_745 : f32 to vector<16xf32>
      %rem3A_747 = arith.remf %add3A_490, %rem3A_746 : vector<16xf32>
      %lt3A_748 = arith.constant 0.000000e+00 : f32
      %lt3A_749 = vector.broadcast %lt3A_748 : f32 to vector<16xf32>
      %lt3A_750 = arith.cmpf olt, %rem3A_747, %lt3A_749 : vector<16xf32>
      %add3A_751 = arith.constant 1.000000e+00 : f32
      %add3A_752 = vector.broadcast %add3A_751 : f32 to vector<16xf32>
      %add3A_753 = arith.addf %rem3A_747, %add3A_752 : vector<16xf32>
      %select_n3A_754 = arith.select %lt3A_750, %add3A_753, %rem3A_747 : vector<16xi1>, vector<16xf32>
      %mul3A_755 = arith.mulf %add3A_490, %div3A : vector<16xf32>
      %select_n3A_756 = arith.select %lt3A_263, %select_n3A_754, %mul3A_755 : vector<16xi1>, vector<16xf32>
      %select_n3A_757 = arith.select %lt3A_227, %min3A_744, %select_n3A_756 : vector<16xi1>, vector<16xf32>
      %select_n3A_758 = arith.select %lt3A_191, %max3A_738, %select_n3A_757 : vector<16xi1>, vector<16xf32>
      tpu.vector_store_idx %arg9[%add3A_432, %rem3A_49], %select_n3A_758 : memref<128x12xf32, #tpu.memory_space<vmem>>[vector<16xi32>, vector<16xi32>], vector<16xf32>,
      %abs3A_759 = math.absf %add3A_498 : vector<16xf32>
      %max3A_760 = arith.constant 1.000000e-01 : f32
      %max3A_761 = vector.broadcast %max3A_760 : f32 to vector<16xf32>
      %max3A_762 = arith.maximumf %abs3A_759, %max3A_761 : vector<16xf32>
      %max3A_763 = arith.constant 1.000000e-01 : f32
      %max3A_764 = vector.broadcast %max3A_763 : f32 to vector<16xf32>
      %max3A_765 = arith.maximumf %add3A_498, %max3A_764 : vector<16xf32>
      %min3A_766 = arith.constant 3.0415926 : f32
      %min3A_767 = vector.broadcast %min3A_766 : f32 to vector<16xf32>
      %min3A_768 = arith.minimumf %max3A_765, %min3A_767 : vector<16xf32>
      %rem3A_769 = arith.constant 1.000000e+00 : f32
      %rem3A_770 = vector.broadcast %rem3A_769 : f32 to vector<16xf32>
      %rem3A_771 = arith.remf %add3A_498, %rem3A_770 : vector<16xf32>
      %lt3A_772 = arith.constant 0.000000e+00 : f32
      %lt3A_773 = vector.broadcast %lt3A_772 : f32 to vector<16xf32>
      %lt3A_774 = arith.cmpf olt, %rem3A_771, %lt3A_773 : vector<16xf32>
      %add3A_775 = arith.constant 1.000000e+00 : f32
      %add3A_776 = vector.broadcast %add3A_775 : f32 to vector<16xf32>
      %add3A_777 = arith.addf %rem3A_771, %add3A_776 : vector<16xf32>
      %select_n3A_778 = arith.select %lt3A_774, %add3A_777, %rem3A_771 : vector<16xi1>, vector<16xf32>
      %mul3A_779 = arith.mulf %add3A_498, %div3A : vector<16xf32>
      %select_n3A_780 = arith.select %lt3A_266, %select_n3A_778, %mul3A_779 : vector<16xi1>, vector<16xf32>
      %select_n3A_781 = arith.select %lt3A_230, %min3A_768, %select_n3A_780 : vector<16xi1>, vector<16xf32>
      %select_n3A_782 = arith.select %lt3A_194, %max3A_762, %select_n3A_781 : vector<16xi1>, vector<16xf32>
      tpu.vector_store_idx %arg9[%add3A_432, %rem3A_55], %select_n3A_782 : memref<128x12xf32, #tpu.memory_space<vmem>>[vector<16xi32>, vector<16xi32>], vector<16xf32>,
      %abs3A_783 = math.absf %add3A_506 : vector<16xf32>
      %max3A_784 = arith.constant 1.000000e-01 : f32
      %max3A_785 = vector.broadcast %max3A_784 : f32 to vector<16xf32>
      %max3A_786 = arith.maximumf %abs3A_783, %max3A_785 : vector<16xf32>
      %max3A_787 = arith.constant 1.000000e-01 : f32
      %max3A_788 = vector.broadcast %max3A_787 : f32 to vector<16xf32>
      %max3A_789 = arith.maximumf %add3A_506, %max3A_788 : vector<16xf32>
      %min3A_790 = arith.constant 3.0415926 : f32
      %min3A_791 = vector.broadcast %min3A_790 : f32 to vector<16xf32>
      %min3A_792 = arith.minimumf %max3A_789, %min3A_791 : vector<16xf32>
      %rem3A_793 = arith.constant 1.000000e+00 : f32
      %rem3A_794 = vector.broadcast %rem3A_793 : f32 to vector<16xf32>
      %rem3A_795 = arith.remf %add3A_506, %rem3A_794 : vector<16xf32>
      %lt3A_796 = arith.constant 0.000000e+00 : f32
      %lt3A_797 = vector.broadcast %lt3A_796 : f32 to vector<16xf32>
      %lt3A_798 = arith.cmpf olt, %rem3A_795, %lt3A_797 : vector<16xf32>
      %add3A_799 = arith.constant 1.000000e+00 : f32
      %add3A_800 = vector.broadcast %add3A_799 : f32 to vector<16xf32>
      %add3A_801 = arith.addf %rem3A_795, %add3A_800 : vector<16xf32>
      %select_n3A_802 = arith.select %lt3A_798, %add3A_801, %rem3A_795 : vector<16xi1>, vector<16xf32>
      %mul3A_803 = arith.mulf %add3A_506, %div3A : vector<16xf32>
      %select_n3A_804 = arith.select %lt3A_269, %select_n3A_802, %mul3A_803 : vector<16xi1>, vector<16xf32>
      %select_n3A_805 = arith.select %lt3A_233, %min3A_792, %select_n3A_804 : vector<16xi1>, vector<16xf32>
      %select_n3A_806 = arith.select %lt3A_197, %max3A_786, %select_n3A_805 : vector<16xi1>, vector<16xf32>
      tpu.vector_store_idx %arg9[%add3A_432, %rem3A_61], %select_n3A_806 : memref<128x12xf32, #tpu.memory_space<vmem>>[vector<16xi32>, vector<16xi32>], vector<16xf32>,
      %abs3A_807 = math.absf %add3A_514 : vector<16xf32>
      %max3A_808 = arith.constant 1.000000e-01 : f32
      %max3A_809 = vector.broadcast %max3A_808 : f32 to vector<16xf32>
      %max3A_810 = arith.maximumf %abs3A_807, %max3A_809 : vector<16xf32>
      %max3A_811 = arith.constant 1.000000e-01 : f32
      %max3A_812 = vector.broadcast %max3A_811 : f32 to vector<16xf32>
      %max3A_813 = arith.maximumf %add3A_514, %max3A_812 : vector<16xf32>
      %min3A_814 = arith.constant 3.0415926 : f32
      %min3A_815 = vector.broadcast %min3A_814 : f32 to vector<16xf32>
      %min3A_816 = arith.minimumf %max3A_813, %min3A_815 : vector<16xf32>
      %rem3A_817 = arith.constant 1.000000e+00 : f32
      %rem3A_818 = vector.broadcast %rem3A_817 : f32 to vector<16xf32>
      %rem3A_819 = arith.remf %add3A_514, %rem3A_818 : vector<16xf32>
      %lt3A_820 = arith.constant 0.000000e+00 : f32
      %lt3A_821 = vector.broadcast %lt3A_820 : f32 to vector<16xf32>
      %lt3A_822 = arith.cmpf olt, %rem3A_819, %lt3A_821 : vector<16xf32>
      %add3A_823 = arith.constant 1.000000e+00 : f32
      %add3A_824 = vector.broadcast %add3A_823 : f32 to vector<16xf32>
      %add3A_825 = arith.addf %rem3A_819, %add3A_824 : vector<16xf32>
      %select_n3A_826 = arith.select %lt3A_822, %add3A_825, %rem3A_819 : vector<16xi1>, vector<16xf32>
      %mul3A_827 = arith.mulf %add3A_514, %div3A : vector<16xf32>
      %select_n3A_828 = arith.select %lt3A_272, %select_n3A_826, %mul3A_827 : vector<16xi1>, vector<16xf32>
      %select_n3A_829 = arith.select %lt3A_236, %min3A_816, %select_n3A_828 : vector<16xi1>, vector<16xf32>
      %select_n3A_830 = arith.select %lt3A_200, %max3A_810, %select_n3A_829 : vector<16xi1>, vector<16xf32>
      tpu.vector_store_idx %arg9[%add3A_432, %rem3A_67], %select_n3A_830 : memref<128x12xf32, #tpu.memory_space<vmem>>[vector<16xi32>, vector<16xi32>], vector<16xf32>,
      %abs3A_831 = math.absf %add3A_522 : vector<16xf32>
      %max3A_832 = arith.constant 1.000000e-01 : f32
      %max3A_833 = vector.broadcast %max3A_832 : f32 to vector<16xf32>
      %max3A_834 = arith.maximumf %abs3A_831, %max3A_833 : vector<16xf32>
      %max3A_835 = arith.constant 1.000000e-01 : f32
      %max3A_836 = vector.broadcast %max3A_835 : f32 to vector<16xf32>
      %max3A_837 = arith.maximumf %add3A_522, %max3A_836 : vector<16xf32>
      %min3A_838 = arith.constant 3.0415926 : f32
      %min3A_839 = vector.broadcast %min3A_838 : f32 to vector<16xf32>
      %min3A_840 = arith.minimumf %max3A_837, %min3A_839 : vector<16xf32>
      %rem3A_841 = arith.constant 1.000000e+00 : f32
      %rem3A_842 = vector.broadcast %rem3A_841 : f32 to vector<16xf32>
      %rem3A_843 = arith.remf %add3A_522, %rem3A_842 : vector<16xf32>
      %lt3A_844 = arith.constant 0.000000e+00 : f32
      %lt3A_845 = vector.broadcast %lt3A_844 : f32 to vector<16xf32>
      %lt3A_846 = arith.cmpf olt, %rem3A_843, %lt3A_845 : vector<16xf32>
      %add3A_847 = arith.constant 1.000000e+00 : f32
      %add3A_848 = vector.broadcast %add3A_847 : f32 to vector<16xf32>
      %add3A_849 = arith.addf %rem3A_843, %add3A_848 : vector<16xf32>
      %select_n3A_850 = arith.select %lt3A_846, %add3A_849, %rem3A_843 : vector<16xi1>, vector<16xf32>
      %mul3A_851 = arith.mulf %add3A_522, %div3A : vector<16xf32>
      %select_n3A_852 = arith.select %lt3A_275, %select_n3A_850, %mul3A_851 : vector<16xi1>, vector<16xf32>
      %select_n3A_853 = arith.select %lt3A_239, %min3A_840, %select_n3A_852 : vector<16xi1>, vector<16xf32>
      %select_n3A_854 = arith.select %lt3A_203, %max3A_834, %select_n3A_853 : vector<16xi1>, vector<16xf32>
      tpu.vector_store_idx %arg9[%add3A_432, %rem3A_73], %select_n3A_854 : memref<128x12xf32, #tpu.memory_space<vmem>>[vector<16xi32>, vector<16xi32>], vector<16xf32>,
    }
    %scan3A_409 = arith.constant 8 : i32
    %add3A_410 = arith.constant 384 : i32
    %add3A_411 = arith.addi %mul3A_2, %add3A_410 : i32
    %dma_start3A_412 = arith.constant 0 : i32
    %dma_start3A_413 = tpu.memref_slice %arg5[%add3A_411, %dma_start3A_412] : memref<16384x12xf32, #tpu.memory_space<hbm>> -> memref<128x12xf32, #tpu.memory_space<hbm>>
    %dma_start3A_414 = arith.constant 0 : i32
    %dma_start3A_415 = tpu.memref_slice %arg5[%add3A_411, %dma_start3A_414] : memref<16384x12xf32, #tpu.memory_space<hbm>> -> memref<128x12xf32, #tpu.memory_space<hbm>>
    tpu.enqueue_dma source(%arg9 : memref<128x12xf32, #tpu.memory_space<vmem>>) target(%dma_start3A_415 : memref<128x12xf32, #tpu.memory_space<hbm>>) target_semaphore(%arg13 : memref<!tpu.dma_semaphore, #tpu.memory_space<semaphore_mem>>)
    %add3A_416 = arith.constant 256 : i32
    %add3A_417 = arith.addi %mul3A_2, %add3A_416 : i32
    %dma_wait3A_418 = arith.constant 0 : i32
    %dma_wait3A_419 = tpu.memref_slice %arg5[%add3A_417, %dma_wait3A_418] : memref<16384x12xf32, #tpu.memory_space<hbm>> -> memref<128x12xf32, #tpu.memory_space<hbm>>
    %dma_wait3A_420 = arith.constant 0 : i32
    %dma_wait3A_421 = tpu.memref_slice %arg5[%add3A_417, %dma_wait3A_420] : memref<16384x12xf32, #tpu.memory_space<hbm>> -> memref<128x12xf32, #tpu.memory_space<hbm>>
    tpu.wait_dma2 semaphore(%arg12 : memref<!tpu.dma_semaphore, #tpu.memory_space<semaphore_mem>>) src(%arg7 : memref<128x12xf32, #tpu.memory_space<vmem>>) dst(%dma_wait3A_421 : memref<128x12xf32, #tpu.memory_space<hbm>>)
    %add3A_422 = arith.constant 384 : i32
    %add3A_423 = arith.addi %mul3A_2, %add3A_422 : i32
    %dma_wait3A_424 = arith.constant 0 : i32
    %dma_wait3A_425 = tpu.memref_slice %arg5[%add3A_423, %dma_wait3A_424] : memref<16384x12xf32, #tpu.memory_space<hbm>> -> memref<128x12xf32, #tpu.memory_space<hbm>>
    %dma_wait3A_426 = arith.constant 0 : i32
    %dma_wait3A_427 = tpu.memref_slice %arg5[%add3A_423, %dma_wait3A_426] : memref<16384x12xf32, #tpu.memory_space<hbm>> -> memref<128x12xf32, #tpu.memory_space<hbm>>
    tpu.wait_dma2 semaphore(%arg13 : memref<!tpu.dma_semaphore, #tpu.memory_space<semaphore_mem>>) src(%arg9 : memref<128x12xf32, #tpu.memory_space<vmem>>) dst(%dma_wait3A_427 : memref<128x12xf32, #tpu.memory_space<hbm>>)
    return
  }
}

</mosaic_0001>

<sc_bundles>
// kernel: kernel.3.cloned.1.call-start
scs
__scs_entry_jumppad:
0x0: {  	(pc) =	sbr.rel $0x88, $3  }
0x1: {  	(tag) =	ssettag $0x0;
	lr =	simm.s32 $0x1  }
0x2: {  	[smem:$0x3F9E] =	sst lr;
	_ =	strace $0xD0000000  }
0x3: {  	_ = 	snop  }
0x4: {  	_ = 	snop  }
0x5: {  	_ = 	snop  }
0x6: {  	_ = 	snop  }
0x7: {  	_ = 	snop  }
__scs_overlays_trampoline_lowered:
0x8: {  	[smem:$0x3FAD] =	sst s0  }
0x9: {  	[smem:$0x3FAE] =	sst s1  }
0xa: {  	[smem:$0x3FAF] =	sst s2  }
0xb: {  	[smem:$0x3FB0] =	sst s3  }
0xc: {  	[smem:$0x3FB1] =	sst s4  }
0xd: {  	[smem:$0x3FB2] =	sst s5  }
0xe: {  	[smem:$0x3FB3] =	sst s6  }
0xf: {  	[smem:$0x3FB4] =	sst s7  }
0x10: {  	[smem:$0x3FB5] =	sst s8  }
0x11: {  	[smem:$0x3FB6] =	sst s9;
	s0 =	simm.s32 @!p0 $0x0  }
0x12: {  	s1 =	sld [smem:$0x3F9C];
	s0 =	simm.s32 @p0 $0x1  }
0x13: {  	[smem:$0x3FB7] =	sst s0;
	s0 =	simm.s32 @!p1 $0x0  }
0x14: {  	s2 =	sld [smem:$0x3F9B];
	s0 =	simm.s32 @p1 $0x1  }
0x15: {  	[smem:$0x3FB8] =	sst s0;
	s0 =	simm.s32 @!p2 $0x0  }
0x16: {  	s3 =	sld [smem:$0x3FDB];
	s0 =	simm.s32 @p2 $0x1  }
0x17: {  	s4 =	simm.s32 $0x1BF5;
	[smem:$0x3FBA] =	sst s0  }
0x18: {  	s0 =	sld [smem:$0x3F9D];
	_ =	swait.ge [sflag:s4], $0x0  }
0x19: {  	s7 =	sld [smem:$0x3F9E]  }
0x1a: {  	s8 =	sadd.s32 $0xFFFFE003, lr  }
0x1b: {  	s9 =	sadd.s32 $0xFFFFFEF7, lr;
	s5 =	simm.s32 $0xFFFFFFFF;
	p2 =	slt.u32 s8, $0xFFFFF086  }
0x1c: {  	p1 =	slt.u32 s9, $0xF7A;
	s5 =	simm.s32 @!p2 $0x0  }
0x1d: {  	s5 =	simm.s32 @p1 $0x1;
	p0 =	seq.s32 s7, s2  }
0x1e: {  	s7 =	smul.u32 @!p0 $0xF7A, s2;
	p2 =	seq.s32 @!p0 s5, $0x0  }
0x1f: {  	s9 =	smul.u32 $0xF7A, s1;
	s8 =	simm.s32 @!p0 $0x1BF5;
	p2 =	por !p2, p0  }
0x20: {  	[sflag:s8] =	ssyncset.s32 @!p0 $0xFFFFF086;
	s6 =	sadd.s32 @!p0 s3, s7;
	s7 =	simm.s32 @!p0 $0x108  }
0x21: {  	s3 =	sadd.s32 s3, s9;
	s6 =	sadd.s32 @!p0 $0x88, s6;
	s7 =	simm.s32 @p2 $0x1082  }
0x22: {  	[simem:s7], [sflag:s8] =	dma.local @!p0 [hbm:s6], $0xF7A  }
0x23: {  	s9 =	sor.u32 $0xD0000000, s2;
	s6 =	simm.s32 $0x108;
	_ =	swait.ge @!p0 [sflag:s8], $0x0  }
0x24: {  	s3 =	sadd.s32 $0x88, s3;
	s6 =	simm.s32 @!p1 $0x1082;
	[sflag:s4] =	ssyncset.s32 $0xFFFFF086  }
0x25: {  	[simem:s6], [sflag:s4] =	dma.local [hbm:s3], $0xF7A  }
0x26: {  	[smem:$0x3F9E] =	sst s1;
	(tag) =	ssettag s2;
	_ =	strace s9  }
0x27: {  	s1 =	sld [smem:$0x3FAE]  }
0x28: {  	s2 =	sld [smem:$0x3FAF]  }
0x29: {  	s4 =	sld [smem:$0x3FB1]  }
0x2a: {  	p0 =	seq.s32 s5, $0x0;
	s5 =	sld [smem:$0x3FB2]  }
0x2b: {  	s6 =	sld [smem:$0x3FB3]  }
0x2c: {  	s7 =	sld [smem:$0x3FB4]  }
0x2d: {  	s3 =	simm.s32 $0x108;
	s8 =	sld [smem:$0x3FB5]  }
0x2e: {  	s3 =	simm.s32 @!p0 $0x1082;
	s9 =	sld [smem:$0x3FB6]  }
0x2f: {  	lr =	sadd.s32 s0, s3;
	s0 =	sld [smem:$0x3FAD]  }
0x30: {  	s3 =	sld [smem:$0x3FB0]  }
0x31: {  	[smem:$0x3FB9] =	sst s10  }
0x32: {  	s10 =	sld [smem:$0x3FB7];
	_ =	sdelay $0x3  }
0x33: {  	p0 =	seq.s32 s10, $0x1;
	s10 =	sld [smem:$0x3FB9];
	_ =	sdelay $0x3  }
0x34: {  	[smem:$0x3FB9] =	sst s10  }
0x35: {  	s10 =	sld [smem:$0x3FB8];
	_ =	sdelay $0x3  }
0x36: {  	p1 =	seq.s32 s10, $0x1;
	s10 =	sld [smem:$0x3FB9];
	_ =	sdelay $0x3  }
0x37: {  	[smem:$0x3FB9] =	sst s10  }
0x38: {  	s10 =	sld [smem:$0x3FBA]  }
0x39: {  	_ = 	snop;
	(pc) =	sbr.ind lr, $3  }
0x3a: {  	_ = 	snop  }
0x3b: {  	_ = 	snop  }
0x3c: {  	p2 =	seq.s32 s10, $0x1;
	s10 =	sld [smem:$0x3FB9]  }
0x3d: {  	_ =	shalt  }
0x3e: {  	_ =	shalt  }
0x3f: {  	_ =	shalt  }
0x40: {  	_ =	shalt  }
0x41: {  	_ =	shalt  }
0x42: {  	_ =	shalt  }
0x43: {  	_ =	shalt  }
0x44: {  	_ =	shalt  }
0x45: {  	_ =	shalt  }
0x46: {  	_ =	shalt  }
0x47: {  	_ =	shalt  }
0x48: {  	_ =	shalt  }
0x49: {  	_ =	shalt  }
0x4a: {  	_ =	shalt  }
0x4b: {  	_ =	shalt  }
0x4c: {  	_ =	shalt  }
0x4d: {  	_ =	shalt  }
0x4e: {  	_ =	shalt  }
0x4f: {  	_ =	shalt  }
0x50: {  	_ =	shalt  }
0x51: {  	_ =	shalt  }
0x52: {  	_ =	shalt  }
0x53: {  	_ =	shalt  }
0x54: {  	_ =	shalt  }
0x55: {  	_ =	shalt  }
0x56: {  	_ =	shalt  }
0x57: {  	_ =	shalt  }
0x58: {  	_ =	shalt  }
0x59: {  	_ =	shalt  }
0x5a: {  	_ =	shalt  }
0x5b: {  	_ =	shalt  }
0x5c: {  	_ =	shalt  }
0x5d: {  	_ =	shalt  }
0x5e: {  	_ =	shalt  }
0x5f: {  	_ =	shalt  }
0x60: {  	_ =	shalt  }
0x61: {  	_ =	shalt  }
0x62: {  	_ =	shalt  }
0x63: {  	_ =	shalt  }
0x64: {  	_ =	shalt  }
0x65: {  	_ =	shalt  }
0x66: {  	_ =	shalt  }
0x67: {  	_ =	shalt  }
0x68: {  	_ =	shalt  }
0x69: {  	_ =	shalt  }
0x6a: {  	_ =	shalt  }
0x6b: {  	_ =	shalt  }
0x6c: {  	_ =	shalt  }
0x6d: {  	_ =	shalt  }
0x6e: {  	_ =	shalt  }
0x6f: {  	_ =	shalt  }
0x70: {  	_ =	shalt  }
0x71: {  	_ =	shalt  }
0x72: {  	_ =	shalt  }
0x73: {  	_ =	shalt  }
0x74: {  	_ =	shalt  }
0x75: {  	_ =	shalt  }
0x76: {  	_ =	shalt  }
0x77: {  	_ =	shalt  }
0x78: {  	_ =	shalt  }
0x79: {  	_ =	shalt  }
0x7a: {  	_ =	shalt  }
0x7b: {  	_ =	shalt  }
0x7c: {  	_ =	shalt  }
0x7d: {  	_ =	shalt  }
0x7e: {  	_ =	shalt  }
0x7f: {  	_ =	shalt  }
0x80: {  	_ =	shalt  }
0x81: {  	_ =	shalt  }
0x82: {  	_ =	shalt  }
0x83: {  	_ =	shalt  }
0x84: {  	_ =	shalt  }
0x85: {  	_ =	shalt  }
0x86: {  	_ =	shalt  }
0x87: {  	_ =	shalt  }
.Lfunc_end0:
.L_simem_size_0:
called_computation_lowered:
.L_overlay_start_0:
0x88: {  	s2 =	sld [smem:$0x3FD9]  }
0x89: {  	s3 =	sld [smem:$0x3FFE];
	_ =	sdelay $0x1  }
0x8a: {  	s1 =	srdreg.scid  }
0x8b: {  	s0 =	sand.u32 $0x1, s1  }
0x8c: {  	s17 =	sshll.u32 s0, $0xA;
	s2 =	sadd.s32 s3, s2  }
0x8d: {  	s2 =	sadd.s32 s2, s17  }
0x8e: {  	[smem:$0x3FC5] =	sst s2  }
0x8f: {  	_ = 	snop  }
0x90: {  	s2 =	sld [smem:$0x3FC8]  }
0x91: {  	s18 =	sld [smem:$0x3FC7];
	(tm) =	ssettm $0x1  }
0x92: {  	s4 =	sld [smem:$0x3FFB];
	_ =	sdelay $0x3  }
0x93: {  	_ =	strace s4  }
0x94: {  	s4 =	sld [smem:$0x3FFC];
	_ =	sdelay $0x3  }
0x95: {  	_ =	strace s4  }
0x96: {  	s4 =	sld [smem:$0x3FFD];
	_ =	sdelay $0x3  }
0x97: {  	_ =	strace s4  }
0x98: {  	_ =	strace $0x8FFFFFFF  }
0x99: {  	s19 =	sld [smem:$0x3FDB];
	_ =	sdelay $0x1  }
0x9a: {  	s5 =	simm.s32 $_scs_section_size  }
0x9b: {  	s6 =	simm.s32 $_size__tile_overlayer_lowered;
	s7 =	simm.s32 $_tile_overlayer_lowered  }
0x9c: {  	s22 =	simm.s32 $0x1BFF;
	s21 =	sshll.u32 s7, $0x1;
	s4 =	sadd.s32 s5, s19  }
0x9d: {  	s8 =	simm.s32 $0x0;
	s20 =	sshll.u32 s6, $0x1;
	s6 =	sadd.s32 s21, s4  }
0x9e: {  	[timem:s8], [sflag:s22] =	dma.local [hbm:s6], s20  }
0x9f: {  	_ =	swait.ge [sflag:s22], s20  }
0xa0: {  	s5 =	ssub.s32 $0x0, s20;
	[sflag:s22] =	ssyncset.done $0x0  }
0xa1: {  	[sflag:s22] =	ssyncadd.s32 s5;
	_ =	sdelay $0x1  }
0xa2: {  	s23 =	simm.s32 $0x1B8B  }
0xa3: {  	_ =	swait.ge [sflag:s23], $0x1  }
0xa4: {  	[sflag:s23] =	ssyncset.done $0x0  }
0xa5: {  	s25 =	simm.s32 $0x1B8E;
	s24 =	sld [smem:$0x3FFE];
	[sflag:s23] =	ssyncadd.s32 $0xFFFFFFFF  }
0xa6: {  	s26 =	simm.s32 $execute0_lowered;
	[smem:$0x3FD2] =	sst s25  }
0xa7: {  	s6 =	sshll.u32 s26, $0x1;
	_ =	strace $0x80000046;
	[dreg:$0x1] =	wrdreg $0xFFFFFFFF  }
0xa8: {  	s28 =	simm.s32 $_size_execute0_lowered;
	s4 =	sadd.s32 s4, s6;
	[dreg:$0x0] =	wrdreg $0x0  }
0xa9: {  	s6 =	sshll.u32 s28, $0x1;
	[dreg:$0x2] =	wrdreg s4  }
0xaa: {  	[dreg:$0x3] =	wrdreg s6  }
0xab: {  	[dreg:$0x4] =	wrdreg $0xC0  }
0xac: {  	_ =	task [dreg:s8], $0x5FFFF  }
0xad: {  	[dreg:$0x1] =	wrdreg $0xFFFFFFFF  }
0xae: {  	[dreg:$0x0] =	wrdreg $0x60  }
0xaf: {  	[dreg:$0x2] =	wrdreg s24  }
0xb0: {  	[dreg:$0x3] =	wrdreg s2  }
0xb1: {  	[dreg:$0x4] =	wrdreg s18  }
0xb2: {  	[dreg:$0x5] =	wrdreg $0x9  }
0xb3: {  	_ =	task.clear_ibuf [dreg:s8], $0x6FFFF;
	_ =	strace $0x90000046  }
0xb4: {  	s29 =	simm.s32 $0x9;
	_ =	strace $0x80000048  }
0xb5: {  	_ =	swait.ge [sflag:s29], $0x1  }
0xb6: {  	[sflag:s29] =	ssyncadd.s32 $0xFFFFFFFF  }
0xb7: {  	_ =	strace $0x90000048  }
0xb8: {  	_ =	sfence  }
0xb9: {  	s30 =	sld [smem:$0x0];
	_ =	sdelay $0x2  }
0xba: {  	s31 =	sshll.u32 s1, $0xD;
	s1 =	sshrl.u32 s1, $0x2  }
0xbb: {  	s3 =	sand.u32 $0x4000, s31;
	s1 =	sadd.s32 s1, s30  }
0xbc: {  	s0 =	sor.u32 s3, s0;
	s1 =	sshll.u32 s1, $0x11  }
0xbd: {  	s0 =	sor.u32 s1, s0  }
0xbe: {  	s0 =	sadd.s32 $0x8F2B, s0  }
0xbf: {  	[sflag:s0] =	ssyncadd.remote.s32 $0x1  }
0xc0: {  	_ =	sfence.sel $0xFFFF  }
0xc1: {  	[dreg:$0x0] =	wrdreg $0xFFFFFFFF;
	(pc) =	sbr.abs _section_cstart, $3  }
0xc2: {  	[dreg:$0x1] =	wrdreg $0xFFFFFFFF  }
0xc3: {  	_ =	task.clear_ibuf [dreg:s8], $0x2FFFF;
	_ =	strace $0x9FFFFFFF  }
0xc4: {  	(tm) =	ssettm $0x7FFFFFFF  }
0xc5: {  	_ =	shalt  }
tec
execute0_lowered:
.L_overlay_start_1:
0x0: {  	(tag) =	ssettag $0x1  }
0x1: {  	v0 =	vimm.s32 $0xFEDCBA9;
	v1 =	vimm.f32 $1.000000000e+00;
	v2 =	vimm.s32 $0xFEDCBA98  }
0x2: {  	v3 =	vimm.s32 $0xB0A0908;
	v4 =	vimm.s32 $0x13121110;
	vm2 =	vcmask $0x1F10  }
0x3: {  	vm0 =	vcmask $0x1B00;
	v5 =	vimm.s32 $0x10131211;
	v6 =	vimm.s32 $0x80B0A09  }
0x4: {  	v7 =	vimm.s32 $0xFEDCBA;
	vm1 =	vcmask $0x3B2C;
	v55 =	vimm.s32 $0xDCBA9800  }
0x5: {  	v56 =	vimm.s32 $0xFEDCB;
	v57 =	vimm.s32 $0x11101312;
	v8 =	vimm.s32 $0xEDCBA980  }
0x6: {  	v9 =	vimm.s32 $0x12111013;
	vm3 =	vcmask $0x3F28;
	v12 =	vimm.s32 $0xF0E0D0C  }
0x7: {  	v59 =	vimm.s32 $0x100F0E0D;
	v61 =	vimm.s32 $0x8131211;
	v62 =	vimm.s32 $0x11100F0E  }
0x8: {  	v20 =	vimm.s32 $0x12111000;
	v21 =	vimm.s32 $0xBA98FEDC;
	vm4 =	vcmask $0x3B38  }
0x9: {  	v25 =	vimm.s32 $0xCBA98FED;
	v32 =	vimm.s32 $0xDCBA90FE;
	v34 =	vimm.s32 $0xEDCBA00F  }
0xa: {  	vm5 =	vcmask $0x2B0C;
	vm6 =	vcmask $0x270C;
	v39 =	vimm.s32 $0xA090800  }
0xb: {  	v40 =	vimm.s32 $0x76543210;
	v41 =	vimm.s32 $0x3210BA98;
	v43 =	vimm.s32 $0x87654321  }
0xc: {  	v45 =	vimm.s32 $0x43210BA9;
	v46 =	vimm.s32 $0x98765432;
	v47 =	vimm.s32 $0x543210BA  }
0xd: {  	v48 =	vlaneseq.u32;
	v49 =	vimm.s32 $0xA9876543;
	vm12 =	vcmask $0x2330  }
0xe: {  	vm11 =	vcmask $0xB00;
	vm14 =	vcmask $0x300;
	vm7 =	vcmask $0x3F3C  }
0xf: {  	vm8 =	vcmask $0x170C;
	vm9 =	vcmask $0x3F38;
	vm10 =	vcmask $0x1308  }
0x10: {  	s5 =	rddreg [dreg:$0x0];
	v0 =	vunpack.c.l.s4.s8 v0;
	v2 =	vunpack.c.l.s4.s8 v2;
	v3 =	vunpack.c.0.s8.s32 v3  }
0x11: {  	s1 =	rddreg [dreg:$0x1];
	v4 =	vunpack.c.0.s8.s32 v4;
	v5 =	vunpack.c.0.s8.s32 v5;
	v6 =	vunpack.c.0.s8.s32 v6  }
0x12: {  	s2 =	rddreg [dreg:$0x2];
	s3 =	simm.s32 $0x0;
	v7 =	vunpack.c.l.s4.s8 v7;
	v8 =	vunpack.c.l.s4.s8 v8;
	v9 =	vunpack.c.0.s8.s32 v9  }
0x13: {  	[smem:$0x7FF] =	sst s3;
	v12 =	vunpack.c.0.s8.s32 v12;
	v26 =	vunpack.c.l.s4.s8 v25;
	vm7 =	vmor vm8, vm7  }
0x14: {  	s0 =	rddreg [dreg:$0x3];
	vm8 =	vmor vm10, vm9;
	vm9 =	vcmask $0xF04;
	vm10 =	vcmask $0x372C;
	_ =	strace $0x80000047  }
0x15: {  	v0 =	vunpack.c.0.s8.s32 v0;
	(erf) = vrcp.f32 v1;
	v50 =	vunpack.c.0.s8.s32 v2  }
0x16: {  	v51 =	vsel vm2, v3, v4;
	v54 =	vunpack.c.0.s8.s32 v7;
	v3 =	vunpack.c.l.s4.s8 v55  }
0x17: {  	v7 =	vunpack.c.0.s8.s32 v57;
	v60 =	vsel vm2, v4, v12;
	v12 =	vimm.s32 $0x9081312  }
0x18: {  	v8 =	vunpack.c.0.s8.s32 v8;
	v55 =	vimm.s32 $0x0;
	v12 =	vunpack.c.0.s8.s32 v12  }
0x19: {  	v0 =	vand.u32 $0xF, v0;
	v1 =	vand.u32 $0xF, v50;
	v3 =	vunpack.c.0.s8.s32 v3  }
0x1a: {  	v8 =	vand.u32 $0xF, v8;
	v50 =	vimm.s32 $0x6543210B;
	v52 =	vnsel vm0, $0xC, v0  }
0x1b: {  	vm0 =	vcmask $0x2B1C;
	v2 =	vcombine.low v1, v51;
	v1 =	vcombine.low v60, v1  }
0x1c: {  	v51 =	vunpack.c.l.s4.s8 v50;
	v60 =	vimm.s32 $0x210BA987;
	v53 =	vsel vm0, v5, v52  }
0x1d: {  	vm0 =	vcmask $0x2718;
	[tilespmem:$0x1FE00] =	vst v2;
	v2 =	vsel vm1, v6, v53;
	v6 =	vunpack.c.l.s4.s8 v56  }
0x1e: {  	v3 =	vand.u32 $0xF, v3;
	v52 =	vunpack.c.0.s8.s32 v51;
	[tilespmem:$0x1FE10] =	vst v2;
	v2 =	vand.u32 $0xF, v54  }
0x1f: {  	v53 =	vimm.s32 $0xBA987654;
	v6 =	vunpack.c.0.s8.s32 v6;
	v10 =	vsel vm0, v7, v2  }
0x20: {  	vm0 =	vcmask $0x2314;
	v3 =	vsel vm3, v3, v10;
	vm3 =	vcmask $0xF00  }
0x21: {  	v10 =	vunpack.c.0.s8.s32 v61;
	v6 =	vand.u32 $0xF, v6;
	[tilespmem:$0x1FE20] =	vst v3;
	v3 =	vunpack.c.0.s8.s32 v59  }
0x22: {  	v35 =	vnsel vm3, $0x9, v12;
	v11 =	vsel vm0, v9, v6;
	vm0 =	vcmask $0x3F24  }
0x23: {  	v33 =	vnsel vm3, $0x8, v10;
	v58 =	vsel vm0, v8, v11;
	v3 =	vnsel vm3, $0x10, v3  }
0x24: {  	v11 =	vunpack.c.0.s8.s32 v62;
	vm0 =	vcmask $0x3B20;
	v8 =	vimm.s32 $0x1211100F  }
0x25: {  	[tilespmem:$0x1FE40] =	vst v1;
	v3 =	vsel vm2, v10, v3;
	v1 =	vunpack.c.0.s8.s32 v8;
	v8 =	vunpack.c.l.s4.s8 v21  }
0x26: {  	v0 =	vsel vm0, v0, v3;
	v63 =	vnsel vm3, $0x11, v11;
	vm0 =	vcmask $0x3720  }
0x27: {  	v11 =	vimm.s32 $0xA090813;
	[tilespmem:$0x1FE50] =	vst v0;
	v0 =	vsel vm2, v12, v63;
	v24 =	vunpack.c.0.s8.s32 v8  }
0x28: {  	v8 =	vunpack.c.l.s4.s8 v34;
	v0 =	vsel vm0, v2, v0;
	v2 =	vunpack.c.0.s8.s32 v11  }
0x29: {  	v3 =	vunpack.c.0.s8.s32 v20;
	v12 =	vmul.u32 $0x80, v48;
	v0 =	vsel vm4, $0x10, v0  }
0x2a: {  	v8 =	vunpack.c.0.s8.s32 v8;
	v22 =	vsel vm2, v2, v1;
	vm2 =	vcmask $0x1F14  }
0x2b: {  	v1 =	vunpack.c.l.s4.s8 v32;
	v2 =	vnsel vm3, $0xA, v2;
	v23 =	vsel vm2, v3, v6  }
0x2c: {  	[tilespmem:$0x1FE60] =	vst v0;
	v3 =	vand.u32 $0xF, v24;
	vm2 =	vcmask $0x2F10;
	v0 =	vcombine.low v22, v23  }
0x2d: {  	v3 =	vsel vm2, v3, v4;
	vm2 =	vcmask $0x3F30;
	v1 =	vunpack.c.0.s8.s32 v1  }
0x2e: {  	[tilespmem:$0x1FF50] =	vst v52;
	v36 =	vand.u32 $0xF, v8;
	v3 =	vsel vm2, v4, v3;
	vm2 =	vcmask $0x230C  }
0x2f: {  	v4 =	vunpack.c.l.s4.s8 v47;
	[tilespmem:$0x1FE70] =	vst v0;
	v0 =	vunpack.c.0.s8.s32 v26;
	v1 =	vand.u32 $0xF, v1  }
0x30: {  	[tilespmem:$0x1FE80] =	vst v3;
	v38 =	vsel vm2, v36, v2;
	v2 =	vunpack.c.l.s4.s8 v40;
	v3 =	vunpack.c.l.s4.s8 v41  }
0x31: {  	[tilespmem:$0x1FE30] =	vst v58;
	v1 =	vsel vm6, v1, v35;
	vm6 =	vcmask $0x3728;
	v4 =	vunpack.c.0.s8.s32 v4  }
0x32: {  	[tilespmem:$0x1FF80] =	vst v12;
	v0 =	vand.u32 $0xF, v0;
	v1 =	vsel vm6, v7, v1;
	v42 =	vunpack.c.0.s8.s32 v2  }
0x33: {  	v44 =	vunpack.c.0.s8.s32 v3;
	v2 =	vunpack.c.l.s4.s8 v45;
	v37 =	vsel vm4, $0x8, v1;
	[tilespmem:$0x1FF00] =	vst v4  }
0x34: {  	v56 =	vimm.s32 $0x0;
	v3 =	vunpack.c.l.s4.s8 v46;
	v0 =	vsel vm5, v0, v33;
	[tilespmem:$0x1FEA0] =	vst v37  }
0x35: {  	v54 =	vimm.s32 $0x0;
	v0 =	vsel vm1, v5, v0;
	[tilespmem:$0x1FEC0] =	vst v44;
	v2 =	vunpack.c.0.s8.s32 v2  }
0x36: {  	v1 =	vunpack.c.0.s8.s32 v39;
	vm1 =	vcmask $0x3324;
	v3 =	vunpack.c.0.s8.s32 v3;
	[tilespmem:$0x1FE90] =	vst v0  }
0x37: {  	v6 =	vcombine.low v42, v44;
	v0 =	vsel vm1, v9, v38;
	vm1 =	vcmask $0x3F34;
	[tilespmem:$0x1FEE0] =	vst v2  }
0x38: {  	v63 =	vimm.s32 $0x0;
	v0 =	vsel vm1, v1, v0;
	v1 =	vunpack.c.l.s4.s8 v43;
	[tilespmem:$0x1FEF0] =	vst v3  }
0x39: {  	v13 =	vand.u32 $0xF, v6;
	vm15 =	vmor vm9, vm1;
	vm1 =	vcmask $0x3B24;
	[tilespmem:$0x1FEB0] =	vst v0  }
0x3a: {  	v3 =	vcombine.low v3, v4;
	vm1 =	vmor vm11, vm1;
	[tilespmem:$0x1FF90] =	vst v13;
	v0 =	vsel vm7, $0xFFFFFFFF, v63  }
0x3b: {  	v59 =	vimm.s32 $0x10BA9876;
	vm2 =	vcmask $0x700;
	v4 =	vsel vm1, $0xFFFFFFFF, v54;
	[tilespmem:$0x1FFF0] =	vst v0  }
0x3c: {  	s6 =	srdreg.scid;
	s16 =	simm.s32 $0x10088;
	s17 =	simm.s32 $0x10000;
	vm0 =	vmor vm2, vm0;
	v1 =	vunpack.c.0.s8.s32 v1;
	v15 =	vand.u32 $0xF, v3;
	[tilespmem:$0x1FF10] =	vst v4  }
0x3d: {  	s4 =	stileid.u32;
	s18 =	simm.s32 $0x10080;
	s19 =	simm.s32 $0x8000;
	v58 =	vimm.s32 $0xBA98765;
	v4 =	vsel vm0, $0xFFFFFFFF, v55;
	vm0 =	vcmask $0x331C;
	[tilespmem:$0x1FFB0] =	vst v15  }
0x3e: {  	s20 =	simm.s32 $0x1;
	s21 =	simm.s32 $0x4000;
	s22 =	simm.s32 $0x2;
	[tilespmem:$0x1FED0] =	vst v1;
	v1 =	vcombine.low v1, v2;
	v2 =	vunpack.c.l.s4.s8 v49;
	vm0 =	vmor vm14, vm0  }
0x3f: {  	s23 =	simm.s32 $0xC000;
	s24 =	simm.s32 $0x3;
	s25 =	simm.s32 $0x4;
	vm3 =	vcmask $0x3B18;
	v3 =	vunpack.c.l.s4.s8 v59;
	[tilespmem:$0x1FF20] =	vst v4;
	v4 =	vsel vm0, $0xFFFFFFFF, v56  }
0x40: {  	s26 =	simm.s32 $0x0;
	s6 =	sand.u32 $0x1, s6;
	s8 =	sshll.u32 s4, $0xE;
	v14 =	vand.u32 $0xF, v1;
	v2 =	vunpack.c.0.s8.s32 v2;
	v1 =	vunpack.c.l.s4.s8 v53;
	[tilespmem:$0x1FF30] =	vst v4  }
0x41: {  	s10 =	sadd.s32 $0x400, s5;
	s7 =	ssub.s32 $0x2, s6;
	s6 =	sshll.u32 s6, $0xD;
	vm3 =	vmor vm11, vm3;
	vm10 =	vmor vm2, vm10;
	v56 =	vunpack.c.0.s8.s32 v3;
	[tilespmem:$0x1FFA0] =	vst v14  }
0x42: {  	s12 =	sadd.s32 $0x40400, s5;
	s9 =	sshrl.u32 s7, $0x1;
	s11 =	sor.u32 s6, s8;
	[tilespmem:$0x1FF40] =	vst v2;
	v2 =	vcombine.low v2, v52;
	v57 =	vunpack.c.0.s8.s32 v1;
	v1 =	vunpack.c.l.s4.s8 v58  }
0x43: {  	s13 =	ssub.s32 s7, s9;
	s31 =	sor.u32 $0x800, s11;
	s5 =	sadd.s32 s10, s11;
	vm6 =	vcmask $0x3B30;
	vm4 =	vcmask $0x3714;
	vm5 =	vcmask $0x3310;
	[tilespmem:$0x1FFE0] =	vst v56  }
0x44: {  	s14 =	sor.u32 $0x1000, s11;
	s7 =	sadd.s32 s12, s11;
	s15 =	sor.u32 $0x1800, s11;
	v16 =	vand.u32 $0xF, v2;
	[tilespmem:$0x1FF60] =	vst v57;
	v61 =	vand.u32 $0xF, v57;
	v62 =	vunpack.c.0.s8.s32 v1  }
0x45: {  	s6 =	sadd.s32 s10, s31;
	s8 =	sadd.s32 s10, s14;
	s9 =	sadd.s32 s12, s31;
	vm6 =	vmor vm11, vm6;
	v4 =	vunpack.c.l.s4.s8 v60;
	v17 =	vcombine.low v61, v42;
	[tilespmem:$0x1FFD0] =	vst v16  }
0x46: {  	s10 =	sadd.s32 s10, s15;
	s11 =	sadd.s32 s12, s14;
	s12 =	sadd.s32 s12, s15;
	vm13 =	vmor vm2, vm4;
	vm5 =	vmor vm14, vm5;
	vm1 =	vcmask $0x3328;
	[tilespmem:$0x1FF70] =	vst v62  }
0x47: {  	s13 =	smax.u32 s13, $0x1;
	s14 =	simm.s32 $0x10008;
	s15 =	simm.s32 $0x5;
	v29 =	vpop (erf);
	vm11 =	vmmov vm12;
	vm12 =	vmor vm14, vm1;
	v57 =	vunpack.c.0.s8.s32 v4;
	[tilespmem:$0x1FFC0] =	vst v17  }
.LBB2_1:
0x48: {  	[tilespmem:s14], [sflag:$0x5] =	stream.linear.gather [hbm4b:s1+s3], $0xC, $0x38;
	[tilespmem:$0x10100] =	vst v63  }
0x49: {  	_ =	swait.ge [sflag:s15], $0xC  }
0x4a: {  	[sflag:s15] =	ssyncset.done $0x0  }
0x4b: {  	[sflag:s15] =	ssyncadd.s32 $0xFFFFFFF4  }
0x4c: {  	[tilespmem:s16], [sflag:$0x5] =	stream.linear.gather [hbm4b:s2+s3], $0xC, $0x38;
	[tilespmem:$0x10100] =	vst v63  }
0x4d: {  	_ =	swait.ge [sflag:s15], $0xC  }
0x4e: {  	v0 =	vld [tilespmem:$0x1FE00]  }
0x4f: {  	v62 =	vld [tilespmem:$0x1FE10]  }
0x50: {  	v2 =	vld [tilespmem:$0x1FE20]  }
0x51: {  	v3 =	vld [tilespmem:$0x1FE30]  }
0x52: {  	v4 =	vld [tilespmem:$0x1FE40]  }
0x53: {  	v5 =	vld [tilespmem:$0x1FE50]  }
0x54: {  	v6 =	vld [tilespmem:$0x1FE60]  }
0x55: {  	v7 =	vld [tilespmem:$0x1FE70]  }
0x56: {  	v8 =	vld [tilespmem:$0x1FE80]  }
0x57: {  	v9 =	vld [tilespmem:$0x1FE90]  }
0x58: {  	[sflag:s15] =	ssyncset.done $0x0;
	v10 =	vld [tilespmem:$0x1FEA0]  }
0x59: {  	v11 =	vld [tilespmem:$0x1FEB0];
	[sflag:s15] =	ssyncadd.s32 $0xFFFFFFF4  }
0x5a: {  	v1 =	vld.idx.msk [tilespmem:v0+s17+$0x0], $0xffff  }
0x5b: {  	v18 =	vld.idx.msk [tilespmem:v62+s17+$0x0], $0xffff  }
0x5c: {  	v19 =	vld.idx.msk [tilespmem:v2+s17+$0x0], $0xffff  }
0x5d: {  	v20 =	vld.idx.msk [tilespmem:v3+s17+$0x0], $0xffff  }
0x5e: {  	v22 =	vld.idx.msk [tilespmem:v4+s17+$0x0], $0xffff  }
0x5f: {  	v24 =	vld.idx.msk [tilespmem:v5+s17+$0x0], $0xffff  }
0x60: {  	v25 =	vld.idx.msk [tilespmem:v6+s17+$0x0], $0xffff  }
0x61: {  	v27 =	vld.idx.msk [tilespmem:v7+s17+$0x0], $0xffff  }
0x62: {  	v28 =	vld.idx.msk [tilespmem:v8+s17+$0x0], $0xffff  }
0x63: {  	v30 =	vld.idx.msk [tilespmem:v9+s17+$0x0], $0xffff  }
0x64: {  	v31 =	vld.idx.msk [tilespmem:v10+s17+$0x0], $0xffff  }
0x65: {  	v32 =	vld.idx.msk [tilespmem:v11+s17+$0x0], $0xffff  }
0x66: {  	v21 =	vld.idx.msk [tilespmem:v0+s18+$0x0], $0xffff  }
0x67: {  	v26 =	vld.idx.msk [tilespmem:v62+s18+$0x0], $0xffff  }
0x68: {  	v33 =	vld.idx.msk [tilespmem:v2+s18+$0x0], $0xffff  }
0x69: {  	v34 =	vld.idx.msk [tilespmem:v3+s18+$0x0], $0xffff  }
0x6a: {  	v35 =	vld.idx.msk [tilespmem:v4+s18+$0x0], $0xffff  }
0x6b: {  	v36 =	vld.idx.msk [tilespmem:v5+s18+$0x0], $0xffff  }
0x6c: {  	v37 =	vld.idx.msk [tilespmem:v6+s18+$0x0], $0xffff  }
0x6d: {  	v38 =	vld.idx.msk [tilespmem:v7+s18+$0x0], $0xffff  }
0x6e: {  	v39 =	vld.idx.msk [tilespmem:v8+s18+$0x0], $0xffff  }
0x6f: {  	v40 =	vld.idx.msk [tilespmem:v9+s18+$0x0], $0xffff  }
0x70: {  	v41 =	vld.idx.msk [tilespmem:v10+s18+$0x0], $0xffff  }
0x71: {  	v42 =	vld.idx.msk [tilespmem:v11+s18+$0x0], $0xffff;
	[tilespmem:s3], [sflag:$0x1] =	stream.linear.gather [hbm4b:s5+s3], $0x4000, $0x38  }
0x72: {  	_ = 	snop  }
0x73: {  	[tilespmem:s19], [sflag:$0x2] =	stream.linear.gather [hbm4b:s6+s3], $0x4000, $0x38;
	[tilespmem:$0x10100] =	vst v63  }
0x74: {  	[tilespmem:$0x1FD10] =	vst v1  }
0x75: {  	_ =	swait.ge [sflag:s20], $0x4000  }
0x76: {  	[tilespmem:$0x1FD20] =	vst v18  }
0x77: {  	[tilespmem:$0x1FD30] =	vst v19  }
0x78: {  	[tilespmem:$0x1FD40] =	vst v20  }
0x79: {  	[tilespmem:$0x1FD50] =	vst v21  }
0x7a: {  	[tilespmem:$0x1FD60] =	vst v26  }
0x7b: {  	[tilespmem:$0x1FD70] =	vst v22  }
0x7c: {  	[tilespmem:$0x1FD80] =	vst v28  }
0x7d: {  	[tilespmem:$0x1FD90] =	vst v24  }
0x7e: {  	v63 =	vld [tilespmem:$0x1FF20];
	[tilespmem:$0x1FDA0] =	vst v25  }
0x7f: {  	[tilespmem:$0x1FDB0] =	vst v30  }
0x80: {  	[tilespmem:$0x1FDC0] =	vst v27  }
0x81: {  	[tilespmem:$0x1FDD0] =	vst v31  }
0x82: {  	[sflag:s20] =	ssyncset.done $0x0;
	[tilespmem:$0x1FDE0] =	vst v32  }
0x83: {  	s28 =	simm.s32 $0x0;
	[tilespmem:$0x1FDF0] =	vst v33;
	[sflag:s20] =	ssyncadd.s32 $0xFFFFC000;
	vm2 =	vnez.u8 v63  }
.LBB2_2:
0x84: {  	_ =	sdelay $0x1  }
0x85: {  	v0 =	vmov s28  }
0x86: {  	v0 =	vshll.u32 v0, $0x7  }
0x87: {  	v8 =	vor.u32 v12, v0  }
0x88: {  	v2 =	vor.u32 v13, v8  }
0x89: {  	v4 =	vld [tilespmem:$0x1FD10]  }
0x8a: {  	v52 =	vld [tilespmem:$0x1FED0]  }
0x8b: {  	v7 =	vld [tilespmem:$0x1FEF0];
	v63 =	vor.u32 v15, v8  }
0x8c: {  	v62 =	vor.u32 v16, v8;
	v16 =	vld [tilespmem:$0x1FF70]  }
0x8d: {  	v0 =	vor.u32 v14, v8;
	v1 =	vld.idx.msk [tilespmem:v2+s3+$0x0], $0xffff  }
0x8e: {  	v15 =	vld [tilespmem:$0x1FEE0]  }
0x8f: {  	v54 =	vld [tilespmem:$0x1FF40]  }
0x90: {  	v51 =	vld.idx.msk [tilespmem:v63+s3+$0x0], $0xffff  }
0x91: {  	v55 =	vld [tilespmem:$0x1FEC0]  }
0x92: {  	v3 =	vld.idx.msk [tilespmem:v0+s3+$0x0], $0xffff;
	v1 =	vmul.f32 v1, v21  }
0x93: {  	v61 =	vor.u32 v17, v8;
	v6 =	vld.idx.msk [tilespmem:v62+s3+$0x0], $0xffff;
	v15 =	vcombine.low v15, v16  }
0x94: {  	v7 =	vcombine.low v56, v7;
	v13 =	vld [tilespmem:$0x1FF60];
	v9 =	vadd.f32 v1, v4  }
0x95: {  	v1 =	vcombine.low v16, v52;
	v4 =	vmul.f32 v51, v33;
	v33 =	vand.u32 $0xF, v15;
	v15 =	vld [tilespmem:$0x1FF00]  }
0x96: {  	vm4 =	vcmask $0x1F2C;
	v53 =	vand.u32 $0xF, v7;
	v7 =	vcombine.low v57, v54  }
0x97: {  	v3 =	vmul.f32 v3, v26;
	v5 =	vmul.f32 v9, v9;
	v1 =	vand.u32 $0xF, v1  }
0x98: {  	v58 =	vand.u32 $0xF, v7;
	v12 =	vld.idx.msk [tilespmem:v61+s3+$0x0], $0xffff;
	v6 =	vmul.f32 v6, v34;
	[tilespmem:$0x1FCA0] =	vst v1;
	v1 =	vor.u32 v1, v8  }
0x99: {  	v11 =	vadd.f32 v3, v18;
	v3 =	vor.u32 v53, v8;
	v5 =	vsel vm11, $0x0, v5  }
0x9a: {  	v10 =	vadd.f32 $1.000000000e-30, v5;
	v5 =	vcombine.low v55, v13;
	v15 =	vcombine.low v15, v56  }
0x9b: {  	v14 =	vadd.f32 v4, v19;
	v4 =	vor.u32 v58, v8;
	v13 =	vmul.f32 v11, v11  }
0x9c: {  	v17 =	vadd.f32 v6, v20;
	v5 =	vand.u32 $0xF, v5;
	v20 =	vand.u32 $0xF, v15;
	v15 =	vld [tilespmem:$0x1FF50]  }
0x9d: {  	v12 =	vmul.f32 v12, v35;
	v59 =	vsel vm4, $0x0, v13;
	v13 =	vld.idx.msk [tilespmem:v1+s3+$0x0], $0xffff;
	[tilespmem:$0x1FCD0] =	vst v5;
	v5 =	vor.u32 v5, v8;
	_ =	sdelay $0x1  }
0x9e: {  	vm14 =	vcmask $0x1B28;
	v21 =	vadd.f32 v12, v22;
	v60 =	vmul.f32 v14, v14;
	v16 =	vld.idx.msk [tilespmem:v3+s3+$0x0], $0xffff  }
0x9f: {  	v6 =	vor.u32 v33, v8;
	v18 =	vmul.f32 v17, v17;
	v12 =	vld.idx.msk [tilespmem:v4+s3+$0x0], $0xffff;
	v7 =	vadd.f32 v59, v10  }
0xa0: {  	vm4 =	vcmask $0x1724;
	v10 =	vsel vm14, $0x0, v60;
	v15 =	vcombine.low v15, v57  }
0xa1: {  	v10 =	vadd.f32 v10, v7;
	v7 =	vor.u32 v20, v8;
	v13 =	vmul.f32 v13, v36;
	v19 =	vld.idx.msk [tilespmem:v5+s3+$0x0], $0xffff  }
0xa2: {  	[tilespmem:$0x1FCF0] =	vst v20;
	v18 =	vsel vm4, $0x0, v18;
	v20 =	vmul.f32 v21, v21;
	v15 =	vand.u32 $0xF, v15  }
0xa3: {  	v26 =	vadd.f32 v13, v24;
	v13 =	vmul.f32 v16, v37;
	v8 =	vor.u32 v15, v8  }
0xa4: {  	vm1 =	vcmask $0x1320;
	v10 =	vadd.f32 v18, v10;
	v12 =	vmul.f32 v12, v38;
	v16 =	vld.idx.msk [tilespmem:v6+s3+$0x0], $0xffff  }
0xa5: {  	[tilespmem:$0x1FD00] =	vst v15;
	v15 =	vsel vm1, $0x0, v20;
	v18 =	vmul.f32 v26, v26;
	v22 =	vadd.f32 v13, v25  }
0xa6: {  	vm1 =	vcmask $0xF1C;
	v10 =	vadd.f32 v15, v10;
	v15 =	vld.idx.msk [tilespmem:v7+s3+$0x0], $0xffff;
	v13 =	vmul.f32 v19, v39  }
0xa7: {  	v23 =	vadd.f32 v12, v27;
	v18 =	vsel vm1, $0x0, v18;
	v19 =	vmul.f32 v22, v22  }
0xa8: {  	v10 =	vadd.f32 v18, v10;
	v13 =	vadd.f32 v13, v28;
	v18 =	vld.idx.msk [tilespmem:v8+s3+$0x0], $0xffff  }
0xa9: {  	v16 =	vmul.f32 v16, v40;
	v12 =	vsel vm3, $0x0, v19;
	v19 =	vmul.f32 v23, v23  }
0xaa: {  	v10 =	vadd.f32 v12, v10;
	v12 =	vmul.f32 v13, v13  }
0xab: {  	v15 =	vmul.f32 v15, v41;
	v16 =	vadd.f32 v16, v30;
	v19 =	vsel vm13, $0x0, v19  }
0xac: {  	v10 =	vadd.f32 v19, v10;
	v19 =	vsel vm5, $0x0, v12  }
0xad: {  	v20 =	vmul.f32 v16, v16;
	v12 =	vadd.f32 v15, v31;
	v15 =	vmul.f32 v18, v42  }
0xae: {  	v18 =	vadd.f32 v19, v10  }
0xaf: {  	v19 =	vnsel vm6, $0x0, v20;
	v20 =	vmul.f32 v12, v12;
	v10 =	vadd.f32 v15, v32  }
0xb0: {  	v15 =	vadd.f32 v19, v18  }
0xb1: {  	v18 =	vnsel vm10, $0x0, v20;
	v19 =	vmul.f32 v10, v10  }
0xb2: {  	v15 =	vadd.f32 v18, v15  }
0xb3: {  	v18 =	vnsel vm12, $0x0, v19  }
0xb4: {  	v15 =	vadd.f32 v18, v15;
	_ =	sdelay $0x1  }
0xb5: {  	v18 =	vshrl.u32 v15, $0x1;
	v19 =	vmul.f32 $5.000000000e-01, v15  }
0xb6: {  	v18 =	vsub.s32 $0x5F3759DF, v18  }
0xb7: {  	v20 =	vmul.f32 v18, v19;
	_ =	sdelay $0x1  }
0xb8: {  	v20 =	vmul.f32 v18, v20;
	_ =	sdelay $0x1  }
0xb9: {  	v20 =	vsub.f32 $1.500000000e+00, v20;
	_ =	sdelay $0x1  }
0xba: {  	v18 =	vmul.f32 v18, v20;
	_ =	sdelay $0x1  }
0xbb: {  	v20 =	vmul.f32 v18, v19;
	_ =	sdelay $0x1  }
0xbc: {  	v20 =	vmul.f32 v20, v18;
	_ =	sdelay $0x1  }
0xbd: {  	v20 =	vsub.f32 $1.500000000e+00, v20;
	_ =	sdelay $0x1  }
0xbe: {  	v18 =	vmul.f32 v20, v18;
	_ =	sdelay $0x1  }
0xbf: {  	v19 =	vmul.f32 v18, v19;
	_ =	sdelay $0x1  }
0xc0: {  	v19 =	vmul.f32 v19, v18;
	_ =	sdelay $0x1  }
0xc1: {  	v19 =	vsub.f32 $1.500000000e+00, v19;
	_ =	sdelay $0x1  }
0xc2: {  	v18 =	vmul.f32 v19, v18;
	_ =	sdelay $0x1  }
0xc3: {  	v15 =	vmul.f32 v18, v15;
	_ =	sdelay $0x1  }
0xc4: {  	v15 =	vadd.f32 $9.999999930e-09, v15  }
0xc5: {  	vm0 =	vmmov vm15  }
0xc6: {  	vm15 =	vmmov vm8;
	vm8 =	vmmov vm5;
	(erf) = vrcp.f32 v15  }
0xc7: {  	vm9 =	vcmask $0x2318;
	v52 =	vmovc v40;
	v59 =	vand.u32 $0x80000000, v21;
	v40 =	vand.u32 $0x7FFFFFFF, v13  }
0xc8: {  	v28 =	vand.u32 $0x7FFFFFFF, v11;
	v49 =	vmul.f32 v40, v29;
	v18 =	vand.u32 $0x7FFFFFFF, v9  }
0xc9: {  	v48 =	vand.u32 $0x80000000, v22;
	v20 =	vmul.f32 v28, v29;
	v19 =	vmul.f32 v18, v29  }
0xca: {  	v50 =	vmovc v39;
	vm5 =	vmmov vm13;
	v31 =	vand.u32 $0x80000000, v11;
	v39 =	vfloor.f32 v49  }
0xcb: {  	v39 =	vsub.f32 v40, v39;
	v20 =	vfloor.f32 v20;
	v19 =	vfloor.f32 v19  }
0xcc: {  	v49 =	vand.u32 $0x80000000, v13;
	v20 =	vsub.f32 v28, v20;
	v19 =	vsub.f32 v18, v19  }
0xcd: {  	v28 =	vmax.f32 v28, $1.000000010e-01;
	v15 =	vmax.f32 v15, $9.999999770e-03;
	v18 =	vmax.f32 v18, $1.000000010e-01  }
0xce: {  	v24 =	vmin.f32 v15, $6.283185480e+00;
	v15 =	vand.u32 $0x7FFFFFFF, v14;
	vm11 =	veq.f32 v19, $1.000000000e+00  }
0xcf: {  	v30 =	vmul.f32 v15, v29;
	v19 =	vsel vm11, $0x0, v19;
	vm11 =	veq.f32 v20, $1.000000000e+00;
	v25 =	vpop (erf)  }
0xd0: {  	v19 =	vand.u32 $0x7FFFFFFF, v19;
	v27 =	vmul.f32 v24, v25;
	v24 =	vand.u32 $0x80000000, v9  }
0xd1: {  	v20 =	vsel vm11, $0x0, v20;
	v24 =	vor.u32 v24, v19;
	v19 =	vfloor.f32 v30  }
0xd2: {  	v25 =	vsub.f32 v15, v19;
	v30 =	vadd.f32 $1.000000000e+00, v24;
	v19 =	vand.u32 $0x7FFFFFFF, v17  }
0xd3: {  	v20 =	vand.u32 $0x7FFFFFFF, v20;
	vm13 =	vlt.f32 v24, $0.0e+00;
	v43 =	vmul.f32 v19, v29  }
0xd4: {  	[tilespmem:$0x1FCE0] =	vst v33;
	vm11 =	veq.f32 v25, $1.000000000e+00;
	v33 =	vsel vm13, v30, v24;
	v24 =	vor.u32 v31, v20  }
0xd5: {  	v31 =	vand.u32 $0x80000000, v14;
	v20 =	vsel vm11, $0x0, v25;
	v30 =	vfloor.f32 v43  }
0xd6: {  	v25 =	vand.u32 $0x7FFFFFFF, v20;
	v20 =	vand.u32 $0x7FFFFFFF, v21;
	v30 =	vsub.f32 v19, v30  }
0xd7: {  	vm11 =	vlt.f32 v24, $0.0e+00;
	v44 =	vmul.f32 v20, v29;
	v25 =	vor.u32 v31, v25  }
0xd8: {  	v45 =	vadd.f32 $1.000000000e+00, v24;
	v31 =	vadd.f32 $1.000000000e+00, v25;
	vm13 =	veq.f32 v30, $1.000000000e+00  }
0xd9: {  	v32 =	vfloor.f32 v44;
	v30 =	vsel vm13, $0x0, v30;
	vm13 =	vlt.f32 v25, $0.0e+00  }
0xda: {  	v60 =	vmovc v34;
	v34 =	vsel vm11, v45, v24;
	v32 =	vsub.f32 v20, v32;
	v31 =	vsel vm13, v31, v25  }
0xdb: {  	v24 =	vand.u32 $0x7FFFFFFF, v30;
	v30 =	vand.u32 $0x80000000, v17;
	v25 =	vand.u32 $0x7FFFFFFF, v26  }
0xdc: {  	v15 =	vmax.f32 v15, $1.000000010e-01;
	v30 =	vor.u32 v30, v24;
	v46 =	vmul.f32 v25, v29  }
0xdd: {  	v20 =	vmax.f32 v20, $1.000000010e-01;
	vm11 =	veq.f32 v32, $1.000000000e+00;
	v47 =	vadd.f32 $1.000000000e+00, v30  }
0xde: {  	v24 =	vsel vm11, $0x0, v32;
	vm11 =	vlt.f32 v30, $0.0e+00;
	v32 =	vfloor.f32 v46  }
0xdf: {  	[tilespmem:$0x1FCC0] =	vst v58;
	v46 =	vand.u32 $0x80000000, v26;
	v58 =	vand.u32 $0x7FFFFFFF, v24;
	v24 =	vand.u32 $0x7FFFFFFF, v22  }
0xe0: {  	[tilespmem:$0x1FCB0] =	vst v53;
	v53 =	vmovc v35;
	v32 =	vsub.f32 v25, v32;
	v35 =	vsel vm11, v47, v30;
	v30 =	vand.u32 $0x7FFFFFFF, v23  }
0xe1: {  	v55 =	vmovc v36;
	v36 =	vor.u32 v59, v58;
	v43 =	vmul.f32 v24, v29;
	v45 =	vmul.f32 v30, v29  }
0xe2: {  	v59 =	vmovc v42;
	v42 =	vand.u32 $0x7FFFFFFF, v16;
	vm11 =	vlt.f32 v36, $0.0e+00;
	vm13 =	veq.f32 v32, $1.000000000e+00  }
0xe3: {  	v51 =	vmovc v37;
	v44 =	vadd.f32 $1.000000000e+00, v36;
	v37 =	vfloor.f32 v43;
	v32 =	vsel vm13, $0x0, v32  }
0xe4: {  	v47 =	vfloor.f32 v45;
	v43 =	vand.u32 $0x80000000, v23;
	v37 =	vsub.f32 v24, v37  }
0xe5: {  	v54 =	vmovc v38;
	v36 =	vsel vm11, v44, v36;
	v32 =	vand.u32 $0x7FFFFFFF, v32;
	v38 =	vsub.f32 v30, v47  }
0xe6: {  	v44 =	vand.u32 $0x7FFFFFFF, v12;
	v32 =	vor.u32 v46, v32;
	vm11 =	veq.f32 v37, $1.000000000e+00  }
0xe7: {  	v45 =	vadd.f32 $1.000000000e+00, v32;
	v37 =	vsel vm11, $0x0, v37;
	vm11 =	veq.f32 v38, $1.000000000e+00  }
0xe8: {  	vm13 =	vlt.f32 v32, $0.0e+00;
	v37 =	vand.u32 $0x7FFFFFFF, v37;
	v38 =	vsel vm11, $0x0, v38  }
0xe9: {  	v32 =	vsel vm13, v45, v32;
	vm13 =	veq.f32 v39, $1.000000000e+00;
	v45 =	vmul.f32 v44, v29  }
0xea: {  	v37 =	vor.u32 v48, v37;
	v38 =	vand.u32 $0x7FFFFFFF, v38;
	v39 =	vsel vm13, $0x0, v39  }
0xeb: {  	v48 =	vmul.f32 v42, v29;
	v46 =	vadd.f32 $1.000000000e+00, v37;
	vm11 =	vlt.f32 v37, $0.0e+00  }
0xec: {  	v38 =	vor.u32 v43, v38;
	v39 =	vand.u32 $0x7FFFFFFF, v39;
	v45 =	vfloor.f32 v45  }
0xed: {  	v58 =	vmovc v41;
	v47 =	vadd.f32 $1.000000000e+00, v38;
	v41 =	vfloor.f32 v48;
	v39 =	vor.u32 v49, v39  }
0xee: {  	v45 =	vsub.f32 v44, v45;
	v37 =	vsel vm11, v46, v37;
	v46 =	vand.u32 $0x7FFFFFFF, v10  }
0xef: {  	vm11 =	vlt.f32 v38, $0.0e+00;
	v41 =	vsub.f32 v42, v41;
	v48 =	vmul.f32 v46, v29  }
0xf0: {  	v49 =	vand.u32 $0x80000000, v16;
	v38 =	vsel vm11, v47, v38;
	v47 =	vadd.f32 $1.000000000e+00, v39  }
0xf1: {  	vm11 =	vlt.f32 v39, $0.0e+00;
	vm13 =	veq.f32 v41, $1.000000000e+00;
	v43 =	vfloor.f32 v48  }
0xf2: {  	v39 =	vsel vm11, v47, v39;
	v41 =	vsel vm13, $0x0, v41;
	vm11 =	veq.f32 v45, $1.000000000e+00  }
0xf3: {  	v43 =	vsub.f32 v46, v43;
	v41 =	vand.u32 $0x7FFFFFFF, v41;
	v45 =	vsel vm11, $0x0, v45  }
0xf4: {  	v48 =	vand.u32 $0x80000000, v12;
	v41 =	vor.u32 v49, v41;
	v45 =	vand.u32 $0x7FFFFFFF, v45  }
0xf5: {  	v49 =	vand.u32 $0x80000000, v10;
	vm11 =	veq.f32 v43, $1.000000000e+00;
	v47 =	vadd.f32 $1.000000000e+00, v41  }
0xf6: {  	v45 =	vor.u32 v48, v45;
	v43 =	vsel vm11, $0x0, v43;
	vm11 =	vlt.f32 v41, $0.0e+00  }
0xf7: {  	v43 =	vand.u32 $0x7FFFFFFF, v43;
	v41 =	vsel vm11, v47, v41;
	v47 =	vadd.f32 $1.000000000e+00, v45  }
0xf8: {  	vm11 =	vlt.f32 v45, $0.0e+00;
	v43 =	vor.u32 v49, v43;
	v49 =	vmul.f32 v27, v9  }
0xf9: {  	v9 =	vmax.f32 v9, $1.000000010e-01;
	v48 =	vadd.f32 $1.000000000e+00, v43;
	vm13 =	vlt.f32 v43, $0.0e+00  }
0xfa: {  	v45 =	vsel vm11, v47, v45;
	vm11 =	vcmask $0x2330;
	v9 =	vmin.f32 v9, $3.041592600e+00  }
0xfb: {  	v47 =	vmul.f32 v27, v14;
	v14 =	vmax.f32 v14, $1.000000010e-01;
	v33 =	vsel vm9, v33, v49  }
0xfc: {  	vm9 =	vcmask $0x1B10;
	v14 =	vmin.f32 v14, $3.041592600e+00;
	v43 =	vsel vm13, v48, v43  }
0xfd: {  	v48 =	vmul.f32 v27, v11;
	v9 =	vsel vm7, v9, v33;
	v11 =	vmax.f32 v11, $1.000000010e-01  }
0xfe: {  	vm13 =	vcmask $0x1F14;
	v11 =	vmin.f32 v11, $3.041592600e+00;
	v9 =	vsel vm6, v18, v9  }
0xff: {  	v18 =	vsel vm9, v31, v47;
	vm9 =	vcmask $0x1730;
	v49 =	vsel vm13, v34, v48  }
0x100: {  	vm13 =	vmmov vm5;
	vm5 =	vmmov vm8;
	vm8 =	vmmov vm15  }
0x101: {  	vm15 =	vmmov vm0;
	v14 =	vsel vm0, v14, v18;
	v18 =	vmul.f32 v27, v17  }
0x102: {  	v48 =	vmax.f32 v30, $1.000000010e-01;
	v14 =	vsel vm12, v15, v14;
	v15 =	vmax.f32 v17, $1.000000010e-01  }
0x103: {  	v15 =	vmin.f32 v15, $3.041592600e+00;
	v17 =	vsel vm7, v35, v18;
	v18 =	vmul.f32 v27, v21  }
0x104: {  	v15 =	vsel vm6, v15, v17;
	v17 =	vmax.f32 v19, $1.000000010e-01;
	v19 =	vmax.f32 v21, $1.000000010e-01  }
0x105: {  	v21 =	vmul.f32 v27, v26;
	v19 =	vmin.f32 v19, $3.041592600e+00;
	v18 =	vsel vm8, v36, v18  }
0x106: {  	v11 =	vsel vm8, v11, v49;
	v15 =	vsel vm11, v15, v17;
	v17 =	vsel vm10, v19, v18  }
0x107: {  	v18 =	vmax.f32 v26, $1.000000010e-01;
	v19 =	vsel vm0, v32, v21;
	vm0 =	vcmask $0x1F2C  }
0x108: {  	v11 =	vsel vm10, v28, v11;
	v18 =	vmin.f32 v18, $3.041592600e+00;
	v17 =	vsel vm0, v17, v20  }
0x109: {  	v33 =	vld [tilespmem:$0x1FDF0];
	v20 =	vmax.f32 v22, $1.000000010e-01;
	v18 =	vsel vm12, v18, v19;
	v19 =	vmul.f32 v27, v22  }
0x10a: {  	v31 =	vld [tilespmem:$0x1FDD0];
	v21 =	vmax.f32 v25, $1.000000010e-01;
	vm0 =	vcmask $0x132C;
	v20 =	vmin.f32 v20, $3.041592600e+00  }
0x10b: {  	v30 =	vld [tilespmem:$0x1FDB0];
	v18 =	vsel vm14, v18, v21;
	v21 =	vmul.f32 v27, v23;
	v19 =	vsel vm6, v37, v19  }
0x10c: {  	v28 =	vld [tilespmem:$0x1FD80];
	v22 =	vmax.f32 v23, $1.000000010e-01;
	v19 =	vsel vm9, v19, v20;
	v20 =	vmax.f32 v24, $1.000000010e-01  }
0x10d: {  	v26 =	vld [tilespmem:$0x1FD60];
	v19 =	vsel vm4, v19, v20;
	v20 =	vsel vm10, v38, v21;
	v21 =	vmin.f32 v22, $3.041592600e+00  }
0x10e: {  	[tilespmem:v2+s21+$0x0] =	vst.idx.msk $0xffff, v9;
	v32 =	vld [tilespmem:$0x1FDE0];
	v49 =	vsel vm0, v20, v21;
	vm0 =	vcmask $0x1320  }
0x10f: {  	[tilespmem:v0+s21+$0x0] =	vst.idx.msk $0xffff, v11;
	v25 =	vld [tilespmem:$0x1FDA0];
	v0 =	vsel vm0, v49, v48;
	v48 =	vmax.f32 v13, $1.000000010e-01  }
0x110: {  	[tilespmem:v63+s21+$0x0] =	vst.idx.msk $0xffff, v14;
	v9 =	vmin.f32 v48, $3.041592600e+00;
	v48 =	vld [tilespmem:$0x1FF10]  }
0x111: {  	[tilespmem:v62+s21+$0x0] =	vst.idx.msk $0xffff, v15;
	v15 =	vld [tilespmem:$0x1FFB0];
	v20 =	vmul.f32 v27, v13  }
0x112: {  	v47 =	vmax.f32 v40, $1.000000010e-01;
	v63 =	vmax.f32 v16, $1.000000010e-01;
	[tilespmem:v61+s21+$0x0] =	vst.idx.msk $0xffff, v17;
	v17 =	vld [tilespmem:$0x1FFC0]  }
0x113: {  	[tilespmem:v1+s21+$0x0] =	vst.idx.msk $0xffff, v18;
	v18 =	vld [tilespmem:$0x1FD20];
	v13 =	vmul.f32 v27, v16;
	vm0 =	vcmask $0xF28;
	v49 =	vsel vm12, v39, v20  }
0x114: {  	v11 =	vmin.f32 v63, $3.041592600e+00;
	v61 =	vmax.f32 v12, $1.000000010e-01;
	v24 =	vld [tilespmem:$0x1FD90];
	v9 =	vsel vm0, v49, v9  }
0x115: {  	v22 =	vld [tilespmem:$0x1FD70];
	v2 =	vsel vm1, v9, v47;
	v47 =	vsel vm6, v13, v41;
	vm0 =	vnez.u8 v48  }
0x116: {  	v1 =	vsel vm0, v47, v11;
	v11 =	vmin.f32 v61, $3.041592600e+00;
	v61 =	vld [tilespmem:$0x1FF30]  }
0x117: {  	v14 =	vmul.f32 v27, v12;
	v21 =	vld [tilespmem:$0x1FD50]  }
0x118: {  	v12 =	vmul.f32 v27, v10;
	[tilespmem:v3+s21+$0x0] =	vst.idx.msk $0xffff, v19;
	v19 =	vld [tilespmem:$0x1FD30]  }
0x119: {  	p0 =	sne.s32 s28, $0x70;
	v62 =	vmax.f32 v42, $1.000000010e-01;
	v16 =	vld [tilespmem:$0x1FFD0];
	v49 =	vsel vm10, v14, v45;
	v45 =	vmax.f32 v10, $1.000000010e-01  }
.Ltmp0:
0x11a: {  	v40 =	vmovc v52;
	v27 =	vld [tilespmem:$0x1FDC0];
	[tilespmem:v4+s21+$0x0] =	vst.idx.msk $0xffff, v0;
	v3 =	vmin.f32 v45, $3.041592600e+00;
	v48 =	vmax.f32 v44, $1.000000010e-01;
	v47 =	vsel vm12, v12, v43;
	(pc) =	sbr.rel @p0 .LBB2_2-.Ltmp0, $4  }
0x11b: {  	v20 =	vld [tilespmem:$0x1FD40];
	[tilespmem:v5+s21+$0x0] =	vst.idx.msk $0xffff, v2;
	v63 =	vsel vm3, v1, v62;
	v11 =	vsel vm2, v49, v11;
	vm0 =	vnez.u8 v61  }
0x11c: {  	v14 =	vld [tilespmem:$0x1FFA0];
	v62 =	vmax.f32 v46, $1.000000010e-01;
	[tilespmem:v6+s21+$0x0] =	vst.idx.msk $0xffff, v63;
	v49 =	vsel vm13, v11, v48;
	v1 =	vsel vm0, v47, v3  }
0x11d: {  	v34 =	vmovc v60;
	v35 =	vmov v53;
	v36 =	vmov v55;
	v13 =	vld [tilespmem:$0x1FF90];
	[tilespmem:v7+s21+$0x0] =	vst.idx.msk $0xffff, v49;
	v63 =	vsel vm5, v1, v62  }
0x11e: {  	s28 =	sadd.s32 $0x10, s28;
	v42 =	vmovc v59;
	v37 =	vmovc v51;
	v38 =	vmov v54;
	v39 =	vmov v50;
	v41 =	vmov v58;
	v12 =	vld [tilespmem:$0x1FF80];
	[tilespmem:v8+s21+$0x0] =	vst.idx.msk $0xffff, v63  }
0x11f: {  	s28 =	simm.s32 $0x0  }
0x120: {  	[hbm4b:s7+s28] =	stream.linear.scatter [tilespmem:s21], [sflag:$0x3], $0x4000, $0x38;
	[tilespmem:$0x10100] =	vst v63  }
0x121: {  	_ = 	snop  }
0x122: {  	[tilespmem:s28], [sflag:$0x1] =	stream.linear.gather [hbm4b:s8+s28], $0x4000, $0x38;
	[tilespmem:$0x10100] =	vst v63  }
0x123: {  	vm0 =	vcmask $0x1F2C;
	vm4 =	vmmov vm13;
	_ =	swait.ge [sflag:s22], $0x4000  }
0x124: {  	vm13 =	vcmask $0x1B28;
	vm9 =	vmmov vm15;
	vm14 =	vcmask $0xF1C;
	[sflag:s22] =	ssyncset.done $0x0  }
0x125: {  	vm15 =	vmmov vm8;
	vm8 =	vmmov vm5;
	vm5 =	vmmov vm4;
	v56 =	vld [tilespmem:$0x1FD10];
	[sflag:s22] =	ssyncadd.s32 $0xFFFFC000  }
.LBB2_4:
0x126: {  	v0 =	vmov s28  }
0x127: {  	v0 =	vshll.u32 v0, $0x7  }
0x128: {  	v8 =	vor.u32 v12, v0  }
0x129: {  	v62 =	vor.u32 v14, v8;
	_ =	sdelay $0x1  }
0x12a: {  	v63 =	vor.u32 v13, v8  }
0x12b: {  	v2 =	vld [tilespmem:$0x1FCA0];
	_ =	sdelay $0x1  }
0x12c: {  	v3 =	vld.idx.msk [tilespmem:v62+s19+$0x0], $0xffff  }
0x12d: {  	v5 =	vor.u32 v16, v8  }
0x12e: {  	v6 =	vor.u32 v15, v8;
	v44 =	vld.idx.msk [tilespmem:v63+s19+$0x0], $0xffff  }
0x12f: {  	v46 =	vld [tilespmem:$0x1FCB0];
	v2 =	vor.u32 v2, v8  }
0x130: {  	v47 =	vld [tilespmem:$0x1FCC0];
	v1 =	vor.u32 v17, v8  }
0x131: {  	v48 =	vld [tilespmem:$0x1FCD0];
	v45 =	vmul.f32 v3, v26  }
0x132: {  	v7 =	vld.idx.msk [tilespmem:v5+s19+$0x0], $0xffff  }
0x133: {  	v4 =	vld.idx.msk [tilespmem:v6+s19+$0x0], $0xffff;
	v0 =	vmul.f32 v44, v21;
	v21 =	vadd.f32 v45, v18  }
0x134: {  	v12 =	vld.idx.msk [tilespmem:v2+s19+$0x0], $0xffff  }
0x135: {  	v9 =	vld.idx.msk [tilespmem:v1+s19+$0x0], $0xffff;
	v14 =	vmul.f32 v21, v21  }
0x136: {  	v3 =	vor.u32 v46, v8;
	v23 =	vadd.f32 v0, v56  }
0x137: {  	v7 =	vmul.f32 v7, v34;
	v34 =	vsel vm0, $0x0, v14;
	v14 =	vld [tilespmem:$0x1FCE0]  }
0x138: {  	v11 =	vmul.f32 v4, v33;
	v4 =	vor.u32 v47, v8;
	v10 =	vmul.f32 v23, v23  }
0x139: {  	v12 =	vmul.f32 v12, v36;
	v36 =	vld [tilespmem:$0x1FCF0];
	v0 =	vor.u32 v48, v8  }
0x13a: {  	v49 =	vmul.f32 v9, v35;
	v10 =	vsel vm11, $0x0, v10  }
0x13b: {  	v26 =	vadd.f32 v11, v19;
	v33 =	vld.idx.msk [tilespmem:v3+s19+$0x0], $0xffff;
	v10 =	vadd.f32 $1.000000000e-30, v10  }
0x13c: {  	v61 =	vor.u32 v14, v8;
	v14 =	vadd.f32 v49, v22;
	v22 =	vadd.f32 v12, v24;
	v12 =	vld [tilespmem:$0x1FD00]  }
0x13d: {  	v13 =	vadd.f32 v7, v20;
	v15 =	vmul.f32 v26, v26;
	v17 =	vld.idx.msk [tilespmem:v4+s19+$0x0], $0xffff  }
0x13e: {  	vm1 =	vcmask $0x1724;
	v7 =	vor.u32 v36, v8;
	v18 =	vld.idx.msk [tilespmem:v0+s19+$0x0], $0xffff;
	v10 =	vadd.f32 v34, v10  }
0x13f: {  	vm4 =	vmmov vm3;
	v35 =	vmul.f32 v13, v13;
	v15 =	vsel vm13, $0x0, v15  }
0x140: {  	vm3 =	vcmask $0x1320;
	v9 =	vmul.f32 v33, v37;
	v10 =	vadd.f32 v15, v10  }
0x141: {  	v11 =	vsel vm1, $0x0, v35;
	v15 =	vmul.f32 v14, v14;
	v8 =	vor.u32 v12, v8  }
0x142: {  	v38 =	vmul.f32 v17, v38;
	v16 =	vadd.f32 v9, v25;
	v10 =	vadd.f32 v11, v10;
	v12 =	vld.idx.msk [tilespmem:v61+s19+$0x0], $0xffff  }
0x143: {  	v39 =	vmul.f32 v18, v39;
	v18 =	vld.idx.msk [tilespmem:v7+s19+$0x0], $0xffff;
	v37 =	vsel vm3, $0x0, v15;
	v15 =	vmul.f32 v22, v22  }
0x144: {  	v10 =	vadd.f32 v37, v10  }
0x145: {  	v17 =	vadd.f32 v38, v27;
	v19 =	vmul.f32 v16, v16;
	v15 =	vsel vm14, $0x0, v15  }
0x146: {  	v11 =	vadd.f32 v39, v28;
	v43 =	vadd.f32 v15, v10;
	v15 =	vld.idx.msk [tilespmem:v8+s19+$0x0], $0xffff  }
0x147: {  	v44 =	vsel vm4, $0x0, v19;
	v19 =	vmul.f32 v17, v17;
	v12 =	vmul.f32 v12, v40  }
0x148: {  	v18 =	vmul.f32 v18, v41;
	v9 =	vadd.f32 v44, v43  }
0x149: {  	v45 =	vmul.f32 v11, v11;
	v19 =	vsel vm5, $0x0, v19;
	v12 =	vadd.f32 v12, v30  }
0x14a: {  	v10 =	vadd.f32 v18, v31;
	v9 =	vadd.f32 v19, v9  }
0x14b: {  	v19 =	vsel vm8, $0x0, v45;
	v20 =	vmul.f32 v12, v12;
	v15 =	vmul.f32 v15, v42  }
0x14c: {  	v18 =	vadd.f32 v19, v9  }
0x14d: {  	v19 =	vnsel vm6, $0x0, v20;
	v20 =	vmul.f32 v10, v10;
	v9 =	vadd.f32 v15, v32  }
0x14e: {  	v15 =	vadd.f32 v19, v18  }
0x14f: {  	v18 =	vnsel vm10, $0x0, v20;
	v19 =	vmul.f32 v9, v9  }
0x150: {  	v15 =	vadd.f32 v18, v15  }
0x151: {  	v18 =	vnsel vm12, $0x0, v19  }
0x152: {  	v15 =	vadd.f32 v18, v15;
	_ =	sdelay $0x1  }
0x153: {  	v18 =	vshrl.u32 v15, $0x1;
	v19 =	vmul.f32 $5.000000000e-01, v15  }
0x154: {  	v18 =	vsub.s32 $0x5F3759DF, v18  }
0x155: {  	v20 =	vmul.f32 v18, v19;
	_ =	sdelay $0x1  }
0x156: {  	v20 =	vmul.f32 v18, v20;
	_ =	sdelay $0x1  }
0x157: {  	v20 =	vsub.f32 $1.500000000e+00, v20;
	_ =	sdelay $0x1  }
0x158: {  	v18 =	vmul.f32 v18, v20;
	_ =	sdelay $0x1  }
0x159: {  	v20 =	vmul.f32 v18, v19;
	_ =	sdelay $0x1  }
0x15a: {  	v20 =	vmul.f32 v20, v18;
	_ =	sdelay $0x1  }
0x15b: {  	v20 =	vsub.f32 $1.500000000e+00, v20;
	_ =	sdelay $0x1  }
0x15c: {  	v18 =	vmul.f32 v20, v18;
	_ =	sdelay $0x1  }
0x15d: {  	v19 =	vmul.f32 v18, v19;
	_ =	sdelay $0x1  }
0x15e: {  	v19 =	vmul.f32 v19, v18;
	_ =	sdelay $0x1  }
0x15f: {  	v19 =	vsub.f32 $1.500000000e+00, v19;
	_ =	sdelay $0x1  }
0x160: {  	v18 =	vmul.f32 v19, v18;
	_ =	sdelay $0x1  }
0x161: {  	v15 =	vmul.f32 v18, v15;
	_ =	sdelay $0x1  }
0x162: {  	v15 =	vadd.f32 $9.999999930e-09, v15;
	_ =	sdelay $0x1  }
0x163: {  	(erf) = vrcp.f32 v15;
	_ =	sdelay $0x1  }
0x164: {  	v18 =	vand.u32 $0x7FFFFFFF, v23  }
0x165: {  	v19 =	vmul.f32 v18, v29  }
0x166: {  	v28 =	vand.u32 $0x7FFFFFFF, v21  }
0x167: {  	vm0 =	vcmask $0x1F2C;
	v20 =	vmul.f32 v28, v29;
	v19 =	vfloor.f32 v19  }
0x168: {  	vm3 =	vmmov vm14;
	vm14 =	vcmask $0x2318;
	v19 =	vsub.f32 v18, v19  }
0x169: {  	v31 =	vand.u32 $0x80000000, v21;
	v20 =	vfloor.f32 v20;
	v15 =	vmax.f32 v15, $9.999999770e-03  }
0x16a: {  	v24 =	vmin.f32 v15, $6.283185480e+00;
	v15 =	vand.u32 $0x7FFFFFFF, v26;
	vm11 =	veq.f32 v19, $1.000000000e+00  }
0x16b: {  	v20 =	vsub.f32 v28, v20;
	v30 =	vmul.f32 v15, v29;
	v19 =	vsel vm11, $0x0, v19;
	v25 =	vpop (erf)  }
0x16c: {  	v19 =	vand.u32 $0x7FFFFFFF, v19;
	v27 =	vmul.f32 v24, v25;
	v24 =	vand.u32 $0x80000000, v23  }
0x16d: {  	vm11 =	veq.f32 v20, $1.000000000e+00;
	v24 =	vor.u32 v24, v19;
	v19 =	vfloor.f32 v30  }
0x16e: {  	v42 =	vand.u32 $0x80000000, v14;
	v20 =	vsel vm11, $0x0, v20;
	v25 =	vsub.f32 v15, v19  }
0x16f: {  	v20 =	vand.u32 $0x7FFFFFFF, v20;
	v30 =	vadd.f32 $1.000000000e+00, v24;
	v19 =	vand.u32 $0x7FFFFFFF, v13  }
0x170: {  	vm13 =	vlt.f32 v24, $0.0e+00;
	v46 =	vmul.f32 v19, v29;
	vm11 =	veq.f32 v25, $1.000000000e+00  }
0x171: {  	v33 =	vsel vm13, v30, v24;
	v24 =	vor.u32 v31, v20;
	v31 =	vand.u32 $0x80000000, v26  }
0x172: {  	v20 =	vsel vm11, $0x0, v25;
	v30 =	vfloor.f32 v46;
	vm11 =	vlt.f32 v24, $0.0e+00  }
0x173: {  	v25 =	vand.u32 $0x7FFFFFFF, v20;
	v20 =	vand.u32 $0x7FFFFFFF, v14;
	v30 =	vsub.f32 v19, v30  }
0x174: {  	v48 =	vadd.f32 $1.000000000e+00, v24;
	v47 =	vmul.f32 v20, v29;
	v25 =	vor.u32 v31, v25  }
0x175: {  	v46 =	vand.u32 $0x80000000, v22;
	v31 =	vadd.f32 $1.000000000e+00, v25;
	vm13 =	veq.f32 v30, $1.000000000e+00  }
0x176: {  	v32 =	vfloor.f32 v47;
	v30 =	vsel vm13, $0x0, v30;
	vm13 =	vlt.f32 v25, $0.0e+00  }
0x177: {  	v34 =	vsel vm11, v48, v24;
	v32 =	vsub.f32 v20, v32;
	v31 =	vsel vm13, v31, v25  }
0x178: {  	v24 =	vand.u32 $0x7FFFFFFF, v30;
	v30 =	vand.u32 $0x80000000, v13;
	v25 =	vand.u32 $0x7FFFFFFF, v22  }
0x179: {  	v30 =	vor.u32 v30, v24;
	v49 =	vmul.f32 v25, v29;
	vm11 =	veq.f32 v32, $1.000000000e+00  }
0x17a: {  	v48 =	vand.u32 $0x80000000, v16;
	v40 =	vadd.f32 $1.000000000e+00, v30;
	v24 =	vsel vm11, $0x0, v32  }
0x17b: {  	vm11 =	vlt.f32 v30, $0.0e+00;
	v32 =	vfloor.f32 v49;
	v41 =	vand.u32 $0x7FFFFFFF, v24  }
0x17c: {  	v24 =	vand.u32 $0x7FFFFFFF, v16;
	v32 =	vsub.f32 v25, v32;
	v35 =	vsel vm11, v40, v30  }
0x17d: {  	v30 =	vand.u32 $0x7FFFFFFF, v17;
	v40 =	vand.u32 $0x7FFFFFFF, v11;
	v43 =	vmul.f32 v24, v29  }
0x17e: {  	v36 =	vor.u32 v42, v41;
	v45 =	vmul.f32 v30, v29;
	v49 =	vmul.f32 v40, v29  }
0x17f: {  	v42 =	vand.u32 $0x7FFFFFFF, v12;
	vm11 =	vlt.f32 v36, $0.0e+00;
	vm13 =	veq.f32 v32, $1.000000000e+00  }
0x180: {  	v44 =	vadd.f32 $1.000000000e+00, v36;
	v37 =	vfloor.f32 v43;
	v32 =	vsel vm13, $0x0, v32  }
0x181: {  	v47 =	vfloor.f32 v45;
	v43 =	vand.u32 $0x80000000, v17;
	v39 =	vfloor.f32 v49  }
0x182: {  	v49 =	vand.u32 $0x80000000, v11;
	v37 =	vsub.f32 v24, v37;
	v36 =	vsel vm11, v44, v36  }
0x183: {  	v32 =	vand.u32 $0x7FFFFFFF, v32;
	v38 =	vsub.f32 v30, v47;
	v39 =	vsub.f32 v40, v39  }
0x184: {  	v44 =	vand.u32 $0x7FFFFFFF, v10;
	v32 =	vor.u32 v46, v32;
	vm11 =	veq.f32 v37, $1.000000000e+00  }
0x185: {  	v45 =	vadd.f32 $1.000000000e+00, v32;
	v37 =	vsel vm11, $0x0, v37;
	vm11 =	veq.f32 v38, $1.000000000e+00  }
0x186: {  	vm13 =	vlt.f32 v32, $0.0e+00;
	v37 =	vand.u32 $0x7FFFFFFF, v37;
	v38 =	vsel vm11, $0x0, v38  }
0x187: {  	v32 =	vsel vm13, v45, v32;
	vm13 =	veq.f32 v39, $1.000000000e+00;
	v45 =	vmul.f32 v44, v29  }
0x188: {  	v37 =	vor.u32 v48, v37;
	v38 =	vand.u32 $0x7FFFFFFF, v38;
	v39 =	vsel vm13, $0x0, v39  }
0x189: {  	v48 =	vmul.f32 v42, v29;
	v46 =	vadd.f32 $1.000000000e+00, v37;
	vm11 =	vlt.f32 v37, $0.0e+00  }
0x18a: {  	v38 =	vor.u32 v43, v38;
	v39 =	vand.u32 $0x7FFFFFFF, v39;
	v45 =	vfloor.f32 v45  }
0x18b: {  	v47 =	vadd.f32 $1.000000000e+00, v38;
	v37 =	vsel vm11, v46, v37;
	v46 =	vand.u32 $0x7FFFFFFF, v9  }
0x18c: {  	v41 =	vfloor.f32 v48;
	v39 =	vor.u32 v49, v39;
	v48 =	vmul.f32 v46, v29  }
0x18d: {  	v45 =	vsub.f32 v44, v45;
	vm11 =	vlt.f32 v38, $0.0e+00;
	v41 =	vsub.f32 v42, v41  }
0x18e: {  	v38 =	vsel vm11, v47, v38;
	v47 =	vadd.f32 $1.000000000e+00, v39;
	v43 =	vfloor.f32 v48  }
0x18f: {  	v28 =	vmax.f32 v28, $1.000000010e-01;
	vm11 =	vlt.f32 v39, $0.0e+00;
	v43 =	vsub.f32 v46, v43  }
0x190: {  	vm13 =	veq.f32 v41, $1.000000000e+00;
	v39 =	vsel vm11, v47, v39;
	vm11 =	veq.f32 v45, $1.000000000e+00  }
0x191: {  	v41 =	vsel vm13, $0x0, v41;
	v45 =	vsel vm11, $0x0, v45;
	vm11 =	veq.f32 v43, $1.000000000e+00  }
0x192: {  	v49 =	vand.u32 $0x80000000, v12;
	v41 =	vand.u32 $0x7FFFFFFF, v41;
	v43 =	vsel vm11, $0x0, v43  }
0x193: {  	v41 =	vor.u32 v49, v41;
	v49 =	vand.u32 $0x80000000, v9;
	v43 =	vand.u32 $0x7FFFFFFF, v43  }
0x194: {  	v48 =	vand.u32 $0x80000000, v10;
	v45 =	vand.u32 $0x7FFFFFFF, v45;
	v43 =	vor.u32 v49, v43  }
0x195: {  	v18 =	vmax.f32 v18, $1.000000010e-01;
	v45 =	vor.u32 v48, v45;
	v48 =	vadd.f32 $1.000000000e+00, v43  }
0x196: {  	v15 =	vmax.f32 v15, $1.000000010e-01;
	v47 =	vadd.f32 $1.000000000e+00, v41;
	vm13 =	vlt.f32 v43, $0.0e+00  }
0x197: {  	v19 =	vmax.f32 v19, $1.000000010e-01;
	vm11 =	vlt.f32 v41, $0.0e+00;
	v43 =	vsel vm13, v48, v43;
	v48 =	vld [tilespmem:$0x1FFF0]  }
0x198: {  	v20 =	vmax.f32 v20, $1.000000010e-01;
	v41 =	vsel vm11, v47, v41;
	v47 =	vadd.f32 $1.000000000e+00, v45  }
0x199: {  	vm11 =	vlt.f32 v45, $0.0e+00;
	v49 =	vmul.f32 v27, v23;
	v23 =	vmax.f32 v23, $1.000000010e-01  }
0x19a: {  	v45 =	vsel vm11, v47, v45;
	v23 =	vmin.f32 v23, $3.041592600e+00;
	v47 =	vmul.f32 v27, v21  }
0x19b: {  	v21 =	vmax.f32 v21, $1.000000010e-01;
	vm11 =	vcmask $0x1F14;
	v33 =	vsel vm14, v33, v49  }
0x19c: {  	vm14 =	vmmov vm3;
	vm3 =	vcmask $0x1B10;
	vm7 =	vnez.u8 v48  }
0x19d: {  	v21 =	vmin.f32 v21, $3.041592600e+00;
	v49 =	vmul.f32 v27, v26;
	v23 =	vsel vm7, v23, v33  }
0x19e: {  	v48 =	vsel vm11, v34, v47;
	v18 =	vsel vm6, v18, v23;
	v23 =	vmax.f32 v26, $1.000000010e-01  }
0x19f: {  	vm11 =	vcmask $0x2330;
	v26 =	vsel vm3, v31, v49;
	v23 =	vmin.f32 v23, $3.041592600e+00  }
0x1a0: {  	v21 =	vsel vm15, v21, v48;
	v23 =	vsel vm9, v23, v26;
	v26 =	vmul.f32 v27, v13  }
0x1a1: {  	v21 =	vsel vm10, v28, v21;
	vm3 =	vcmask $0x1730;
	v13 =	vmax.f32 v13, $1.000000010e-01  }
0x1a2: {  	v15 =	vsel vm12, v15, v23;
	v23 =	vsel vm7, v35, v26;
	v26 =	vmul.f32 v27, v14  }
0x1a3: {  	v49 =	vmax.f32 v12, $1.000000010e-01;
	v13 =	vmin.f32 v13, $3.041592600e+00;
	v14 =	vmax.f32 v14, $1.000000010e-01  }
0x1a4: {  	v13 =	vsel vm6, v13, v23;
	v23 =	vsel vm15, v36, v26;
	v26 =	vmul.f32 v27, v22  }
0x1a5: {  	v14 =	vmin.f32 v14, $3.041592600e+00;
	v13 =	vsel vm11, v13, v19;
	v19 =	vmax.f32 v22, $1.000000010e-01  }
0x1a6: {  	v14 =	vsel vm10, v14, v23;
	v19 =	vmin.f32 v19, $3.041592600e+00;
	v22 =	vsel vm9, v32, v26  }
0x1a7: {  	v19 =	vsel vm12, v19, v22;
	v22 =	vmul.f32 v27, v16;
	v16 =	vmax.f32 v16, $1.000000010e-01  }
0x1a8: {  	[tilespmem:v63+s23+$0x0] =	vst.idx.msk $0xffff, v18;
	v18 =	vmax.f32 v30, $1.000000010e-01;
	v14 =	vsel vm0, v14, v20;
	v16 =	vmin.f32 v16, $3.041592600e+00  }
0x1a9: {  	v33 =	vld [tilespmem:$0x1FDF0];
	v20 =	vsel vm6, v37, v22;
	v22 =	vmul.f32 v27, v17;
	v17 =	vmax.f32 v17, $1.000000010e-01  }
0x1aa: {  	v31 =	vld [tilespmem:$0x1FDD0];
	v16 =	vsel vm3, v20, v16;
	v20 =	vmax.f32 v24, $1.000000010e-01;
	v17 =	vmin.f32 v17, $3.041592600e+00  }
0x1ab: {  	v28 =	vld [tilespmem:$0x1FD80];
	v16 =	vsel vm1, v16, v20;
	v20 =	vsel vm10, v38, v22;
	vm1 =	vcmask $0x132C  }
0x1ac: {  	v30 =	vld [tilespmem:$0x1FDB0];
	[tilespmem:v62+s23+$0x0] =	vst.idx.msk $0xffff, v21;
	v17 =	vsel vm1, v20, v17;
	v20 =	vmul.f32 v27, v11;
	vm1 =	vcmask $0x1320  }
0x1ad: {  	v21 =	vld [tilespmem:$0x1FD50];
	[tilespmem:v6+s23+$0x0] =	vst.idx.msk $0xffff, v15;
	v15 =	vmul.f32 v27, v12;
	v11 =	vmax.f32 v11, $1.000000010e-01;
	v17 =	vsel vm1, v17, v18  }
0x1ae: {  	v12 =	vld [tilespmem:$0x1FF80];
	v63 =	vmin.f32 v11, $3.041592600e+00;
	vm1 =	vcmask $0xF28;
	v47 =	vsel vm12, v39, v20  }
0x1af: {  	v48 =	vsel vm1, v47, v63;
	v47 =	vld [tilespmem:$0x1FF10]  }
0x1b0: {  	v23 =	vmax.f32 v25, $1.000000010e-01;
	v25 =	vld [tilespmem:$0x1FDA0]  }
0x1b1: {  	[tilespmem:v5+s23+$0x0] =	vst.idx.msk $0xffff, v13;
	v13 =	vld [tilespmem:$0x1FF90]  }
0x1b2: {  	vm13 =	vcmask $0x1B28;
	v62 =	vmul.f32 v27, v10;
	v6 =	vmin.f32 v49, $3.041592600e+00;
	v26 =	vld [tilespmem:$0x1FD60]  }
0x1b3: {  	v32 =	vld [tilespmem:$0x1FDE0];
	v19 =	vsel vm13, v19, v23;
	v18 =	vmax.f32 v40, $1.000000010e-01;
	v63 =	vsel vm6, v15, v41  }
0x1b4: {  	[tilespmem:v1+s23+$0x0] =	vst.idx.msk $0xffff, v14;
	v14 =	vld [tilespmem:$0x1FFA0];
	vm1 =	vmmov vm2;
	v1 =	vsel vm14, v48, v18;
	vm2 =	vnez.u8 v47  }
0x1b5: {  	[tilespmem:v2+s23+$0x0] =	vst.idx.msk $0xffff, v19;
	v19 =	vld [tilespmem:$0x1FD30];
	v48 =	vsel vm10, v62, v45;
	v62 =	vmax.f32 v42, $1.000000010e-01;
	v2 =	vsel vm2, v63, v6  }
0x1b6: {  	v2 =	vsel vm4, v2, v62;
	v62 =	vld [tilespmem:$0x1FF30]  }
0x1b7: {  	v24 =	vld [tilespmem:$0x1FD90]  }
0x1b8: {  	v34 =	vmovc v60;
	v49 =	vmax.f32 v10, $1.000000010e-01;
	vm7 =	vmmov vm15;
	vm15 =	vmmov vm9;
	v22 =	vld [tilespmem:$0x1FD70]  }
0x1b9: {  	p0 =	sne.s32 s28, $0x70;
	v35 =	vmovc v53;
	vm3 =	vmmov vm4;
	[tilespmem:v3+s23+$0x0] =	vst.idx.msk $0xffff, v16;
	v16 =	vld [tilespmem:$0x1FFD0];
	v47 =	vmax.f32 v9, $1.000000010e-01;
	v63 =	vmul.f32 v27, v9  }
.Ltmp1:
0x1ba: {  	v36 =	vmovc v55;
	v37 =	vmovc v51;
	v20 =	vld [tilespmem:$0x1FD40];
	[tilespmem:v4+s23+$0x0] =	vst.idx.msk $0xffff, v17;
	v6 =	vmin.f32 v49, $3.041592600e+00;
	v49 =	vmax.f32 v44, $1.000000010e-01;
	v4 =	vmin.f32 v47, $3.041592600e+00;
	(pc) =	sbr.rel @p0 .LBB2_4-.Ltmp1, $4  }
0x1bb: {  	v17 =	vld [tilespmem:$0x1FFC0];
	[tilespmem:v0+s23+$0x0] =	vst.idx.msk $0xffff, v1;
	v45 =	vsel vm1, v48, v6;
	v48 =	vsel vm12, v63, v43;
	vm9 =	vnez.u8 v62  }
0x1bc: {  	v15 =	vld [tilespmem:$0x1FFB0];
	[tilespmem:v61+s23+$0x0] =	vst.idx.msk $0xffff, v2;
	v1 =	vsel vm5, v45, v49;
	v63 =	vmax.f32 v46, $1.000000010e-01;
	v0 =	vsel vm9, v48, v4  }
0x1bd: {  	v38 =	vmovc v54;
	v40 =	vmov v52;
	v39 =	vmov v50;
	v18 =	vld [tilespmem:$0x1FD20];
	[tilespmem:v7+s23+$0x0] =	vst.idx.msk $0xffff, v1;
	v0 =	vsel vm8, v0, v63  }
0x1be: {  	s28 =	sadd.s32 $0x10, s28;
	v41 =	vmovc v58;
	v42 =	vmovc v59;
	vm2 =	vmmov vm1;
	v27 =	vld [tilespmem:$0x1FDC0];
	vm9 =	vmmov vm15;
	vm15 =	vmmov vm7;
	[tilespmem:v8+s23+$0x0] =	vst.idx.msk $0xffff, v0  }
0x1bf: {  	s28 =	simm.s32 $0x0  }
0x1c0: {  	[hbm4b:s9+s28] =	stream.linear.scatter [tilespmem:s23], [sflag:$0x4], $0x4000, $0x38;
	[tilespmem:$0x10100] =	vst v63  }
0x1c1: {  	_ = 	snop  }
0x1c2: {  	[tilespmem:s19], [sflag:$0x2] =	stream.linear.gather [hbm4b:s10+s28], $0x4000, $0x38;
	[tilespmem:$0x10100] =	vst v63  }
0x1c3: {  	_ =	swait.ge [sflag:s20], $0x4000  }
0x1c4: {  	[sflag:s20] =	ssyncset.done $0x0  }
0x1c5: {  	[sflag:s20] =	ssyncadd.s32 $0xFFFFC000  }
0x1c6: {  	_ =	swait.ge [sflag:s24], $0x4000  }
0x1c7: {  	v0 =	vld [tilespmem:$0x1FFF0];
	_ =	sdelay $0x3  }
0x1c8: {  	[sflag:s24] =	ssyncset.done $0x0  }
0x1c9: {  	[sflag:s24] =	ssyncadd.s32 $0xFFFFC000;
	vm7 =	vnez.u8 v0  }
.LBB2_6:
0x1ca: {  	v0 =	vmov s28  }
0x1cb: {  	v0 =	vshll.u32 v0, $0x7  }
0x1cc: {  	v8 =	vor.u32 v12, v0  }
0x1cd: {  	v62 =	vor.u32 v14, v8;
	_ =	sdelay $0x1  }
0x1ce: {  	v63 =	vor.u32 v13, v8;
	_ =	sdelay $0x1  }
0x1cf: {  	v2 =	vld [tilespmem:$0x1FCA0]  }
0x1d0: {  	v3 =	vld.idx.msk [tilespmem:v62+s3+$0x0], $0xffff;
	_ =	sdelay $0x1  }
0x1d1: {  	v6 =	vor.u32 v15, v8;
	v49 =	vld.idx.msk [tilespmem:v63+s3+$0x0], $0xffff  }
0x1d2: {  	v1 =	vor.u32 v17, v8  }
0x1d3: {  	v43 =	vld [tilespmem:$0x1FCB0];
	v2 =	vor.u32 v2, v8  }
0x1d4: {  	v44 =	vld [tilespmem:$0x1FCC0];
	v5 =	vor.u32 v16, v8;
	v61 =	vmul.f32 v3, v26  }
0x1d5: {  	v45 =	vld [tilespmem:$0x1FCD0]  }
0x1d6: {  	v4 =	vld.idx.msk [tilespmem:v6+s3+$0x0], $0xffff;
	v0 =	vmul.f32 v49, v21;
	v21 =	vadd.f32 v61, v18  }
0x1d7: {  	v9 =	vld.idx.msk [tilespmem:v1+s3+$0x0], $0xffff  }
0x1d8: {  	v12 =	vld.idx.msk [tilespmem:v2+s3+$0x0], $0xffff;
	v14 =	vmul.f32 v21, v21  }
0x1d9: {  	v7 =	vld.idx.msk [tilespmem:v5+s3+$0x0], $0xffff;
	v3 =	vor.u32 v43, v8;
	v23 =	vadd.f32 v0, v56  }
0x1da: {  	v48 =	vsel vm0, $0x0, v14;
	v14 =	vld [tilespmem:$0x1FCE0]  }
0x1db: {  	v11 =	vmul.f32 v4, v33;
	v4 =	vor.u32 v44, v8;
	v10 =	vmul.f32 v23, v23  }
0x1dc: {  	v33 =	vld [tilespmem:$0x1FCF0];
	v0 =	vor.u32 v45, v8  }
0x1dd: {  	v46 =	vmul.f32 v9, v35;
	v12 =	vmul.f32 v12, v36;
	v10 =	vsel vm11, $0x0, v10  }
0x1de: {  	v7 =	vmul.f32 v7, v34;
	v26 =	vadd.f32 v11, v19;
	v47 =	vld.idx.msk [tilespmem:v3+s3+$0x0], $0xffff;
	v10 =	vadd.f32 $1.000000000e-30, v10  }
0x1df: {  	v61 =	vor.u32 v14, v8;
	v14 =	vadd.f32 v46, v22;
	v22 =	vadd.f32 v12, v24;
	v12 =	vld [tilespmem:$0x1FD00]  }
0x1e0: {  	v13 =	vadd.f32 v7, v20;
	v15 =	vmul.f32 v26, v26;
	v17 =	vld.idx.msk [tilespmem:v4+s3+$0x0], $0xffff  }
0x1e1: {  	v7 =	vor.u32 v33, v8;
	v18 =	vld.idx.msk [tilespmem:v0+s3+$0x0], $0xffff;
	v10 =	vadd.f32 v48, v10  }
0x1e2: {  	vm2 =	vcmask $0x1724;
	v49 =	vmul.f32 v13, v13;
	v15 =	vsel vm13, $0x0, v15  }
0x1e3: {  	vm3 =	vcmask $0x1320;
	v9 =	vmul.f32 v47, v37;
	v10 =	vadd.f32 v15, v10  }
0x1e4: {  	v11 =	vsel vm2, $0x0, v49;
	v15 =	vmul.f32 v14, v14;
	v8 =	vor.u32 v12, v8  }
0x1e5: {  	v35 =	vmul.f32 v17, v38;
	v16 =	vadd.f32 v9, v25;
	v10 =	vadd.f32 v11, v10;
	v12 =	vld.idx.msk [tilespmem:v61+s3+$0x0], $0xffff  }
0x1e6: {  	v36 =	vmul.f32 v18, v39;
	v18 =	vld.idx.msk [tilespmem:v7+s3+$0x0], $0xffff;
	v34 =	vsel vm3, $0x0, v15;
	v15 =	vmul.f32 v22, v22  }
0x1e7: {  	v10 =	vadd.f32 v34, v10  }
0x1e8: {  	v17 =	vadd.f32 v35, v27;
	v19 =	vmul.f32 v16, v16;
	v15 =	vsel vm14, $0x0, v15  }
0x1e9: {  	v11 =	vadd.f32 v36, v28;
	v37 =	vadd.f32 v15, v10;
	v15 =	vld.idx.msk [tilespmem:v8+s3+$0x0], $0xffff  }
0x1ea: {  	v38 =	vsel vm4, $0x0, v19;
	v19 =	vmul.f32 v17, v17;
	v12 =	vmul.f32 v12, v40  }
0x1eb: {  	v18 =	vmul.f32 v18, v41;
	v9 =	vadd.f32 v38, v37  }
0x1ec: {  	v39 =	vmul.f32 v11, v11;
	v19 =	vsel vm5, $0x0, v19;
	v12 =	vadd.f32 v12, v30  }
0x1ed: {  	v10 =	vadd.f32 v18, v31;
	v9 =	vadd.f32 v19, v9  }
0x1ee: {  	v19 =	vsel vm8, $0x0, v39;
	v20 =	vmul.f32 v12, v12;
	v15 =	vmul.f32 v15, v42  }
0x1ef: {  	v18 =	vadd.f32 v19, v9  }
0x1f0: {  	v19 =	vnsel vm6, $0x0, v20;
	v20 =	vmul.f32 v10, v10;
	v9 =	vadd.f32 v15, v32  }
0x1f1: {  	v15 =	vadd.f32 v19, v18  }
0x1f2: {  	v18 =	vnsel vm10, $0x0, v20;
	v19 =	vmul.f32 v9, v9  }
0x1f3: {  	v15 =	vadd.f32 v18, v15  }
0x1f4: {  	v18 =	vnsel vm12, $0x0, v19  }
0x1f5: {  	v15 =	vadd.f32 v18, v15;
	_ =	sdelay $0x1  }
0x1f6: {  	v18 =	vshrl.u32 v15, $0x1;
	v19 =	vmul.f32 $5.000000000e-01, v15  }
0x1f7: {  	v18 =	vsub.s32 $0x5F3759DF, v18  }
0x1f8: {  	v20 =	vmul.f32 v18, v19;
	_ =	sdelay $0x1  }
0x1f9: {  	v20 =	vmul.f32 v18, v20;
	_ =	sdelay $0x1  }
0x1fa: {  	v20 =	vsub.f32 $1.500000000e+00, v20;
	_ =	sdelay $0x1  }
0x1fb: {  	v18 =	vmul.f32 v18, v20;
	_ =	sdelay $0x1  }
0x1fc: {  	v20 =	vmul.f32 v18, v19;
	_ =	sdelay $0x1  }
0x1fd: {  	v20 =	vmul.f32 v20, v18;
	_ =	sdelay $0x1  }
0x1fe: {  	v20 =	vsub.f32 $1.500000000e+00, v20;
	_ =	sdelay $0x1  }
0x1ff: {  	v18 =	vmul.f32 v20, v18;
	_ =	sdelay $0x1  }
0x200: {  	v19 =	vmul.f32 v18, v19;
	_ =	sdelay $0x1  }
0x201: {  	v19 =	vmul.f32 v19, v18;
	_ =	sdelay $0x1  }
0x202: {  	v19 =	vsub.f32 $1.500000000e+00, v19;
	_ =	sdelay $0x1  }
0x203: {  	v18 =	vmul.f32 v19, v18;
	_ =	sdelay $0x1  }
0x204: {  	v15 =	vmul.f32 v18, v15;
	_ =	sdelay $0x1  }
0x205: {  	v15 =	vadd.f32 $9.999999930e-09, v15;
	_ =	sdelay $0x1  }
0x206: {  	(erf) = vrcp.f32 v15;
	_ =	sdelay $0x1  }
0x207: {  	v28 =	vand.u32 $0x7FFFFFFF, v21;
	v18 =	vand.u32 $0x7FFFFFFF, v23  }
0x208: {  	v20 =	vmul.f32 v28, v29;
	v19 =	vmul.f32 v18, v29  }
0x209: {  	vm0 =	vcmask $0x1F2C;
	v46 =	vand.u32 $0x80000000, v14  }
0x20a: {  	vm3 =	vcmask $0x1B10;
	v20 =	vfloor.f32 v20;
	v19 =	vfloor.f32 v19  }
0x20b: {  	v31 =	vand.u32 $0x80000000, v21;
	v20 =	vsub.f32 v28, v20;
	v19 =	vsub.f32 v18, v19  }
0x20c: {  	v28 =	vmax.f32 v28, $1.000000010e-01;
	v15 =	vmax.f32 v15, $9.999999770e-03;
	v18 =	vmax.f32 v18, $1.000000010e-01  }
0x20d: {  	v24 =	vmin.f32 v15, $6.283185480e+00;
	v15 =	vand.u32 $0x7FFFFFFF, v26;
	vm11 =	veq.f32 v19, $1.000000000e+00  }
0x20e: {  	v30 =	vmul.f32 v15, v29;
	v19 =	vsel vm11, $0x0, v19;
	vm11 =	veq.f32 v20, $1.000000000e+00;
	v25 =	vpop (erf)  }
0x20f: {  	v19 =	vand.u32 $0x7FFFFFFF, v19;
	v27 =	vmul.f32 v24, v25;
	v24 =	vand.u32 $0x80000000, v23  }
0x210: {  	v20 =	vsel vm11, $0x0, v20;
	v24 =	vor.u32 v24, v19;
	v19 =	vfloor.f32 v30  }
0x211: {  	v20 =	vand.u32 $0x7FFFFFFF, v20;
	v25 =	vsub.f32 v15, v19;
	v30 =	vadd.f32 $1.000000000e+00, v24  }
0x212: {  	vm13 =	vlt.f32 v24, $0.0e+00;
	v19 =	vand.u32 $0x7FFFFFFF, v13;
	v15 =	vmax.f32 v15, $1.000000010e-01  }
0x213: {  	v40 =	vmul.f32 v19, v29;
	vm11 =	veq.f32 v25, $1.000000000e+00;
	v33 =	vsel vm13, v30, v24  }
0x214: {  	v24 =	vor.u32 v31, v20;
	v31 =	vand.u32 $0x80000000, v26;
	v20 =	vsel vm11, $0x0, v25  }
0x215: {  	v30 =	vfloor.f32 v40;
	vm11 =	vlt.f32 v24, $0.0e+00;
	v42 =	vadd.f32 $1.000000000e+00, v24  }
0x216: {  	v25 =	vand.u32 $0x7FFFFFFF, v20;
	v20 =	vand.u32 $0x7FFFFFFF, v14;
	v30 =	vsub.f32 v19, v30  }
0x217: {  	v40 =	vand.u32 $0x7FFFFFFF, v11;
	v41 =	vmul.f32 v20, v29;
	v25 =	vor.u32 v31, v25  }
0x218: {  	v19 =	vmax.f32 v19, $1.000000010e-01;
	v31 =	vadd.f32 $1.000000000e+00, v25;
	vm13 =	veq.f32 v30, $1.000000000e+00  }
0x219: {  	v32 =	vfloor.f32 v41;
	v30 =	vsel vm13, $0x0, v30;
	vm13 =	vlt.f32 v25, $0.0e+00  }
0x21a: {  	v34 =	vsel vm11, v42, v24;
	v32 =	vsub.f32 v20, v32;
	v31 =	vsel vm13, v31, v25  }
0x21b: {  	v24 =	vand.u32 $0x7FFFFFFF, v30;
	v30 =	vand.u32 $0x80000000, v13;
	v25 =	vand.u32 $0x7FFFFFFF, v22  }
0x21c: {  	v42 =	vand.u32 $0x80000000, v22;
	v30 =	vor.u32 v30, v24;
	v43 =	vmul.f32 v25, v29  }
0x21d: {  	v20 =	vmax.f32 v20, $1.000000010e-01;
	vm11 =	veq.f32 v32, $1.000000000e+00;
	v44 =	vadd.f32 $1.000000000e+00, v30  }
0x21e: {  	v24 =	vsel vm11, $0x0, v32;
	vm11 =	vlt.f32 v30, $0.0e+00;
	v32 =	vfloor.f32 v43  }
0x21f: {  	v45 =	vand.u32 $0x7FFFFFFF, v24;
	v24 =	vand.u32 $0x7FFFFFFF, v16;
	v32 =	vsub.f32 v25, v32  }
0x220: {  	v35 =	vsel vm11, v44, v30;
	v30 =	vand.u32 $0x7FFFFFFF, v17;
	v44 =	vand.u32 $0x80000000, v16  }
0x221: {  	v36 =	vor.u32 v46, v45;
	v47 =	vmul.f32 v24, v29;
	v49 =	vmul.f32 v30, v29  }
0x222: {  	v45 =	vmul.f32 v40, v29;
	vm11 =	vlt.f32 v36, $0.0e+00;
	vm13 =	veq.f32 v32, $1.000000000e+00  }
0x223: {  	v48 =	vadd.f32 $1.000000000e+00, v36;
	v37 =	vfloor.f32 v47;
	v32 =	vsel vm13, $0x0, v32  }
0x224: {  	v43 =	vfloor.f32 v49;
	v39 =	vfloor.f32 v45;
	v37 =	vsub.f32 v24, v37  }
0x225: {  	v36 =	vsel vm11, v48, v36;
	v32 =	vand.u32 $0x7FFFFFFF, v32;
	v38 =	vsub.f32 v30, v43  }
0x226: {  	v43 =	vand.u32 $0x80000000, v17;
	v39 =	vsub.f32 v40, v39;
	v32 =	vor.u32 v42, v32  }
0x227: {  	v42 =	vand.u32 $0x7FFFFFFF, v12;
	vm11 =	veq.f32 v37, $1.000000000e+00;
	v46 =	vadd.f32 $1.000000000e+00, v32  }
0x228: {  	v49 =	vmul.f32 v42, v29;
	v37 =	vsel vm11, $0x0, v37;
	vm11 =	veq.f32 v38, $1.000000000e+00  }
0x229: {  	vm13 =	vlt.f32 v32, $0.0e+00;
	v37 =	vand.u32 $0x7FFFFFFF, v37;
	v38 =	vsel vm11, $0x0, v38  }
0x22a: {  	v32 =	vsel vm13, v46, v32;
	vm13 =	veq.f32 v39, $1.000000000e+00;
	v41 =	vfloor.f32 v49  }
0x22b: {  	v46 =	vand.u32 $0x7FFFFFFF, v9;
	v37 =	vor.u32 v44, v37;
	v38 =	vand.u32 $0x7FFFFFFF, v38  }
0x22c: {  	v39 =	vsel vm13, $0x0, v39;
	v44 =	vand.u32 $0x7FFFFFFF, v10;
	v41 =	vsub.f32 v42, v41  }
0x22d: {  	v49 =	vmul.f32 v46, v29;
	v47 =	vadd.f32 $1.000000000e+00, v37;
	vm11 =	vlt.f32 v37, $0.0e+00  }
0x22e: {  	v38 =	vor.u32 v43, v38;
	v39 =	vand.u32 $0x7FFFFFFF, v39;
	v45 =	vmul.f32 v44, v29  }
0x22f: {  	v48 =	vadd.f32 $1.000000000e+00, v38;
	vm13 =	veq.f32 v41, $1.000000000e+00;
	v43 =	vfloor.f32 v49  }
0x230: {  	v49 =	vand.u32 $0x80000000, v9;
	v37 =	vsel vm11, v47, v37;
	vm11 =	vlt.f32 v38, $0.0e+00  }
0x231: {  	v45 =	vfloor.f32 v45;
	v38 =	vsel vm11, v48, v38;
	v48 =	vand.u32 $0x80000000, v11  }
0x232: {  	v41 =	vsel vm13, $0x0, v41;
	v45 =	vsub.f32 v44, v45;
	v39 =	vor.u32 v48, v39  }
0x233: {  	v41 =	vand.u32 $0x7FFFFFFF, v41;
	v48 =	vand.u32 $0x80000000, v12;
	v47 =	vadd.f32 $1.000000000e+00, v39  }
0x234: {  	v43 =	vsub.f32 v46, v43;
	vm11 =	vlt.f32 v39, $0.0e+00;
	v41 =	vor.u32 v48, v41  }
0x235: {  	v48 =	vand.u32 $0x80000000, v10;
	v39 =	vsel vm11, v47, v39;
	vm11 =	veq.f32 v45, $1.000000000e+00  }
0x236: {  	v47 =	vadd.f32 $1.000000000e+00, v41;
	v45 =	vsel vm11, $0x0, v45;
	vm11 =	veq.f32 v43, $1.000000000e+00  }
0x237: {  	v45 =	vand.u32 $0x7FFFFFFF, v45;
	v43 =	vsel vm11, $0x0, v43;
	vm11 =	vlt.f32 v41, $0.0e+00  }
0x238: {  	v43 =	vand.u32 $0x7FFFFFFF, v43;
	v45 =	vor.u32 v48, v45;
	v41 =	vsel vm11, v47, v41  }
0x239: {  	v43 =	vor.u32 v49, v43;
	v47 =	vadd.f32 $1.000000000e+00, v45;
	v49 =	vmul.f32 v27, v23  }
0x23a: {  	vm11 =	vlt.f32 v45, $0.0e+00;
	v23 =	vmax.f32 v23, $1.000000010e-01;
	v48 =	vadd.f32 $1.000000000e+00, v43  }
0x23b: {  	vm13 =	vlt.f32 v43, $0.0e+00;
	v45 =	vsel vm11, v47, v45;
	vm11 =	vcmask $0x2318  }
0x23c: {  	v23 =	vmin.f32 v23, $3.041592600e+00;
	v33 =	vsel vm11, v33, v49;
	v49 =	vmul.f32 v27, v21  }
0x23d: {  	v43 =	vsel vm13, v48, v43;
	v21 =	vmax.f32 v21, $1.000000010e-01;
	vm11 =	vcmask $0x1F14  }
0x23e: {  	v23 =	vsel vm7, v23, v33;
	v48 =	vsel vm11, v34, v49;
	v49 =	vmul.f32 v27, v26  }
0x23f: {  	v21 =	vmin.f32 v21, $3.041592600e+00;
	v18 =	vsel vm6, v18, v23;
	v23 =	vmax.f32 v26, $1.000000010e-01  }
0x240: {  	vm11 =	vcmask $0x2330;
	v23 =	vmin.f32 v23, $3.041592600e+00;
	v26 =	vsel vm3, v31, v49  }
0x241: {  	v21 =	vsel vm15, v21, v48;
	v23 =	vsel vm9, v23, v26;
	v26 =	vmul.f32 v27, v13  }
0x242: {  	[tilespmem:v63+s21+$0x0] =	vst.idx.msk $0xffff, v18;
	v18 =	vmax.f32 v30, $1.000000010e-01;
	v21 =	vsel vm10, v28, v21;
	v13 =	vmax.f32 v13, $1.000000010e-01  }
0x243: {  	v15 =	vsel vm12, v15, v23;
	v23 =	vsel vm7, v35, v26;
	v26 =	vmul.f32 v27, v14  }
0x244: {  	vm3 =	vcmask $0x1730;
	v13 =	vmin.f32 v13, $3.041592600e+00;
	v14 =	vmax.f32 v14, $1.000000010e-01  }
0x245: {  	v13 =	vsel vm6, v13, v23;
	v23 =	vsel vm15, v36, v26;
	v26 =	vmul.f32 v27, v22  }
0x246: {  	v14 =	vmin.f32 v14, $3.041592600e+00;
	v13 =	vsel vm11, v13, v19;
	v19 =	vmax.f32 v22, $1.000000010e-01  }
0x247: {  	v14 =	vsel vm10, v14, v23;
	v19 =	vmin.f32 v19, $3.041592600e+00;
	v22 =	vsel vm9, v32, v26  }
0x248: {  	v19 =	vsel vm12, v19, v22;
	v22 =	vmul.f32 v27, v16;
	v16 =	vmax.f32 v16, $1.000000010e-01  }
0x249: {  	v49 =	vmax.f32 v12, $1.000000010e-01;
	v14 =	vsel vm0, v14, v20;
	v16 =	vmin.f32 v16, $3.041592600e+00  }
0x24a: {  	v33 =	vld [tilespmem:$0x1FDF0];
	v20 =	vsel vm6, v37, v22;
	v22 =	vmul.f32 v27, v17;
	v17 =	vmax.f32 v17, $1.000000010e-01  }
0x24b: {  	v30 =	vld [tilespmem:$0x1FDB0];
	v16 =	vsel vm3, v20, v16;
	v20 =	vmax.f32 v24, $1.000000010e-01;
	v17 =	vmin.f32 v17, $3.041592600e+00  }
0x24c: {  	v31 =	vld [tilespmem:$0x1FDD0];
	v16 =	vsel vm2, v16, v20;
	v20 =	vsel vm10, v38, v22;
	vm2 =	vcmask $0x132C  }
0x24d: {  	v28 =	vld [tilespmem:$0x1FD80];
	[tilespmem:v62+s21+$0x0] =	vst.idx.msk $0xffff, v21;
	v17 =	vsel vm2, v20, v17;
	v20 =	vmul.f32 v27, v11;
	vm2 =	vcmask $0x1320  }
0x24e: {  	v21 =	vld [tilespmem:$0x1FD50];
	[tilespmem:v6+s21+$0x0] =	vst.idx.msk $0xffff, v15;
	v15 =	vmul.f32 v27, v12;
	v11 =	vmax.f32 v11, $1.000000010e-01;
	v17 =	vsel vm2, v17, v18  }
0x24f: {  	v12 =	vld [tilespmem:$0x1FF80];
	v63 =	vmin.f32 v11, $3.041592600e+00;
	vm2 =	vcmask $0xF28;
	v47 =	vsel vm12, v39, v20  }
0x250: {  	v48 =	vsel vm2, v47, v63;
	v47 =	vld [tilespmem:$0x1FF10]  }
0x251: {  	v23 =	vmax.f32 v25, $1.000000010e-01;
	v25 =	vld [tilespmem:$0x1FDA0]  }
0x252: {  	[tilespmem:v5+s21+$0x0] =	vst.idx.msk $0xffff, v13;
	v13 =	vld [tilespmem:$0x1FF90]  }
0x253: {  	vm13 =	vcmask $0x1B28;
	v62 =	vmul.f32 v27, v10;
	v26 =	vld [tilespmem:$0x1FD60]  }
0x254: {  	v6 =	vmin.f32 v49, $3.041592600e+00;
	v32 =	vld [tilespmem:$0x1FDE0];
	v19 =	vsel vm13, v19, v23;
	v18 =	vmax.f32 v40, $1.000000010e-01  }
0x255: {  	[tilespmem:v1+s21+$0x0] =	vst.idx.msk $0xffff, v14;
	v14 =	vld [tilespmem:$0x1FFA0];
	v63 =	vsel vm6, v15, v41;
	v1 =	vsel vm14, v48, v18;
	vm2 =	vnez.u8 v47  }
0x256: {  	[tilespmem:v2+s21+$0x0] =	vst.idx.msk $0xffff, v19;
	v19 =	vld [tilespmem:$0x1FD30];
	v48 =	vsel vm10, v62, v45;
	v62 =	vmax.f32 v42, $1.000000010e-01;
	v2 =	vsel vm2, v63, v6  }
0x257: {  	v2 =	vsel vm4, v2, v62;
	v62 =	vld [tilespmem:$0x1FF30]  }
0x258: {  	v24 =	vld [tilespmem:$0x1FD90]  }
0x259: {  	v22 =	vld [tilespmem:$0x1FD70]  }
0x25a: {  	p0 =	sne.s32 s28, $0x70;
	v49 =	vmax.f32 v10, $1.000000010e-01;
	[tilespmem:v3+s21+$0x0] =	vst.idx.msk $0xffff, v16;
	v16 =	vld [tilespmem:$0x1FFD0];
	v47 =	vmax.f32 v9, $1.000000010e-01;
	v63 =	vmul.f32 v27, v9  }
.Ltmp2:
0x25b: {  	v34 =	vmovc v60;
	v20 =	vld [tilespmem:$0x1FD40];
	[tilespmem:v4+s21+$0x0] =	vst.idx.msk $0xffff, v17;
	v6 =	vmin.f32 v49, $3.041592600e+00;
	v49 =	vmax.f32 v44, $1.000000010e-01;
	v4 =	vmin.f32 v47, $3.041592600e+00;
	(pc) =	sbr.rel @p0 .LBB2_6-.Ltmp2, $4  }
0x25c: {  	v17 =	vld [tilespmem:$0x1FFC0];
	[tilespmem:v0+s21+$0x0] =	vst.idx.msk $0xffff, v1;
	v45 =	vsel vm1, v48, v6;
	v48 =	vsel vm12, v63, v43;
	vm2 =	vnez.u8 v62  }
0x25d: {  	v15 =	vld [tilespmem:$0x1FFB0];
	[tilespmem:v61+s21+$0x0] =	vst.idx.msk $0xffff, v2;
	v1 =	vsel vm5, v45, v49;
	v63 =	vmax.f32 v46, $1.000000010e-01;
	v0 =	vsel vm2, v48, v4  }
0x25e: {  	v35 =	vmovc v53;
	v36 =	vmov v55;
	v37 =	vmov v51;
	v18 =	vld [tilespmem:$0x1FD20];
	[tilespmem:v7+s21+$0x0] =	vst.idx.msk $0xffff, v1;
	v0 =	vsel vm8, v0, v63  }
0x25f: {  	s28 =	sadd.s32 $0x10, s28;
	v38 =	vmovc v54;
	v40 =	vmovc v52;
	v39 =	vmov v50;
	v41 =	vmov v58;
	v42 =	vmov v59;
	v27 =	vld [tilespmem:$0x1FDC0];
	[tilespmem:v8+s21+$0x0] =	vst.idx.msk $0xffff, v0  }
0x260: {  	s28 =	simm.s32 $0x0  }
0x261: {  	[hbm4b:s11+s28] =	stream.linear.scatter [tilespmem:s21], [sflag:$0x3], $0x4000, $0x38;
	[tilespmem:$0x10100] =	vst v63  }
0x262: {  	_ =	swait.ge [sflag:s22], $0x4000  }
0x263: {  	[sflag:s22] =	ssyncset.done $0x0  }
0x264: {  	[sflag:s22] =	ssyncadd.s32 $0xFFFFC000  }
0x265: {  	_ =	swait.ge [sflag:s25], $0x4000  }
0x266: {  	[sflag:s25] =	ssyncset.done $0x0  }
0x267: {  	vm13 =	vmmov vm14;
	[sflag:s25] =	ssyncadd.s32 $0xFFFFC000  }
.LBB2_8:
0x268: {  	v0 =	vmov s28  }
0x269: {  	v0 =	vshll.u32 v0, $0x7  }
0x26a: {  	v8 =	vor.u32 v12, v0  }
0x26b: {  	v62 =	vor.u32 v14, v8;
	_ =	sdelay $0x1  }
0x26c: {  	v63 =	vor.u32 v13, v8;
	_ =	sdelay $0x1  }
0x26d: {  	v2 =	vld [tilespmem:$0x1FCA0]  }
0x26e: {  	v3 =	vld.idx.msk [tilespmem:v62+s19+$0x0], $0xffff;
	_ =	sdelay $0x1  }
0x26f: {  	v6 =	vor.u32 v15, v8;
	v49 =	vld.idx.msk [tilespmem:v63+s19+$0x0], $0xffff  }
0x270: {  	v1 =	vor.u32 v17, v8  }
0x271: {  	v43 =	vld [tilespmem:$0x1FCB0];
	v2 =	vor.u32 v2, v8  }
0x272: {  	v44 =	vld [tilespmem:$0x1FCC0];
	v5 =	vor.u32 v16, v8;
	v61 =	vmul.f32 v3, v26  }
0x273: {  	v45 =	vld [tilespmem:$0x1FCD0]  }
0x274: {  	v4 =	vld.idx.msk [tilespmem:v6+s19+$0x0], $0xffff;
	v0 =	vmul.f32 v49, v21;
	v21 =	vadd.f32 v61, v18  }
0x275: {  	v9 =	vld.idx.msk [tilespmem:v1+s19+$0x0], $0xffff  }
0x276: {  	v12 =	vld.idx.msk [tilespmem:v2+s19+$0x0], $0xffff;
	v14 =	vmul.f32 v21, v21  }
0x277: {  	vm0 =	vcmask $0x1F2C;
	v7 =	vld.idx.msk [tilespmem:v5+s19+$0x0], $0xffff;
	v3 =	vor.u32 v43, v8;
	v23 =	vadd.f32 v0, v56  }
0x278: {  	v48 =	vsel vm0, $0x0, v14;
	v14 =	vld [tilespmem:$0x1FCE0]  }
0x279: {  	v11 =	vmul.f32 v4, v33;
	v4 =	vor.u32 v44, v8;
	v10 =	vmul.f32 v23, v23  }
0x27a: {  	v33 =	vld [tilespmem:$0x1FCF0];
	v0 =	vor.u32 v45, v8  }
0x27b: {  	v46 =	vmul.f32 v9, v35;
	v12 =	vmul.f32 v12, v36;
	v10 =	vsel vm11, $0x0, v10  }
0x27c: {  	v7 =	vmul.f32 v7, v34;
	v26 =	vadd.f32 v11, v19;
	v47 =	vld.idx.msk [tilespmem:v3+s19+$0x0], $0xffff;
	v10 =	vadd.f32 $1.000000000e-30, v10  }
0x27d: {  	v61 =	vor.u32 v14, v8;
	v14 =	vadd.f32 v46, v22;
	v22 =	vadd.f32 v12, v24;
	v12 =	vld [tilespmem:$0x1FD00]  }
0x27e: {  	v13 =	vadd.f32 v7, v20;
	v15 =	vmul.f32 v26, v26;
	v17 =	vld.idx.msk [tilespmem:v4+s19+$0x0], $0xffff  }
0x27f: {  	v7 =	vor.u32 v33, v8;
	vm0 =	vcmask $0x1B28;
	v18 =	vld.idx.msk [tilespmem:v0+s19+$0x0], $0xffff;
	v10 =	vadd.f32 v48, v10  }
0x280: {  	vm2 =	vcmask $0x1724;
	v49 =	vmul.f32 v13, v13;
	v15 =	vsel vm0, $0x0, v15  }
0x281: {  	vm3 =	vcmask $0x1320;
	v9 =	vmul.f32 v47, v37;
	v10 =	vadd.f32 v15, v10  }
0x282: {  	v11 =	vsel vm2, $0x0, v49;
	v15 =	vmul.f32 v14, v14;
	v8 =	vor.u32 v12, v8  }
0x283: {  	v35 =	vmul.f32 v17, v38;
	v16 =	vadd.f32 v9, v25;
	v10 =	vadd.f32 v11, v10;
	v12 =	vld.idx.msk [tilespmem:v61+s19+$0x0], $0xffff  }
0x284: {  	v36 =	vmul.f32 v18, v39;
	v18 =	vld.idx.msk [tilespmem:v7+s19+$0x0], $0xffff;
	v34 =	vsel vm3, $0x0, v15;
	v15 =	vmul.f32 v22, v22  }
0x285: {  	v10 =	vadd.f32 v34, v10  }
0x286: {  	v17 =	vadd.f32 v35, v27;
	v19 =	vmul.f32 v16, v16;
	v15 =	vsel vm13, $0x0, v15  }
0x287: {  	v11 =	vadd.f32 v36, v28;
	v37 =	vadd.f32 v15, v10;
	v15 =	vld.idx.msk [tilespmem:v8+s19+$0x0], $0xffff  }
0x288: {  	v38 =	vsel vm4, $0x0, v19;
	v19 =	vmul.f32 v17, v17;
	v12 =	vmul.f32 v12, v40  }
0x289: {  	v18 =	vmul.f32 v18, v41;
	v9 =	vadd.f32 v38, v37  }
0x28a: {  	v39 =	vmul.f32 v11, v11;
	v19 =	vsel vm5, $0x0, v19;
	v12 =	vadd.f32 v12, v30  }
0x28b: {  	v10 =	vadd.f32 v18, v31;
	v9 =	vadd.f32 v19, v9  }
0x28c: {  	v19 =	vsel vm8, $0x0, v39;
	v20 =	vmul.f32 v12, v12;
	v15 =	vmul.f32 v15, v42  }
0x28d: {  	v18 =	vadd.f32 v19, v9  }
0x28e: {  	v19 =	vnsel vm6, $0x0, v20;
	v20 =	vmul.f32 v10, v10;
	v9 =	vadd.f32 v15, v32  }
0x28f: {  	v15 =	vadd.f32 v19, v18  }
0x290: {  	v18 =	vnsel vm10, $0x0, v20;
	v19 =	vmul.f32 v9, v9  }
0x291: {  	v15 =	vadd.f32 v18, v15  }
0x292: {  	v18 =	vnsel vm12, $0x0, v19  }
0x293: {  	v15 =	vadd.f32 v18, v15;
	_ =	sdelay $0x1  }
0x294: {  	v18 =	vshrl.u32 v15, $0x1;
	v19 =	vmul.f32 $5.000000000e-01, v15  }
0x295: {  	v18 =	vsub.s32 $0x5F3759DF, v18  }
0x296: {  	v20 =	vmul.f32 v18, v19;
	_ =	sdelay $0x1  }
0x297: {  	v20 =	vmul.f32 v18, v20;
	_ =	sdelay $0x1  }
0x298: {  	v20 =	vsub.f32 $1.500000000e+00, v20;
	_ =	sdelay $0x1  }
0x299: {  	v18 =	vmul.f32 v18, v20;
	_ =	sdelay $0x1  }
0x29a: {  	v20 =	vmul.f32 v18, v19;
	_ =	sdelay $0x1  }
0x29b: {  	v20 =	vmul.f32 v20, v18;
	_ =	sdelay $0x1  }
0x29c: {  	v20 =	vsub.f32 $1.500000000e+00, v20;
	_ =	sdelay $0x1  }
0x29d: {  	v18 =	vmul.f32 v20, v18;
	_ =	sdelay $0x1  }
0x29e: {  	v19 =	vmul.f32 v18, v19;
	_ =	sdelay $0x1  }
0x29f: {  	v19 =	vmul.f32 v19, v18;
	_ =	sdelay $0x1  }
0x2a0: {  	v19 =	vsub.f32 $1.500000000e+00, v19;
	_ =	sdelay $0x1  }
0x2a1: {  	v18 =	vmul.f32 v19, v18;
	_ =	sdelay $0x1  }
0x2a2: {  	v15 =	vmul.f32 v18, v15;
	_ =	sdelay $0x1  }
0x2a3: {  	v15 =	vadd.f32 $9.999999930e-09, v15;
	_ =	sdelay $0x1  }
0x2a4: {  	(erf) = vrcp.f32 v15;
	_ =	sdelay $0x1  }
0x2a5: {  	v28 =	vand.u32 $0x7FFFFFFF, v21;
	v18 =	vand.u32 $0x7FFFFFFF, v23  }
0x2a6: {  	vm14 =	vmmov vm5;
	v20 =	vmul.f32 v28, v29;
	v19 =	vmul.f32 v18, v29  }
0x2a7: {  	vm0 =	vcmask $0x2318;
	v46 =	vand.u32 $0x80000000, v14;
	vm5 =	vmmov vm8  }
0x2a8: {  	v31 =	vand.u32 $0x80000000, v21;
	v20 =	vfloor.f32 v20;
	v19 =	vfloor.f32 v19  }
0x2a9: {  	vm8 =	vmmov vm13;
	v20 =	vsub.f32 v28, v20;
	v19 =	vsub.f32 v18, v19  }
0x2aa: {  	v28 =	vmax.f32 v28, $1.000000010e-01;
	v15 =	vmax.f32 v15, $9.999999770e-03;
	v18 =	vmax.f32 v18, $1.000000010e-01  }
0x2ab: {  	v24 =	vmin.f32 v15, $6.283185480e+00;
	v15 =	vand.u32 $0x7FFFFFFF, v26;
	vm11 =	veq.f32 v19, $1.000000000e+00  }
0x2ac: {  	v30 =	vmul.f32 v15, v29;
	v19 =	vsel vm11, $0x0, v19;
	vm11 =	veq.f32 v20, $1.000000000e+00;
	v25 =	vpop (erf)  }
0x2ad: {  	v19 =	vand.u32 $0x7FFFFFFF, v19;
	v27 =	vmul.f32 v24, v25;
	v24 =	vand.u32 $0x80000000, v23  }
0x2ae: {  	v20 =	vsel vm11, $0x0, v20;
	v24 =	vor.u32 v24, v19;
	v19 =	vfloor.f32 v30  }
0x2af: {  	v20 =	vand.u32 $0x7FFFFFFF, v20;
	v25 =	vsub.f32 v15, v19;
	v30 =	vadd.f32 $1.000000000e+00, v24  }
0x2b0: {  	vm13 =	vlt.f32 v24, $0.0e+00;
	v19 =	vand.u32 $0x7FFFFFFF, v13;
	v15 =	vmax.f32 v15, $1.000000010e-01  }
0x2b1: {  	v40 =	vmul.f32 v19, v29;
	vm11 =	veq.f32 v25, $1.000000000e+00;
	v33 =	vsel vm13, v30, v24  }
0x2b2: {  	v24 =	vor.u32 v31, v20;
	v31 =	vand.u32 $0x80000000, v26;
	v20 =	vsel vm11, $0x0, v25  }
0x2b3: {  	v30 =	vfloor.f32 v40;
	vm11 =	vlt.f32 v24, $0.0e+00;
	v42 =	vadd.f32 $1.000000000e+00, v24  }
0x2b4: {  	v25 =	vand.u32 $0x7FFFFFFF, v20;
	v20 =	vand.u32 $0x7FFFFFFF, v14;
	v30 =	vsub.f32 v19, v30  }
0x2b5: {  	v40 =	vand.u32 $0x7FFFFFFF, v11;
	v41 =	vmul.f32 v20, v29;
	v25 =	vor.u32 v31, v25  }
0x2b6: {  	v19 =	vmax.f32 v19, $1.000000010e-01;
	v31 =	vadd.f32 $1.000000000e+00, v25;
	vm13 =	veq.f32 v30, $1.000000000e+00  }
0x2b7: {  	v32 =	vfloor.f32 v41;
	v30 =	vsel vm13, $0x0, v30;
	vm13 =	vlt.f32 v25, $0.0e+00  }
0x2b8: {  	v34 =	vsel vm11, v42, v24;
	v32 =	vsub.f32 v20, v32;
	v31 =	vsel vm13, v31, v25  }
0x2b9: {  	v24 =	vand.u32 $0x7FFFFFFF, v30;
	v30 =	vand.u32 $0x80000000, v13;
	v25 =	vand.u32 $0x7FFFFFFF, v22  }
0x2ba: {  	v42 =	vand.u32 $0x80000000, v22;
	v30 =	vor.u32 v30, v24;
	v43 =	vmul.f32 v25, v29  }
0x2bb: {  	v20 =	vmax.f32 v20, $1.000000010e-01;
	vm11 =	veq.f32 v32, $1.000000000e+00;
	v44 =	vadd.f32 $1.000000000e+00, v30  }
0x2bc: {  	v24 =	vsel vm11, $0x0, v32;
	vm11 =	vlt.f32 v30, $0.0e+00;
	v32 =	vfloor.f32 v43  }
0x2bd: {  	v45 =	vand.u32 $0x7FFFFFFF, v24;
	v24 =	vand.u32 $0x7FFFFFFF, v16;
	v32 =	vsub.f32 v25, v32  }
0x2be: {  	v35 =	vsel vm11, v44, v30;
	v30 =	vand.u32 $0x7FFFFFFF, v17;
	v44 =	vand.u32 $0x80000000, v16  }
0x2bf: {  	v36 =	vor.u32 v46, v45;
	v47 =	vmul.f32 v24, v29;
	v49 =	vmul.f32 v30, v29  }
0x2c0: {  	v45 =	vmul.f32 v40, v29;
	vm11 =	vlt.f32 v36, $0.0e+00;
	vm13 =	veq.f32 v32, $1.000000000e+00  }
0x2c1: {  	v48 =	vadd.f32 $1.000000000e+00, v36;
	v37 =	vfloor.f32 v47;
	v32 =	vsel vm13, $0x0, v32  }
0x2c2: {  	v43 =	vfloor.f32 v49;
	v39 =	vfloor.f32 v45;
	v37 =	vsub.f32 v24, v37  }
0x2c3: {  	v36 =	vsel vm11, v48, v36;
	v32 =	vand.u32 $0x7FFFFFFF, v32;
	v38 =	vsub.f32 v30, v43  }
0x2c4: {  	v43 =	vand.u32 $0x80000000, v17;
	v39 =	vsub.f32 v40, v39;
	v32 =	vor.u32 v42, v32  }
0x2c5: {  	v42 =	vand.u32 $0x7FFFFFFF, v12;
	vm11 =	veq.f32 v37, $1.000000000e+00;
	v46 =	vadd.f32 $1.000000000e+00, v32  }
0x2c6: {  	v49 =	vmul.f32 v42, v29;
	v37 =	vsel vm11, $0x0, v37;
	vm11 =	veq.f32 v38, $1.000000000e+00  }
0x2c7: {  	vm13 =	vlt.f32 v32, $0.0e+00;
	v37 =	vand.u32 $0x7FFFFFFF, v37;
	v38 =	vsel vm11, $0x0, v38  }
0x2c8: {  	v32 =	vsel vm13, v46, v32;
	vm13 =	veq.f32 v39, $1.000000000e+00;
	v41 =	vfloor.f32 v49  }
0x2c9: {  	v46 =	vand.u32 $0x7FFFFFFF, v9;
	v37 =	vor.u32 v44, v37;
	v38 =	vand.u32 $0x7FFFFFFF, v38  }
0x2ca: {  	v39 =	vsel vm13, $0x0, v39;
	v44 =	vand.u32 $0x7FFFFFFF, v10;
	v41 =	vsub.f32 v42, v41  }
0x2cb: {  	v49 =	vmul.f32 v46, v29;
	v47 =	vadd.f32 $1.000000000e+00, v37;
	vm11 =	vlt.f32 v37, $0.0e+00  }
0x2cc: {  	v38 =	vor.u32 v43, v38;
	v39 =	vand.u32 $0x7FFFFFFF, v39;
	v45 =	vmul.f32 v44, v29  }
0x2cd: {  	v48 =	vadd.f32 $1.000000000e+00, v38;
	vm13 =	veq.f32 v41, $1.000000000e+00;
	v43 =	vfloor.f32 v49  }
0x2ce: {  	v49 =	vand.u32 $0x80000000, v9;
	v37 =	vsel vm11, v47, v37;
	vm11 =	vlt.f32 v38, $0.0e+00  }
0x2cf: {  	v45 =	vfloor.f32 v45;
	v38 =	vsel vm11, v48, v38;
	v48 =	vand.u32 $0x80000000, v11  }
0x2d0: {  	v41 =	vsel vm13, $0x0, v41;
	v45 =	vsub.f32 v44, v45;
	v39 =	vor.u32 v48, v39  }
0x2d1: {  	v41 =	vand.u32 $0x7FFFFFFF, v41;
	v48 =	vand.u32 $0x80000000, v12;
	v47 =	vadd.f32 $1.000000000e+00, v39  }
0x2d2: {  	v43 =	vsub.f32 v46, v43;
	vm11 =	vlt.f32 v39, $0.0e+00;
	v41 =	vor.u32 v48, v41  }
0x2d3: {  	v48 =	vand.u32 $0x80000000, v10;
	v39 =	vsel vm11, v47, v39;
	vm11 =	veq.f32 v45, $1.000000000e+00  }
0x2d4: {  	v47 =	vadd.f32 $1.000000000e+00, v41;
	v45 =	vsel vm11, $0x0, v45;
	vm11 =	veq.f32 v43, $1.000000000e+00  }
0x2d5: {  	v45 =	vand.u32 $0x7FFFFFFF, v45;
	v43 =	vsel vm11, $0x0, v43;
	vm11 =	vlt.f32 v41, $0.0e+00  }
0x2d6: {  	v43 =	vand.u32 $0x7FFFFFFF, v43;
	v45 =	vor.u32 v48, v45;
	v41 =	vsel vm11, v47, v41  }
0x2d7: {  	v43 =	vor.u32 v49, v43;
	v47 =	vadd.f32 $1.000000000e+00, v45;
	v49 =	vmul.f32 v27, v23  }
0x2d8: {  	vm11 =	vlt.f32 v45, $0.0e+00;
	v23 =	vmax.f32 v23, $1.000000010e-01;
	v48 =	vadd.f32 $1.000000000e+00, v43  }
0x2d9: {  	vm13 =	vlt.f32 v43, $0.0e+00;
	v23 =	vmin.f32 v23, $3.041592600e+00;
	v45 =	vsel vm11, v47, v45  }
0x2da: {  	vm11 =	vcmask $0x2330;
	v33 =	vsel vm0, v33, v49;
	v49 =	vmul.f32 v27, v21  }
0x2db: {  	v21 =	vmax.f32 v21, $1.000000010e-01;
	v43 =	vsel vm13, v48, v43;
	vm13 =	vcmask $0x1F14  }
0x2dc: {  	v23 =	vsel vm7, v23, v33;
	v48 =	vsel vm13, v34, v49;
	v49 =	vmul.f32 v27, v26  }
0x2dd: {  	vm0 =	vcmask $0x1B10;
	v18 =	vsel vm6, v18, v23;
	v23 =	vmax.f32 v26, $1.000000010e-01  }
0x2de: {  	v21 =	vmin.f32 v21, $3.041592600e+00;
	v23 =	vmin.f32 v23, $3.041592600e+00;
	v26 =	vsel vm0, v31, v49  }
0x2df: {  	v21 =	vsel vm15, v21, v48;
	v23 =	vsel vm9, v23, v26;
	v26 =	vmul.f32 v27, v13  }
0x2e0: {  	[tilespmem:v63+s23+$0x0] =	vst.idx.msk $0xffff, v18;
	v18 =	vmax.f32 v30, $1.000000010e-01;
	v21 =	vsel vm10, v28, v21;
	v13 =	vmax.f32 v13, $1.000000010e-01  }
0x2e1: {  	v15 =	vsel vm12, v15, v23;
	v23 =	vsel vm7, v35, v26;
	v26 =	vmul.f32 v27, v14  }
0x2e2: {  	vm0 =	vcmask $0x1F2C;
	v13 =	vmin.f32 v13, $3.041592600e+00;
	v14 =	vmax.f32 v14, $1.000000010e-01  }
0x2e3: {  	v13 =	vsel vm6, v13, v23;
	v14 =	vmin.f32 v14, $3.041592600e+00;
	v23 =	vsel vm15, v36, v26  }
0x2e4: {  	v26 =	vmul.f32 v27, v22;
	v13 =	vsel vm11, v13, v19;
	v19 =	vmax.f32 v22, $1.000000010e-01  }
0x2e5: {  	v14 =	vsel vm10, v14, v23;
	v19 =	vmin.f32 v19, $3.041592600e+00;
	v23 =	vmax.f32 v25, $1.000000010e-01  }
0x2e6: {  	v22 =	vsel vm9, v32, v26;
	v14 =	vsel vm0, v14, v20;
	vm0 =	vcmask $0x1B28  }
0x2e7: {  	v19 =	vsel vm12, v19, v22;
	v22 =	vmul.f32 v27, v16;
	v16 =	vmax.f32 v16, $1.000000010e-01  }
0x2e8: {  	v19 =	vsel vm0, v19, v23;
	v16 =	vmin.f32 v16, $3.041592600e+00;
	vm0 =	vcmask $0x1730  }
0x2e9: {  	v33 =	vld [tilespmem:$0x1FDF0];
	v20 =	vsel vm6, v37, v22;
	v22 =	vmul.f32 v27, v17;
	v17 =	vmax.f32 v17, $1.000000010e-01  }
0x2ea: {  	v30 =	vld [tilespmem:$0x1FDB0];
	v16 =	vsel vm0, v20, v16;
	v20 =	vmax.f32 v24, $1.000000010e-01;
	v17 =	vmin.f32 v17, $3.041592600e+00  }
0x2eb: {  	v31 =	vld [tilespmem:$0x1FDD0];
	vm0 =	vcmask $0x132C;
	v16 =	vsel vm2, v16, v20;
	v20 =	vsel vm10, v38, v22  }
0x2ec: {  	v28 =	vld [tilespmem:$0x1FD80];
	[tilespmem:v62+s23+$0x0] =	vst.idx.msk $0xffff, v21;
	v17 =	vsel vm0, v20, v17;
	v20 =	vmul.f32 v27, v11  }
0x2ed: {  	v49 =	vmax.f32 v12, $1.000000010e-01;
	v21 =	vld [tilespmem:$0x1FD50];
	[tilespmem:v6+s23+$0x0] =	vst.idx.msk $0xffff, v15;
	v15 =	vmul.f32 v27, v12;
	v11 =	vmax.f32 v11, $1.000000010e-01  }
0x2ee: {  	v12 =	vld [tilespmem:$0x1FF80];
	vm0 =	vcmask $0xF28;
	v63 =	vmin.f32 v11, $3.041592600e+00;
	v47 =	vsel vm12, v39, v20  }
0x2ef: {  	v48 =	vsel vm0, v47, v63;
	v47 =	vld [tilespmem:$0x1FF10]  }
0x2f0: {  	v25 =	vld [tilespmem:$0x1FDA0]  }
0x2f1: {  	[tilespmem:v5+s23+$0x0] =	vst.idx.msk $0xffff, v13;
	v13 =	vld [tilespmem:$0x1FF90]  }
0x2f2: {  	vm13 =	vmmov vm8;
	v62 =	vmul.f32 v27, v10;
	v26 =	vld [tilespmem:$0x1FD60]  }
0x2f3: {  	v6 =	vmin.f32 v49, $3.041592600e+00;
	v32 =	vld [tilespmem:$0x1FDE0];
	v17 =	vsel vm3, v17, v18;
	v18 =	vmax.f32 v40, $1.000000010e-01  }
0x2f4: {  	[tilespmem:v1+s23+$0x0] =	vst.idx.msk $0xffff, v14;
	v14 =	vld [tilespmem:$0x1FFA0];
	v63 =	vsel vm6, v15, v41;
	v1 =	vsel vm13, v48, v18;
	vm2 =	vnez.u8 v47  }
0x2f5: {  	[tilespmem:v2+s23+$0x0] =	vst.idx.msk $0xffff, v19;
	v19 =	vld [tilespmem:$0x1FD30];
	v48 =	vsel vm10, v62, v45;
	v62 =	vmax.f32 v42, $1.000000010e-01;
	v2 =	vsel vm2, v63, v6  }
0x2f6: {  	v2 =	vsel vm4, v2, v62;
	v62 =	vld [tilespmem:$0x1FF30]  }
0x2f7: {  	v24 =	vld [tilespmem:$0x1FD90]  }
0x2f8: {  	vm8 =	vmmov vm5;
	vm5 =	vmmov vm14;
	v22 =	vld [tilespmem:$0x1FD70]  }
0x2f9: {  	p0 =	sne.s32 s28, $0x70;
	v49 =	vmax.f32 v10, $1.000000010e-01;
	[tilespmem:v3+s23+$0x0] =	vst.idx.msk $0xffff, v16;
	v16 =	vld [tilespmem:$0x1FFD0];
	v47 =	vmax.f32 v9, $1.000000010e-01;
	v63 =	vmul.f32 v27, v9  }
.Ltmp3:
0x2fa: {  	v34 =	vmovc v60;
	v20 =	vld [tilespmem:$0x1FD40];
	[tilespmem:v4+s23+$0x0] =	vst.idx.msk $0xffff, v17;
	v6 =	vmin.f32 v49, $3.041592600e+00;
	v49 =	vmax.f32 v44, $1.000000010e-01;
	v4 =	vmin.f32 v47, $3.041592600e+00;
	(pc) =	sbr.rel @p0 .LBB2_8-.Ltmp3, $4  }
0x2fb: {  	v17 =	vld [tilespmem:$0x1FFC0];
	[tilespmem:v0+s23+$0x0] =	vst.idx.msk $0xffff, v1;
	v45 =	vsel vm1, v48, v6;
	v48 =	vsel vm12, v63, v43;
	vm0 =	vnez.u8 v62  }
0x2fc: {  	v15 =	vld [tilespmem:$0x1FFB0];
	[tilespmem:v61+s23+$0x0] =	vst.idx.msk $0xffff, v2;
	v1 =	vsel vm14, v45, v49;
	v63 =	vmax.f32 v46, $1.000000010e-01;
	v0 =	vsel vm0, v48, v4  }
0x2fd: {  	v35 =	vmovc v53;
	v36 =	vmov v55;
	v37 =	vmov v51;
	v18 =	vld [tilespmem:$0x1FD20];
	[tilespmem:v7+s23+$0x0] =	vst.idx.msk $0xffff, v1;
	v0 =	vsel vm8, v0, v63  }
0x2fe: {  	s28 =	sadd.s32 $0x10, s28;
	v38 =	vmovc v54;
	v40 =	vmovc v52;
	v39 =	vmov v50;
	v41 =	vmov v58;
	v42 =	vmov v59;
	v27 =	vld [tilespmem:$0x1FDC0];
	[tilespmem:v8+s23+$0x0] =	vst.idx.msk $0xffff, v0  }
0x2ff: {  	[hbm4b:s12+s3] =	stream.linear.scatter [tilespmem:s23], [sflag:$0x4], $0x4000, $0x38;
	[tilespmem:$0x10100] =	vst v63  }
0x300: {  	s26 =	sadd.s32 $0x1, s26  }
0x301: {  	_ =	swait.ge [sflag:s24], $0x4000;
	p0 =	sne.s32 s26, s13  }
.Ltmp4:
0x302: {  	[sflag:s24] =	ssyncset.done $0x0;
	(pc) =	sbr.rel @p0 .LBB2_1-.Ltmp4, $4  }
0x303: {  	[sflag:s24] =	ssyncadd.s32 $0xFFFFC000  }
0x304: {  	_ =	swait.ge [sflag:s25], $0x4000  }
0x305: {  	vm3 =	vmmov vm4;
	vm13 =	vmmov vm5;
	[sflag:s25] =	ssyncset.done $0x0  }
0x306: {  	vm5 =	vmmov vm8;
	vm8 =	vmmov vm15;
	vm15 =	vmmov vm9;
	v56 =	vld [tilespmem:$0x1FFE0];
	[sflag:s25] =	ssyncadd.s32 $0xFFFFC000  }
0x307: {  	_ =	sfence.sel $0x180000  }
0x308: {  	[bflag:$0x0] =	sbarrier.arrive $0xFFFF  }
0x309: {  	p0 =	sne.s32 s4, $0x0;
	_ =	strace $0x90000047  }
0x30a: {  	s0 =	sadd.s32 @!p0 $0x100000, s0;
	[bflag:$0x2] =	sbarrier.arrive $0xFFFF  }
0x30b: {  	[sflag:s0] =	ssyncadd.tile.s32 @!p0 $0x1;
	_ =	shalt  }
.Lfunc_end2:
_tile_overlayer_lowered:
.L_overlay_start_2:
0x30c: {  	(tag) =	ssettag $0x2  }
0x30d: {  	s0 =	rddreg [dreg:$0x0];
	s2 =	stileid.u32  }
0x30e: {  	s1 =	rddreg [dreg:$0x1];
	p0 =	sne.s32 s2, $0x0  }
0x30f: {  	s3 =	rddreg [dreg:$0x2];
	[bflag:$0x3] =	sbarrier.arrive $0xFFFF;
	s2 =	simm.s32 @!p0 $0x1C05  }
0x310: {  	[timem:s3], [sflag:s2] =	dma.local @!p0 [hbm:s0], s1  }
0x311: {  	s0 =	simm.s32 @!p0 $0x5  }
0x312: {  	_ =	swait.ge @!p0 [sflag:s0], s1  }
0x313: {  	s1 =	ssub.s32 @!p0 $0x0, s1;
	[sflag:s0] =	ssyncset.done @!p0 $0x0  }
0x314: {  	[sflag:s0] =	ssyncadd.s32 @!p0 s1  }
0x315: {  	[bflag:$0x3] =	sbarrier.arrive $0xFFFF  }
0x316: {  	_ =	shalt  }

</sc_bundles>
